<compile_context>
chip_gen: v7x
topology: tpu7x:2x2x1
jax: 0.10.2.dev20260603
libtpu: 0.0.44.dev20260713+nightly
codegen_flags: <defaults>
</compile_context>

<pallas_src>
import functools

import jax
import jax.numpy as jnp
from jax import lax
from jax.experimental import pallas as pl
from jax.experimental.pallas import tpu as pltpu
from jax.experimental.pallas import tpu_sc as plsc

N = 10000
E = 320000
D_IN = 128
H = 128
G = 64

NC = 2
NS = 16
NW = NC * NS
EPW = E // NW
CH = 40
NCH = EPW // CH
NPAD = 10240
RPT = NPAD // NS

R = 2000
NB = N // R


def _mesh():
    return plsc.VectorSubcoreMesh(
        core_axis_name="c", subcore_axis_name="s",
        num_cores=NC, num_subcores=NS)


def _deg_body(dst_hbm, out_hbm, idx_v, hist_v):
    c = lax.axis_index("c")
    s = lax.axis_index("s")
    w = c * NS + s
    zero16 = jnp.zeros((16,), jnp.float32)
    one16 = jnp.ones((16,), jnp.float32)

    def zbody(i, carry):
        hist_v[pl.ds(i * 16, 16)] = zero16
        return carry
    lax.fori_loop(0, N // 16, zbody, 0)

    pltpu.sync_copy(dst_hbm.at[pl.ds(w * EPW, EPW)], idx_v)

    def body(i, carry):
        idx = idx_v[pl.ds(i * 16, 16)]
        plsc.addupdate_scatter(hist_v, [idx], one16)
        return carry
    lax.fori_loop(0, EPW // 16, body, 0)

    pltpu.sync_copy(hist_v, out_hbm.at[w])


def _deg(dst):
    f = functools.partial(
        pl.kernel,
        out_type=jax.ShapeDtypeStruct((NW, N), jnp.float32),
        mesh=_mesh(),
        compiler_params=pltpu.CompilerParams(needs_layout_passes=False),
        scratch_types=[
            pltpu.VMEM((EPW,), jnp.int32),
            pltpu.VMEM((N,), jnp.float32),
        ],
    )(_deg_body)
    return f(dst)


NBUF = 7
NOUT = (NCH + NBUF - 1) // NBUF


def _agg_body(y_hbm, src_hbm, dst_hbm, out_hbm, sidx,
              d0, d1, d2, d3, d4, d5, d6,
              r0, r1, r2, r3, r4, r5, r6, acc,
              i0, i1, i2, i3, i4, i5, i6,
              g0, g1, g2, g3, g4, g5, g6,
              s0, s1, s2, s3, s4, s5, s6):
    c = lax.axis_index("c")
    s = lax.axis_index("s")
    w = c * NS + s
    dbuf = (d0, d1, d2, d3, d4, d5, d6)
    rows = (r0, r1, r2, r3, r4, r5, r6)
    isem = (i0, i1, i2, i3, i4, i5, i6)
    gsem = (g0, g1, g2, g3, g4, g5, g6)
    ssem = (s0, s1, s2, s3, s4, s5, s6)
    zero16 = jnp.zeros((16,), jnp.float32)

    def zr(i, carry):
        def zc(j, carry2):
            r0[i, pl.ds(j * 16, 16)] = zero16
            return carry2
        return lax.fori_loop(0, H // 16, zc, carry)
    lax.fori_loop(0, CH, zr, 0)

    sidx_d = pltpu.async_copy(src_hbm.at[pl.ds(w * EPW, EPW)], sidx, i0)
    zdescs = [pltpu.async_copy(r0, acc.at[pl.ds(s * RPT + k * CH, CH)], g0)
              for k in range(RPT // CH)]
    for d in zdescs:
        d.wait()
    sidx_d.wait()
    plsc.subcore_barrier()

    def outer(g, carry):
        for b in range(NBUF):
            i = g * NBUF + b

            @pl.when(g > 0)
            def _(b=b):
                pltpu.make_async_copy(y_hbm.at[pl.ds(0, CH)], rows[b],
                                      ssem[b]).wait()

            @pl.when(i < NCH)
            def _(b=b, i=i):
                base = w * EPW + i * CH
                pltpu.async_copy(dst_hbm.at[pl.ds(base, CH)], dbuf[b],
                                 isem[b])
                pltpu.async_copy(y_hbm.at[sidx.at[pl.ds(i * CH, CH)]],
                                 rows[b], gsem[b])
        for b in range(NBUF):
            i = g * NBUF + b

            @pl.when(i < NCH)
            def _(b=b, i=i):
                pltpu.make_async_copy(y_hbm.at[pl.ds(0, CH)], rows[b],
                                      gsem[b]).wait()
                pltpu.make_async_copy(dst_hbm.at[pl.ds(0, CH)], dbuf[b],
                                      isem[b]).wait()
                pltpu.async_copy(rows[b], acc.at[dbuf[b]], ssem[b],
                                 add=True)
        return carry
    lax.fori_loop(0, NOUT, outer, 0)

    for b in range(NBUF):
        if (NOUT - 1) * NBUF + b < NCH:
            pltpu.make_async_copy(y_hbm.at[pl.ds(0, CH)], rows[b],
                                  ssem[b]).wait()

    plsc.subcore_barrier()
    pltpu.sync_copy(acc.at[pl.ds(s * RPT, RPT)],
                    out_hbm.at[pl.ds(c * NPAD + s * RPT, RPT)])


def _agg(y, src, dst):
    f = functools.partial(
        pl.kernel,
        out_type=jax.ShapeDtypeStruct((NC * NPAD, H), jnp.float32),
        mesh=_mesh(),
        compiler_params=pltpu.CompilerParams(needs_layout_passes=False),
        scratch_types=(
            [pltpu.VMEM((EPW,), jnp.int32)]
            + [pltpu.VMEM((CH,), jnp.int32) for _ in range(NBUF)]
            + [pltpu.VMEM((CH, H), jnp.float32) for _ in range(NBUF)]
            + [pltpu.VMEM_SHARED((NPAD, H), jnp.float32)]
            + [pltpu.SemaphoreType.DMA for _ in range(3 * NBUF)]
        ),
    )(_agg_body)
    return f(y, src, dst).reshape(NC, NPAD, H)


def _lin1_body(x_ref, w_ref, hist_ref, y_ref, dinv_ref):
    deg = 1.0 + jnp.sum(hist_ref[...], axis=1, keepdims=True)
    dinv = lax.rsqrt(deg)
    xw = jnp.dot(x_ref[...], w_ref[...],
                 preferred_element_type=jnp.float32)
    y_ref[...] = xw * dinv
    dinv_ref[...] = dinv


def _lin1(x, W1, hist):
    return pl.pallas_call(
        _lin1_body,
        grid=(NB,),
        in_specs=[
            pl.BlockSpec((R, H), lambda i: (i, 0)),
            pl.BlockSpec((H, H), lambda i: (0, 0)),
            pl.BlockSpec((R, NW), lambda i: (i, 0)),
        ],
        out_specs=[
            pl.BlockSpec((R, H), lambda i: (i, 0)),
            pl.BlockSpec((R, 1), lambda i: (i, 0)),
        ],
        out_shape=[
            jax.ShapeDtypeStruct((N, H), jnp.float32),
            jax.ShapeDtypeStruct((N, 1), jnp.float32),
        ],
    )(x, W1, hist)


def _lin2_body(p0_ref, p1_ref, y_ref, dinv_ref, b_ref, w_ref, y2_ref):
    dinv = dinv_ref[...]
    agg = p0_ref[0] + p1_ref[0] + y_ref[...]
    h = jnp.maximum(agg * dinv + b_ref[...], 0.0)
    y2_ref[...] = jnp.dot(h, w_ref[...],
                          preferred_element_type=jnp.float32) * dinv


def _lin2(parts, y, dinv, b, W2):
    return pl.pallas_call(
        _lin2_body,
        grid=(NB,),
        in_specs=[
            pl.BlockSpec((1, R, H), lambda i: (0, i, 0)),
            pl.BlockSpec((1, R, H), lambda i: (1, i, 0)),
            pl.BlockSpec((R, H), lambda i: (i, 0)),
            pl.BlockSpec((R, 1), lambda i: (i, 0)),
            pl.BlockSpec((1, H), lambda i: (0, 0)),
            pl.BlockSpec((H, H), lambda i: (0, 0)),
        ],
        out_specs=pl.BlockSpec((R, H), lambda i: (i, 0)),
        out_shape=jax.ShapeDtypeStruct((N, H), jnp.float32),
    )(parts, parts, y, dinv, b.reshape(1, H), W2)


def _pool_body(p0_ref, p1_ref, y_ref, dinv_ref, b_ref, bat_ref,
               out_ref, s_sum, s_cnt):
    i = pl.program_id(0)
    agg = p0_ref[0] + p1_ref[0] + y_ref[...]
    h = jnp.maximum(agg * dinv_ref[...] + b_ref[...], 0.0)
    gidx = lax.broadcasted_iota(jnp.int32, (R, G), 1)
    oh = (bat_ref[...] == gidx).astype(jnp.float32)
    part = lax.dot_general(oh, h, (((0,), (0,)), ((), ())),
                           preferred_element_type=jnp.float32)
    cnt = lax.dot_general(oh, jnp.ones((R, H), jnp.float32),
                          (((0,), (0,)), ((), ())),
                          preferred_element_type=jnp.float32)

    @pl.when(i == 0)
    def _():
        s_sum[...] = part
        s_cnt[...] = cnt

    @pl.when(i > 0)
    def _():
        s_sum[...] += part
        s_cnt[...] += cnt

    @pl.when(i == NB - 1)
    def _():
        out_ref[...] = s_sum[...] / jnp.maximum(s_cnt[...], 1.0)


def _pool(parts, y, dinv, b, bat_col):
    return pl.pallas_call(
        _pool_body,
        grid=(NB,),
        in_specs=[
            pl.BlockSpec((1, R, H), lambda i: (0, i, 0)),
            pl.BlockSpec((1, R, H), lambda i: (1, i, 0)),
            pl.BlockSpec((R, H), lambda i: (i, 0)),
            pl.BlockSpec((R, 1), lambda i: (i, 0)),
            pl.BlockSpec((1, H), lambda i: (0, 0)),
            pl.BlockSpec((R, 1), lambda i: (i, 0)),
        ],
        out_specs=pl.BlockSpec((G, H), lambda i: (0, 0)),
        out_shape=jax.ShapeDtypeStruct((G, H), jnp.float32),
        scratch_shapes=[
            pltpu.VMEM((G, H), jnp.float32),
            pltpu.VMEM((G, H), jnp.float32),
        ],
    )(parts, parts, y, dinv, b.reshape(1, H), bat_col)


@jax.jit
def kernel(x, edge_index, batch, W1, b1, W2, b2):
    src = edge_index[0]
    dst = edge_index[1]
    hist = _deg(dst)
    y1, dinv = _lin1(x, W1, hist.T)
    parts1 = _agg(y1, src, dst)
    y2 = _lin2(parts1, y1, dinv, b1, W2)
    parts2 = _agg(y2, src, dst)
    bat_col = batch.reshape(N, 1)
    return _pool(parts2, y2, dinv, b2, bat_col)

# --- scband reference (transcript-rebuilt; emitter-appended) ---
"""Pipeline reference for scband-graph-embedder-19490561589476 (READ-ONLY COPY).

The authoritative reference and input builder live on the scoring server;
editing this copy changes nothing except your own understanding.
"""

import jax, jax.numpy as jnp
import numpy as np

N = 10000
E = 320000
D_IN = 128
H = 128
G = 64


def gcn_conv(x, edge_index, W, b, num_nodes):
    # GCNConv with self-loops and symmetric normalization:
    # out = D^{-1/2} (A + I) D^{-1/2} X W + b
    src = edge_index[0]
    dst = edge_index[1]
    loop = jnp.arange(num_nodes, dtype=src.dtype)
    src = jnp.concatenate([src, loop])
    dst = jnp.concatenate([dst, loop])
    deg = jnp.zeros((num_nodes,), dtype=x.dtype).at[dst].add(1.0)
    dinv = jnp.where(deg > 0, 1.0 / jnp.sqrt(deg), 0.0)
    norm = dinv[src] * dinv[dst]
    xw = x @ W
    msg = xw[src] * norm[:, None]
    out = jnp.zeros((num_nodes, W.shape[1]), dtype=x.dtype).at[dst].add(msg)
    return out + b


def setup_inputs(seed: int = 0) -> dict:
    key = jax.random.key(seed)
    k1, k2, k3, k4, k5 = jax.random.split(key, 5)
    x = jax.random.normal(k1, (N, D_IN), dtype=jnp.float32)
    edge_index = jax.random.randint(k2, (2, E), 0, N, dtype=jnp.int32)
    batch = jnp.sort(jax.random.randint(k3, (N,), 0, G, dtype=jnp.int32))
    W1 = jax.random.normal(k4, (D_IN, H), dtype=jnp.float32) * (1.0 / np.sqrt(D_IN))
    b1 = jnp.zeros((H,), dtype=jnp.float32)
    W2 = jax.random.normal(k5, (H, H), dtype=jnp.float32) * (1.0 / np.sqrt(H))
    b2 = jnp.zeros((H,), dtype=jnp.float32)
    return {"x": x, "edge_index": edge_index, "batch": batch,
            "W1": W1, "b1": b1, "W2": W2, "b2": b2}


def reference(x, edge_index, batch, W1, b1, W2, b2):
    h = jax.nn.relu(gcn_conv(x, edge_index, W1, b1, N))
    h = jax.nn.relu(gcn_conv(h, edge_index, W2, b2, N))
    sums = jax.ops.segment_sum(h, batch, num_segments=G)
    counts = jax.ops.segment_sum(jnp.ones((N, 1), dtype=h.dtype), batch, num_segments=G)
    return sums / jnp.maximum(counts, 1.0)

if __name__ == "__main__":
    import jax
    _d = setup_inputs()
    print(jax.jit(kernel)(*tuple(_d.values())))

</pallas_src>

<mosaic_0001>
#map = affine_map<(d0, d1) -> (0)>
#map1 = affine_map<(d0, d1) -> (0, 0)>
module attributes {stable_mosaic.version = 14 : i64} {
  func.func @_deg_body(%arg0: i32, %arg1: i32, %arg2: memref<320000xi32, #tpu.memory_space<hbm>>, %arg3: memref<32x10000xf32, #tpu.memory_space<hbm>>, %arg4: memref<10000xi32, #tpu.memory_space<vmem>>, %arg5: memref<10000xf32, #tpu.memory_space<vmem>>) attributes {dimension_semantics = [#tpu.dimension_semantics<core_parallel>, #tpu.dimension_semantics<subcore_parallel>], iteration_bounds = array<i64: 2, 16>, scalar_prefetch = 0 : i64, scratch_operands = 2 : i64, tpu.core_type = #tpu.core_type<sc_vector_subcore>, window_params = [{transform_indices = #map}, {transform_indices = #map1}]} {
    %mul3A = arith.constant 16 : i32
    %mul3A_0 = arith.muli %arg0, %mul3A : i32
    %add3A = arith.addi %mul3A_0, %arg1 : i32
    %broadcast_in_dim3A = arith.constant 0.000000e+00 : f32
    %broadcast_in_dim3A_1 = vector.broadcast %broadcast_in_dim3A : f32 to vector<16xf32>
    %broadcast_in_dim3A_2 = arith.constant 1.000000e+00 : f32
    %broadcast_in_dim3A_3 = vector.broadcast %broadcast_in_dim3A_2 : f32 to vector<16xf32>
    %scan3A = arith.constant 0 : i32
    %scan3A_4 = arith.constant 0 : i32
    %scan3A_5 = arith.constant 625 : i32
    %scan3A_6 = arith.addi %scan3A_4, %scan3A_5 : i32
    %scan3A_7 = arith.constant 1 : i32
    scf.for %scan3A_17 = %scan3A_4 to %scan3A_6 step %scan3A_7  : i32 {
      %mul3A_18 = arith.constant 16 : i32
      %mul3A_19 = arith.muli %scan3A_17, %mul3A_18 : i32
      %swap3A = arith.index_cast %mul3A_19 : i32 to index
      %swap3A_20 = tpu.vector_load %arg5[%swap3A] {strides = array<i32>} : memref<10000xf32, #tpu.memory_space<vmem>>, vector<16xf32>,
      tpu.vector_store %arg5[%swap3A], %broadcast_in_dim3A_1 {strides = array<i32>} : memref<10000xf32, #tpu.memory_space<vmem>>, vector<16xf32>,
    }
    %scan3A_8 = arith.constant 625 : i32
    %mul3A_9 = arith.constant 10000 : i32
    %mul3A_10 = arith.muli %add3A, %mul3A_9 : i32
    "tpu.region"() ({
      %run_scoped3A = tpu.sem_alloc : memref<!tpu.dma_semaphore, #tpu.memory_space<semaphore_mem>>
      %dma_start3A = tpu.memref_slice %arg2[%mul3A_10] : memref<320000xi32, #tpu.memory_space<hbm>> -> memref<10000xi32, #tpu.memory_space<hbm>>
      %dma_start3A_17 = tpu.memref_slice %arg2[%mul3A_10] : memref<320000xi32, #tpu.memory_space<hbm>> -> memref<10000xi32, #tpu.memory_space<hbm>>
      tpu.enqueue_dma source(%dma_start3A_17 : memref<10000xi32, #tpu.memory_space<hbm>>) target(%arg4 : memref<10000xi32, #tpu.memory_space<vmem>>) target_semaphore(%run_scoped3A : memref<!tpu.dma_semaphore, #tpu.memory_space<semaphore_mem>>)
      %dma_wait3A = tpu.memref_slice %arg2[%mul3A_10] : memref<320000xi32, #tpu.memory_space<hbm>> -> memref<10000xi32, #tpu.memory_space<hbm>>
      %dma_wait3A_18 = tpu.memref_slice %arg2[%mul3A_10] : memref<320000xi32, #tpu.memory_space<hbm>> -> memref<10000xi32, #tpu.memory_space<hbm>>
      tpu.wait_dma2 semaphore(%run_scoped3A : memref<!tpu.dma_semaphore, #tpu.memory_space<semaphore_mem>>) src(%dma_wait3A_18 : memref<10000xi32, #tpu.memory_space<hbm>>) dst(%arg4 : memref<10000xi32, #tpu.memory_space<vmem>>)
      tpu.yield
    }) : () -> ()
    %scan3A_11 = arith.constant 0 : i32
    %scan3A_12 = arith.constant 0 : i32
    %scan3A_13 = arith.constant 625 : i32
    %scan3A_14 = arith.addi %scan3A_12, %scan3A_13 : i32
    %scan3A_15 = arith.constant 1 : i32
    scf.for %scan3A_17 = %scan3A_12 to %scan3A_14 step %scan3A_15  : i32 {
      %mul3A_18 = arith.constant 16 : i32
      %mul3A_19 = arith.muli %scan3A_17, %mul3A_18 : i32
      %get3A = arith.index_cast %mul3A_19 : i32 to index
      %get3A_20 = tpu.vector_load %arg4[%get3A] {strides = array<i32>} : memref<10000xi32, #tpu.memory_space<vmem>>, vector<16xi32>,
      tpu.vector_store_idx %arg5[%get3A_20], %broadcast_in_dim3A_3 {add = true} : memref<10000xf32, #tpu.memory_space<vmem>>[vector<16xi32>], vector<16xf32>,
    }
    %scan3A_16 = arith.constant 625 : i32
    "tpu.region"() ({
      %run_scoped3A = tpu.sem_alloc : memref<!tpu.dma_semaphore, #tpu.memory_space<semaphore_mem>>
      %dma_start3A = arith.constant 0 : i32
      %dma_start3A_17 = tpu.memref_slice %arg3[%add3A, %dma_start3A] : memref<32x10000xf32, #tpu.memory_space<hbm>> -> memref<1x10000xf32, #tpu.memory_space<hbm>>
      %dma_start3A_18 = tpu.memref_squeeze %dma_start3A_17 : memref<1x10000xf32, #tpu.memory_space<hbm>> -> memref<10000xf32, #tpu.memory_space<hbm>>
      %dma_start3A_19 = arith.constant 0 : i32
      %dma_start3A_20 = tpu.memref_slice %arg3[%add3A, %dma_start3A_19] : memref<32x10000xf32, #tpu.memory_space<hbm>> -> memref<1x10000xf32, #tpu.memory_space<hbm>>
      %dma_start3A_21 = tpu.memref_squeeze %dma_start3A_20 : memref<1x10000xf32, #tpu.memory_space<hbm>> -> memref<10000xf32, #tpu.memory_space<hbm>>
      tpu.enqueue_dma source(%arg5 : memref<10000xf32, #tpu.memory_space<vmem>>) target(%dma_start3A_21 : memref<10000xf32, #tpu.memory_space<hbm>>) target_semaphore(%run_scoped3A : memref<!tpu.dma_semaphore, #tpu.memory_space<semaphore_mem>>)
      %dma_wait3A = arith.constant 0 : i32
      %dma_wait3A_22 = tpu.memref_slice %arg3[%add3A, %dma_wait3A] : memref<32x10000xf32, #tpu.memory_space<hbm>> -> memref<1x10000xf32, #tpu.memory_space<hbm>>
      %dma_wait3A_23 = tpu.memref_squeeze %dma_wait3A_22 : memref<1x10000xf32, #tpu.memory_space<hbm>> -> memref<10000xf32, #tpu.memory_space<hbm>>
      %dma_wait3A_24 = arith.constant 0 : i32
      %dma_wait3A_25 = tpu.memref_slice %arg3[%add3A, %dma_wait3A_24] : memref<32x10000xf32, #tpu.memory_space<hbm>> -> memref<1x10000xf32, #tpu.memory_space<hbm>>
      %dma_wait3A_26 = tpu.memref_squeeze %dma_wait3A_25 : memref<1x10000xf32, #tpu.memory_space<hbm>> -> memref<10000xf32, #tpu.memory_space<hbm>>
      tpu.wait_dma2 semaphore(%run_scoped3A : memref<!tpu.dma_semaphore, #tpu.memory_space<semaphore_mem>>) src(%arg5 : memref<10000xf32, #tpu.memory_space<vmem>>) dst(%dma_wait3A_26 : memref<10000xf32, #tpu.memory_space<hbm>>)
      tpu.yield
    }) : () -> ()
    return
  }
}

#map = affine_map<(d0, d1) -> (0, 0)>
#map1 = affine_map<(d0, d1) -> (0)>
module attributes {stable_mosaic.version = 14 : i64} {
  func.func @_agg_body(%arg0: i32, %arg1: i32, %arg2: memref<10000x128xf32, #tpu.memory_space<hbm>>, %arg3: memref<320000xi32, #tpu.memory_space<hbm>>, %arg4: memref<320000xi32, #tpu.memory_space<hbm>>, %arg5: memref<20480x128xf32, #tpu.memory_space<hbm>>, %arg6: memref<10000xi32, #tpu.memory_space<vmem>>, %arg7: memref<40xi32, #tpu.memory_space<vmem>>, %arg8: memref<40xi32, #tpu.memory_space<vmem>>, %arg9: memref<40xi32, #tpu.memory_space<vmem>>, %arg10: memref<40xi32, #tpu.memory_space<vmem>>, %arg11: memref<40xi32, #tpu.memory_space<vmem>>, %arg12: memref<40xi32, #tpu.memory_space<vmem>>, %arg13: memref<40xi32, #tpu.memory_space<vmem>>, %arg14: memref<40x128xf32, #tpu.memory_space<vmem>>, %arg15: memref<40x128xf32, #tpu.memory_space<vmem>>, %arg16: memref<40x128xf32, #tpu.memory_space<vmem>>, %arg17: memref<40x128xf32, #tpu.memory_space<vmem>>, %arg18: memref<40x128xf32, #tpu.memory_space<vmem>>, %arg19: memref<40x128xf32, #tpu.memory_space<vmem>>, %arg20: memref<40x128xf32, #tpu.memory_space<vmem>>, %arg21: memref<10240x128xf32, #tpu.memory_space<vmem_shared>>, %arg22: memref<!tpu.dma_semaphore, #tpu.memory_space<semaphore_mem>>, %arg23: memref<!tpu.dma_semaphore, #tpu.memory_space<semaphore_mem>>, %arg24: memref<!tpu.dma_semaphore, #tpu.memory_space<semaphore_mem>>, %arg25: memref<!tpu.dma_semaphore, #tpu.memory_space<semaphore_mem>>, %arg26: memref<!tpu.dma_semaphore, #tpu.memory_space<semaphore_mem>>, %arg27: memref<!tpu.dma_semaphore, #tpu.memory_space<semaphore_mem>>, %arg28: memref<!tpu.dma_semaphore, #tpu.memory_space<semaphore_mem>>, %arg29: memref<!tpu.dma_semaphore, #tpu.memory_space<semaphore_mem>>, %arg30: memref<!tpu.dma_semaphore, #tpu.memory_space<semaphore_mem>>, %arg31: memref<!tpu.dma_semaphore, #tpu.memory_space<semaphore_mem>>, %arg32: memref<!tpu.dma_semaphore, #tpu.memory_space<semaphore_mem>>, %arg33: memref<!tpu.dma_semaphore, #tpu.memory_space<semaphore_mem>>, %arg34: memref<!tpu.dma_semaphore, #tpu.memory_space<semaphore_mem>>, %arg35: memref<!tpu.dma_semaphore, #tpu.memory_space<semaphore_mem>>, %arg36: memref<!tpu.dma_semaphore, #tpu.memory_space<semaphore_mem>>, %arg37: memref<!tpu.dma_semaphore, #tpu.memory_space<semaphore_mem>>, %arg38: memref<!tpu.dma_semaphore, #tpu.memory_space<semaphore_mem>>, %arg39: memref<!tpu.dma_semaphore, #tpu.memory_space<semaphore_mem>>, %arg40: memref<!tpu.dma_semaphore, #tpu.memory_space<semaphore_mem>>, %arg41: memref<!tpu.dma_semaphore, #tpu.memory_space<semaphore_mem>>, %arg42: memref<!tpu.dma_semaphore, #tpu.memory_space<semaphore_mem>>) attributes {dimension_semantics = [#tpu.dimension_semantics<core_parallel>, #tpu.dimension_semantics<subcore_parallel>], iteration_bounds = array<i64: 2, 16>, scalar_prefetch = 0 : i64, scratch_operands = 37 : i64, tpu.core_type = #tpu.core_type<sc_vector_subcore>, window_params = [{transform_indices = #map}, {transform_indices = #map1}, {transform_indices = #map1}, {transform_indices = #map}]} {
    %mul3A = arith.constant 16 : i32
    %mul3A_0 = arith.muli %arg0, %mul3A : i32
    %add3A = arith.addi %mul3A_0, %arg1 : i32
    %broadcast_in_dim3A = arith.constant 0.000000e+00 : f32
    %broadcast_in_dim3A_1 = vector.broadcast %broadcast_in_dim3A : f32 to vector<16xf32>
    %scan3A = arith.constant 0 : i32
    %scan3A_2 = arith.constant 0 : i32
    %scan3A_3 = arith.constant 40 : i32
    %scan3A_4 = arith.addi %scan3A_2, %scan3A_3 : i32
    %scan3A_5 = arith.constant 1 : i32
    scf.for %scan3A_247 = %scan3A_2 to %scan3A_4 step %scan3A_5  : i32 {
      %scan3A_248 = arith.constant 0 : i32
      %scan3A_249 = arith.constant 8 : i32
      %scan3A_250 = arith.addi %scan3A_248, %scan3A_249 : i32
      %scan3A_251 = arith.constant 1 : i32
      scf.for %scan3A_253 = %scan3A_248 to %scan3A_250 step %scan3A_251  : i32 {
        %mul3A_254 = arith.constant 16 : i32
        %mul3A_255 = arith.muli %scan3A_253, %mul3A_254 : i32
        %swap3A = arith.index_cast %scan3A_247 : i32 to index
        %swap3A_256 = arith.index_cast %mul3A_255 : i32 to index
        %swap3A_257 = tpu.vector_load %arg14[%swap3A, %swap3A_256] {strides = array<i32>} : memref<40x128xf32, #tpu.memory_space<vmem>>, vector<16xf32>,
        tpu.vector_store %arg14[%swap3A, %swap3A_256], %broadcast_in_dim3A_1 {strides = array<i32>} : memref<40x128xf32, #tpu.memory_space<vmem>>, vector<16xf32>,
      }
      %scan3A_252 = arith.constant 8 : i32
    }
    %scan3A_6 = arith.constant 40 : i32
    %mul3A_7 = arith.constant 10000 : i32
    %mul3A_8 = arith.muli %add3A, %mul3A_7 : i32
    %dma_start3A = tpu.memref_slice %arg3[%mul3A_8] : memref<320000xi32, #tpu.memory_space<hbm>> -> memref<10000xi32, #tpu.memory_space<hbm>>
    %dma_start3A_9 = tpu.memref_slice %arg3[%mul3A_8] : memref<320000xi32, #tpu.memory_space<hbm>> -> memref<10000xi32, #tpu.memory_space<hbm>>
    tpu.enqueue_dma source(%dma_start3A_9 : memref<10000xi32, #tpu.memory_space<hbm>>) target(%arg6 : memref<10000xi32, #tpu.memory_space<vmem>>) target_semaphore(%arg22 : memref<!tpu.dma_semaphore, #tpu.memory_space<semaphore_mem>>)
    %mul3A_10 = arith.constant 640 : i32
    %mul3A_11 = arith.muli %arg1, %mul3A_10 : i32
    %add3A_12 = arith.constant 0 : i32
    %add3A_13 = arith.addi %mul3A_11, %add3A_12 : i32
    %dma_start3A_14 = arith.constant 0 : i32
    %dma_start3A_15 = tpu.memref_slice %arg21[%add3A_13, %dma_start3A_14] : memref<10240x128xf32, #tpu.memory_space<vmem_shared>> -> memref<40x128xf32, #tpu.memory_space<vmem_shared>>
    %dma_start3A_16 = arith.constant 0 : i32
    %dma_start3A_17 = tpu.memref_slice %arg21[%add3A_13, %dma_start3A_16] : memref<10240x128xf32, #tpu.memory_space<vmem_shared>> -> memref<40x128xf32, #tpu.memory_space<vmem_shared>>
    tpu.enqueue_dma source(%arg14 : memref<40x128xf32, #tpu.memory_space<vmem>>) target(%dma_start3A_17 : memref<40x128xf32, #tpu.memory_space<vmem_shared>>) target_semaphore(%arg29 : memref<!tpu.dma_semaphore, #tpu.memory_space<semaphore_mem>>)
    %mul3A_18 = arith.constant 640 : i32
    %mul3A_19 = arith.muli %arg1, %mul3A_18 : i32
    %add3A_20 = arith.constant 40 : i32
    %add3A_21 = arith.addi %mul3A_19, %add3A_20 : i32
    %dma_start3A_22 = arith.constant 0 : i32
    %dma_start3A_23 = tpu.memref_slice %arg21[%add3A_21, %dma_start3A_22] : memref<10240x128xf32, #tpu.memory_space<vmem_shared>> -> memref<40x128xf32, #tpu.memory_space<vmem_shared>>
    %dma_start3A_24 = arith.constant 0 : i32
    %dma_start3A_25 = tpu.memref_slice %arg21[%add3A_21, %dma_start3A_24] : memref<10240x128xf32, #tpu.memory_space<vmem_shared>> -> memref<40x128xf32, #tpu.memory_space<vmem_shared>>
    tpu.enqueue_dma source(%arg14 : memref<40x128xf32, #tpu.memory_space<vmem>>) target(%dma_start3A_25 : memref<40x128xf32, #tpu.memory_space<vmem_shared>>) target_semaphore(%arg29 : memref<!tpu.dma_semaphore, #tpu.memory_space<semaphore_mem>>)
    %mul3A_26 = arith.constant 640 : i32
    %mul3A_27 = arith.muli %arg1, %mul3A_26 : i32
    %add3A_28 = arith.constant 80 : i32
    %add3A_29 = arith.addi %mul3A_27, %add3A_28 : i32
    %dma_start3A_30 = arith.constant 0 : i32
    %dma_start3A_31 = tpu.memref_slice %arg21[%add3A_29, %dma_start3A_30] : memref<10240x128xf32, #tpu.memory_space<vmem_shared>> -> memref<40x128xf32, #tpu.memory_space<vmem_shared>>
    %dma_start3A_32 = arith.constant 0 : i32
    %dma_start3A_33 = tpu.memref_slice %arg21[%add3A_29, %dma_start3A_32] : memref<10240x128xf32, #tpu.memory_space<vmem_shared>> -> memref<40x128xf32, #tpu.memory_space<vmem_shared>>
    tpu.enqueue_dma source(%arg14 : memref<40x128xf32, #tpu.memory_space<vmem>>) target(%dma_start3A_33 : memref<40x128xf32, #tpu.memory_space<vmem_shared>>) target_semaphore(%arg29 : memref<!tpu.dma_semaphore, #tpu.memory_space<semaphore_mem>>)
    %mul3A_34 = arith.constant 640 : i32
    %mul3A_35 = arith.muli %arg1, %mul3A_34 : i32
    %add3A_36 = arith.constant 120 : i32
    %add3A_37 = arith.addi %mul3A_35, %add3A_36 : i32
    %dma_start3A_38 = arith.constant 0 : i32
    %dma_start3A_39 = tpu.memref_slice %arg21[%add3A_37, %dma_start3A_38] : memref<10240x128xf32, #tpu.memory_space<vmem_shared>> -> memref<40x128xf32, #tpu.memory_space<vmem_shared>>
    %dma_start3A_40 = arith.constant 0 : i32
    %dma_start3A_41 = tpu.memref_slice %arg21[%add3A_37, %dma_start3A_40] : memref<10240x128xf32, #tpu.memory_space<vmem_shared>> -> memref<40x128xf32, #tpu.memory_space<vmem_shared>>
    tpu.enqueue_dma source(%arg14 : memref<40x128xf32, #tpu.memory_space<vmem>>) target(%dma_start3A_41 : memref<40x128xf32, #tpu.memory_space<vmem_shared>>) target_semaphore(%arg29 : memref<!tpu.dma_semaphore, #tpu.memory_space<semaphore_mem>>)
    %mul3A_42 = arith.constant 640 : i32
    %mul3A_43 = arith.muli %arg1, %mul3A_42 : i32
    %add3A_44 = arith.constant 160 : i32
    %add3A_45 = arith.addi %mul3A_43, %add3A_44 : i32
    %dma_start3A_46 = arith.constant 0 : i32
    %dma_start3A_47 = tpu.memref_slice %arg21[%add3A_45, %dma_start3A_46] : memref<10240x128xf32, #tpu.memory_space<vmem_shared>> -> memref<40x128xf32, #tpu.memory_space<vmem_shared>>
    %dma_start3A_48 = arith.constant 0 : i32
    %dma_start3A_49 = tpu.memref_slice %arg21[%add3A_45, %dma_start3A_48] : memref<10240x128xf32, #tpu.memory_space<vmem_shared>> -> memref<40x128xf32, #tpu.memory_space<vmem_shared>>
    tpu.enqueue_dma source(%arg14 : memref<40x128xf32, #tpu.memory_space<vmem>>) target(%dma_start3A_49 : memref<40x128xf32, #tpu.memory_space<vmem_shared>>) target_semaphore(%arg29 : memref<!tpu.dma_semaphore, #tpu.memory_space<semaphore_mem>>)
    %mul3A_50 = arith.constant 640 : i32
    %mul3A_51 = arith.muli %arg1, %mul3A_50 : i32
    %add3A_52 = arith.constant 200 : i32
    %add3A_53 = arith.addi %mul3A_51, %add3A_52 : i32
    %dma_start3A_54 = arith.constant 0 : i32
    %dma_start3A_55 = tpu.memref_slice %arg21[%add3A_53, %dma_start3A_54] : memref<10240x128xf32, #tpu.memory_space<vmem_shared>> -> memref<40x128xf32, #tpu.memory_space<vmem_shared>>
    %dma_start3A_56 = arith.constant 0 : i32
    %dma_start3A_57 = tpu.memref_slice %arg21[%add3A_53, %dma_start3A_56] : memref<10240x128xf32, #tpu.memory_space<vmem_shared>> -> memref<40x128xf32, #tpu.memory_space<vmem_shared>>
    tpu.enqueue_dma source(%arg14 : memref<40x128xf32, #tpu.memory_space<vmem>>) target(%dma_start3A_57 : memref<40x128xf32, #tpu.memory_space<vmem_shared>>) target_semaphore(%arg29 : memref<!tpu.dma_semaphore, #tpu.memory_space<semaphore_mem>>)
    %mul3A_58 = arith.constant 640 : i32
    %mul3A_59 = arith.muli %arg1, %mul3A_58 : i32
    %add3A_60 = arith.constant 240 : i32
    %add3A_61 = arith.addi %mul3A_59, %add3A_60 : i32
    %dma_start3A_62 = arith.constant 0 : i32
    %dma_start3A_63 = tpu.memref_slice %arg21[%add3A_61, %dma_start3A_62] : memref<10240x128xf32, #tpu.memory_space<vmem_shared>> -> memref<40x128xf32, #tpu.memory_space<vmem_shared>>
    %dma_start3A_64 = arith.constant 0 : i32
    %dma_start3A_65 = tpu.memref_slice %arg21[%add3A_61, %dma_start3A_64] : memref<10240x128xf32, #tpu.memory_space<vmem_shared>> -> memref<40x128xf32, #tpu.memory_space<vmem_shared>>
    tpu.enqueue_dma source(%arg14 : memref<40x128xf32, #tpu.memory_space<vmem>>) target(%dma_start3A_65 : memref<40x128xf32, #tpu.memory_space<vmem_shared>>) target_semaphore(%arg29 : memref<!tpu.dma_semaphore, #tpu.memory_space<semaphore_mem>>)
    %mul3A_66 = arith.constant 640 : i32
    %mul3A_67 = arith.muli %arg1, %mul3A_66 : i32
    %add3A_68 = arith.constant 280 : i32
    %add3A_69 = arith.addi %mul3A_67, %add3A_68 : i32
    %dma_start3A_70 = arith.constant 0 : i32
    %dma_start3A_71 = tpu.memref_slice %arg21[%add3A_69, %dma_start3A_70] : memref<10240x128xf32, #tpu.memory_space<vmem_shared>> -> memref<40x128xf32, #tpu.memory_space<vmem_shared>>
    %dma_start3A_72 = arith.constant 0 : i32
    %dma_start3A_73 = tpu.memref_slice %arg21[%add3A_69, %dma_start3A_72] : memref<10240x128xf32, #tpu.memory_space<vmem_shared>> -> memref<40x128xf32, #tpu.memory_space<vmem_shared>>
    tpu.enqueue_dma source(%arg14 : memref<40x128xf32, #tpu.memory_space<vmem>>) target(%dma_start3A_73 : memref<40x128xf32, #tpu.memory_space<vmem_shared>>) target_semaphore(%arg29 : memref<!tpu.dma_semaphore, #tpu.memory_space<semaphore_mem>>)
    %mul3A_74 = arith.constant 640 : i32
    %mul3A_75 = arith.muli %arg1, %mul3A_74 : i32
    %add3A_76 = arith.constant 320 : i32
    %add3A_77 = arith.addi %mul3A_75, %add3A_76 : i32
    %dma_start3A_78 = arith.constant 0 : i32
    %dma_start3A_79 = tpu.memref_slice %arg21[%add3A_77, %dma_start3A_78] : memref<10240x128xf32, #tpu.memory_space<vmem_shared>> -> memref<40x128xf32, #tpu.memory_space<vmem_shared>>
    %dma_start3A_80 = arith.constant 0 : i32
    %dma_start3A_81 = tpu.memref_slice %arg21[%add3A_77, %dma_start3A_80] : memref<10240x128xf32, #tpu.memory_space<vmem_shared>> -> memref<40x128xf32, #tpu.memory_space<vmem_shared>>
    tpu.enqueue_dma source(%arg14 : memref<40x128xf32, #tpu.memory_space<vmem>>) target(%dma_start3A_81 : memref<40x128xf32, #tpu.memory_space<vmem_shared>>) target_semaphore(%arg29 : memref<!tpu.dma_semaphore, #tpu.memory_space<semaphore_mem>>)
    %mul3A_82 = arith.constant 640 : i32
    %mul3A_83 = arith.muli %arg1, %mul3A_82 : i32
    %add3A_84 = arith.constant 360 : i32
    %add3A_85 = arith.addi %mul3A_83, %add3A_84 : i32
    %dma_start3A_86 = arith.constant 0 : i32
    %dma_start3A_87 = tpu.memref_slice %arg21[%add3A_85, %dma_start3A_86] : memref<10240x128xf32, #tpu.memory_space<vmem_shared>> -> memref<40x128xf32, #tpu.memory_space<vmem_shared>>
    %dma_start3A_88 = arith.constant 0 : i32
    %dma_start3A_89 = tpu.memref_slice %arg21[%add3A_85, %dma_start3A_88] : memref<10240x128xf32, #tpu.memory_space<vmem_shared>> -> memref<40x128xf32, #tpu.memory_space<vmem_shared>>
    tpu.enqueue_dma source(%arg14 : memref<40x128xf32, #tpu.memory_space<vmem>>) target(%dma_start3A_89 : memref<40x128xf32, #tpu.memory_space<vmem_shared>>) target_semaphore(%arg29 : memref<!tpu.dma_semaphore, #tpu.memory_space<semaphore_mem>>)
    %mul3A_90 = arith.constant 640 : i32
    %mul3A_91 = arith.muli %arg1, %mul3A_90 : i32
    %add3A_92 = arith.constant 400 : i32
    %add3A_93 = arith.addi %mul3A_91, %add3A_92 : i32
    %dma_start3A_94 = arith.constant 0 : i32
    %dma_start3A_95 = tpu.memref_slice %arg21[%add3A_93, %dma_start3A_94] : memref<10240x128xf32, #tpu.memory_space<vmem_shared>> -> memref<40x128xf32, #tpu.memory_space<vmem_shared>>
    %dma_start3A_96 = arith.constant 0 : i32
    %dma_start3A_97 = tpu.memref_slice %arg21[%add3A_93, %dma_start3A_96] : memref<10240x128xf32, #tpu.memory_space<vmem_shared>> -> memref<40x128xf32, #tpu.memory_space<vmem_shared>>
    tpu.enqueue_dma source(%arg14 : memref<40x128xf32, #tpu.memory_space<vmem>>) target(%dma_start3A_97 : memref<40x128xf32, #tpu.memory_space<vmem_shared>>) target_semaphore(%arg29 : memref<!tpu.dma_semaphore, #tpu.memory_space<semaphore_mem>>)
    %mul3A_98 = arith.constant 640 : i32
    %mul3A_99 = arith.muli %arg1, %mul3A_98 : i32
    %add3A_100 = arith.constant 440 : i32
    %add3A_101 = arith.addi %mul3A_99, %add3A_100 : i32
    %dma_start3A_102 = arith.constant 0 : i32
    %dma_start3A_103 = tpu.memref_slice %arg21[%add3A_101, %dma_start3A_102] : memref<10240x128xf32, #tpu.memory_space<vmem_shared>> -> memref<40x128xf32, #tpu.memory_space<vmem_shared>>
    %dma_start3A_104 = arith.constant 0 : i32
    %dma_start3A_105 = tpu.memref_slice %arg21[%add3A_101, %dma_start3A_104] : memref<10240x128xf32, #tpu.memory_space<vmem_shared>> -> memref<40x128xf32, #tpu.memory_space<vmem_shared>>
    tpu.enqueue_dma source(%arg14 : memref<40x128xf32, #tpu.memory_space<vmem>>) target(%dma_start3A_105 : memref<40x128xf32, #tpu.memory_space<vmem_shared>>) target_semaphore(%arg29 : memref<!tpu.dma_semaphore, #tpu.memory_space<semaphore_mem>>)
    %mul3A_106 = arith.constant 640 : i32
    %mul3A_107 = arith.muli %arg1, %mul3A_106 : i32
    %add3A_108 = arith.constant 480 : i32
    %add3A_109 = arith.addi %mul3A_107, %add3A_108 : i32
    %dma_start3A_110 = arith.constant 0 : i32
    %dma_start3A_111 = tpu.memref_slice %arg21[%add3A_109, %dma_start3A_110] : memref<10240x128xf32, #tpu.memory_space<vmem_shared>> -> memref<40x128xf32, #tpu.memory_space<vmem_shared>>
    %dma_start3A_112 = arith.constant 0 : i32
    %dma_start3A_113 = tpu.memref_slice %arg21[%add3A_109, %dma_start3A_112] : memref<10240x128xf32, #tpu.memory_space<vmem_shared>> -> memref<40x128xf32, #tpu.memory_space<vmem_shared>>
    tpu.enqueue_dma source(%arg14 : memref<40x128xf32, #tpu.memory_space<vmem>>) target(%dma_start3A_113 : memref<40x128xf32, #tpu.memory_space<vmem_shared>>) target_semaphore(%arg29 : memref<!tpu.dma_semaphore, #tpu.memory_space<semaphore_mem>>)
    %mul3A_114 = arith.constant 640 : i32
    %mul3A_115 = arith.muli %arg1, %mul3A_114 : i32
    %add3A_116 = arith.constant 520 : i32
    %add3A_117 = arith.addi %mul3A_115, %add3A_116 : i32
    %dma_start3A_118 = arith.constant 0 : i32
    %dma_start3A_119 = tpu.memref_slice %arg21[%add3A_117, %dma_start3A_118] : memref<10240x128xf32, #tpu.memory_space<vmem_shared>> -> memref<40x128xf32, #tpu.memory_space<vmem_shared>>
    %dma_start3A_120 = arith.constant 0 : i32
    %dma_start3A_121 = tpu.memref_slice %arg21[%add3A_117, %dma_start3A_120] : memref<10240x128xf32, #tpu.memory_space<vmem_shared>> -> memref<40x128xf32, #tpu.memory_space<vmem_shared>>
    tpu.enqueue_dma source(%arg14 : memref<40x128xf32, #tpu.memory_space<vmem>>) target(%dma_start3A_121 : memref<40x128xf32, #tpu.memory_space<vmem_shared>>) target_semaphore(%arg29 : memref<!tpu.dma_semaphore, #tpu.memory_space<semaphore_mem>>)
    %mul3A_122 = arith.constant 640 : i32
    %mul3A_123 = arith.muli %arg1, %mul3A_122 : i32
    %add3A_124 = arith.constant 560 : i32
    %add3A_125 = arith.addi %mul3A_123, %add3A_124 : i32
    %dma_start3A_126 = arith.constant 0 : i32
    %dma_start3A_127 = tpu.memref_slice %arg21[%add3A_125, %dma_start3A_126] : memref<10240x128xf32, #tpu.memory_space<vmem_shared>> -> memref<40x128xf32, #tpu.memory_space<vmem_shared>>
    %dma_start3A_128 = arith.constant 0 : i32
    %dma_start3A_129 = tpu.memref_slice %arg21[%add3A_125, %dma_start3A_128] : memref<10240x128xf32, #tpu.memory_space<vmem_shared>> -> memref<40x128xf32, #tpu.memory_space<vmem_shared>>
    tpu.enqueue_dma source(%arg14 : memref<40x128xf32, #tpu.memory_space<vmem>>) target(%dma_start3A_129 : memref<40x128xf32, #tpu.memory_space<vmem_shared>>) target_semaphore(%arg29 : memref<!tpu.dma_semaphore, #tpu.memory_space<semaphore_mem>>)
    %mul3A_130 = arith.constant 640 : i32
    %mul3A_131 = arith.muli %arg1, %mul3A_130 : i32
    %add3A_132 = arith.constant 600 : i32
    %add3A_133 = arith.addi %mul3A_131, %add3A_132 : i32
    %dma_start3A_134 = arith.constant 0 : i32
    %dma_start3A_135 = tpu.memref_slice %arg21[%add3A_133, %dma_start3A_134] : memref<10240x128xf32, #tpu.memory_space<vmem_shared>> -> memref<40x128xf32, #tpu.memory_space<vmem_shared>>
    %dma_start3A_136 = arith.constant 0 : i32
    %dma_start3A_137 = tpu.memref_slice %arg21[%add3A_133, %dma_start3A_136] : memref<10240x128xf32, #tpu.memory_space<vmem_shared>> -> memref<40x128xf32, #tpu.memory_space<vmem_shared>>
    tpu.enqueue_dma source(%arg14 : memref<40x128xf32, #tpu.memory_space<vmem>>) target(%dma_start3A_137 : memref<40x128xf32, #tpu.memory_space<vmem_shared>>) target_semaphore(%arg29 : memref<!tpu.dma_semaphore, #tpu.memory_space<semaphore_mem>>)
    %dma_wait3A = arith.constant 0 : i32
    %dma_wait3A_138 = tpu.memref_slice %arg21[%add3A_13, %dma_wait3A] : memref<10240x128xf32, #tpu.memory_space<vmem_shared>> -> memref<40x128xf32, #tpu.memory_space<vmem_shared>>
    %dma_wait3A_139 = arith.constant 0 : i32
    %dma_wait3A_140 = tpu.memref_slice %arg21[%add3A_13, %dma_wait3A_139] : memref<10240x128xf32, #tpu.memory_space<vmem_shared>> -> memref<40x128xf32, #tpu.memory_space<vmem_shared>>
    tpu.wait_dma2 semaphore(%arg29 : memref<!tpu.dma_semaphore, #tpu.memory_space<semaphore_mem>>) src(%arg14 : memref<40x128xf32, #tpu.memory_space<vmem>>) dst(%dma_wait3A_140 : memref<40x128xf32, #tpu.memory_space<vmem_shared>>)
    %dma_wait3A_141 = arith.constant 0 : i32
    %dma_wait3A_142 = tpu.memref_slice %arg21[%add3A_21, %dma_wait3A_141] : memref<10240x128xf32, #tpu.memory_space<vmem_shared>> -> memref<40x128xf32, #tpu.memory_space<vmem_shared>>
    %dma_wait3A_143 = arith.constant 0 : i32
    %dma_wait3A_144 = tpu.memref_slice %arg21[%add3A_21, %dma_wait3A_143] : memref<10240x128xf32, #tpu.memory_space<vmem_shared>> -> memref<40x128xf32, #tpu.memory_space<vmem_shared>>
    tpu.wait_dma2 semaphore(%arg29 : memref<!tpu.dma_semaphore, #tpu.memory_space<semaphore_mem>>) src(%arg14 : memref<40x128xf32, #tpu.memory_space<vmem>>) dst(%dma_wait3A_144 : memref<40x128xf32, #tpu.memory_space<vmem_shared>>)
    %dma_wait3A_145 = arith.constant 0 : i32
    %dma_wait3A_146 = tpu.memref_slice %arg21[%add3A_29, %dma_wait3A_145] : memref<10240x128xf32, #tpu.memory_space<vmem_shared>> -> memref<40x128xf32, #tpu.memory_space<vmem_shared>>
    %dma_wait3A_147 = arith.constant 0 : i32
    %dma_wait3A_148 = tpu.memref_slice %arg21[%add3A_29, %dma_wait3A_147] : memref<10240x128xf32, #tpu.memory_space<vmem_shared>> -> memref<40x128xf32, #tpu.memory_space<vmem_shared>>
    tpu.wait_dma2 semaphore(%arg29 : memref<!tpu.dma_semaphore, #tpu.memory_space<semaphore_mem>>) src(%arg14 : memref<40x128xf32, #tpu.memory_space<vmem>>) dst(%dma_wait3A_148 : memref<40x128xf32, #tpu.memory_space<vmem_shared>>)
    %dma_wait3A_149 = arith.constant 0 : i32
    %dma_wait3A_150 = tpu.memref_slice %arg21[%add3A_37, %dma_wait3A_149] : memref<10240x128xf32, #tpu.memory_space<vmem_shared>> -> memref<40x128xf32, #tpu.memory_space<vmem_shared>>
    %dma_wait3A_151 = arith.constant 0 : i32
    %dma_wait3A_152 = tpu.memref_slice %arg21[%add3A_37, %dma_wait3A_151] : memref<10240x128xf32, #tpu.memory_space<vmem_shared>> -> memref<40x128xf32, #tpu.memory_space<vmem_shared>>
    tpu.wait_dma2 semaphore(%arg29 : memref<!tpu.dma_semaphore, #tpu.memory_space<semaphore_mem>>) src(%arg14 : memref<40x128xf32, #tpu.memory_space<vmem>>) dst(%dma_wait3A_152 : memref<40x128xf32, #tpu.memory_space<vmem_shared>>)
    %dma_wait3A_153 = arith.constant 0 : i32
    %dma_wait3A_154 = tpu.memref_slice %arg21[%add3A_45, %dma_wait3A_153] : memref<10240x128xf32, #tpu.memory_space<vmem_shared>> -> memref<40x128xf32, #tpu.memory_space<vmem_shared>>
    %dma_wait3A_155 = arith.constant 0 : i32
    %dma_wait3A_156 = tpu.memref_slice %arg21[%add3A_45, %dma_wait3A_155] : memref<10240x128xf32, #tpu.memory_space<vmem_shared>> -> memref<40x128xf32, #tpu.memory_space<vmem_shared>>
    tpu.wait_dma2 semaphore(%arg29 : memref<!tpu.dma_semaphore, #tpu.memory_space<semaphore_mem>>) src(%arg14 : memref<40x128xf32, #tpu.memory_space<vmem>>) dst(%dma_wait3A_156 : memref<40x128xf32, #tpu.memory_space<vmem_shared>>)
    %dma_wait3A_157 = arith.constant 0 : i32
    %dma_wait3A_158 = tpu.memref_slice %arg21[%add3A_53, %dma_wait3A_157] : memref<10240x128xf32, #tpu.memory_space<vmem_shared>> -> memref<40x128xf32, #tpu.memory_space<vmem_shared>>
    %dma_wait3A_159 = arith.constant 0 : i32
    %dma_wait3A_160 = tpu.memref_slice %arg21[%add3A_53, %dma_wait3A_159] : memref<10240x128xf32, #tpu.memory_space<vmem_shared>> -> memref<40x128xf32, #tpu.memory_space<vmem_shared>>
    tpu.wait_dma2 semaphore(%arg29 : memref<!tpu.dma_semaphore, #tpu.memory_space<semaphore_mem>>) src(%arg14 : memref<40x128xf32, #tpu.memory_space<vmem>>) dst(%dma_wait3A_160 : memref<40x128xf32, #tpu.memory_space<vmem_shared>>)
    %dma_wait3A_161 = arith.constant 0 : i32
    %dma_wait3A_162 = tpu.memref_slice %arg21[%add3A_61, %dma_wait3A_161] : memref<10240x128xf32, #tpu.memory_space<vmem_shared>> -> memref<40x128xf32, #tpu.memory_space<vmem_shared>>
    %dma_wait3A_163 = arith.constant 0 : i32
    %dma_wait3A_164 = tpu.memref_slice %arg21[%add3A_61, %dma_wait3A_163] : memref<10240x128xf32, #tpu.memory_space<vmem_shared>> -> memref<40x128xf32, #tpu.memory_space<vmem_shared>>
    tpu.wait_dma2 semaphore(%arg29 : memref<!tpu.dma_semaphore, #tpu.memory_space<semaphore_mem>>) src(%arg14 : memref<40x128xf32, #tpu.memory_space<vmem>>) dst(%dma_wait3A_164 : memref<40x128xf32, #tpu.memory_space<vmem_shared>>)
    %dma_wait3A_165 = arith.constant 0 : i32
    %dma_wait3A_166 = tpu.memref_slice %arg21[%add3A_69, %dma_wait3A_165] : memref<10240x128xf32, #tpu.memory_space<vmem_shared>> -> memref<40x128xf32, #tpu.memory_space<vmem_shared>>
    %dma_wait3A_167 = arith.constant 0 : i32
    %dma_wait3A_168 = tpu.memref_slice %arg21[%add3A_69, %dma_wait3A_167] : memref<10240x128xf32, #tpu.memory_space<vmem_shared>> -> memref<40x128xf32, #tpu.memory_space<vmem_shared>>
    tpu.wait_dma2 semaphore(%arg29 : memref<!tpu.dma_semaphore, #tpu.memory_space<semaphore_mem>>) src(%arg14 : memref<40x128xf32, #tpu.memory_space<vmem>>) dst(%dma_wait3A_168 : memref<40x128xf32, #tpu.memory_space<vmem_shared>>)
    %dma_wait3A_169 = arith.constant 0 : i32
    %dma_wait3A_170 = tpu.memref_slice %arg21[%add3A_77, %dma_wait3A_169] : memref<10240x128xf32, #tpu.memory_space<vmem_shared>> -> memref<40x128xf32, #tpu.memory_space<vmem_shared>>
    %dma_wait3A_171 = arith.constant 0 : i32
    %dma_wait3A_172 = tpu.memref_slice %arg21[%add3A_77, %dma_wait3A_171] : memref<10240x128xf32, #tpu.memory_space<vmem_shared>> -> memref<40x128xf32, #tpu.memory_space<vmem_shared>>
    tpu.wait_dma2 semaphore(%arg29 : memref<!tpu.dma_semaphore, #tpu.memory_space<semaphore_mem>>) src(%arg14 : memref<40x128xf32, #tpu.memory_space<vmem>>) dst(%dma_wait3A_172 : memref<40x128xf32, #tpu.memory_space<vmem_shared>>)
    %dma_wait3A_173 = arith.constant 0 : i32
    %dma_wait3A_174 = tpu.memref_slice %arg21[%add3A_85, %dma_wait3A_173] : memref<10240x128xf32, #tpu.memory_space<vmem_shared>> -> memref<40x128xf32, #tpu.memory_space<vmem_shared>>
    %dma_wait3A_175 = arith.constant 0 : i32
    %dma_wait3A_176 = tpu.memref_slice %arg21[%add3A_85, %dma_wait3A_175] : memref<10240x128xf32, #tpu.memory_space<vmem_shared>> -> memref<40x128xf32, #tpu.memory_space<vmem_shared>>
    tpu.wait_dma2 semaphore(%arg29 : memref<!tpu.dma_semaphore, #tpu.memory_space<semaphore_mem>>) src(%arg14 : memref<40x128xf32, #tpu.memory_space<vmem>>) dst(%dma_wait3A_176 : memref<40x128xf32, #tpu.memory_space<vmem_shared>>)
    %dma_wait3A_177 = arith.constant 0 : i32
    %dma_wait3A_178 = tpu.memref_slice %arg21[%add3A_93, %dma_wait3A_177] : memref<10240x128xf32, #tpu.memory_space<vmem_shared>> -> memref<40x128xf32, #tpu.memory_space<vmem_shared>>
    %dma_wait3A_179 = arith.constant 0 : i32
    %dma_wait3A_180 = tpu.memref_slice %arg21[%add3A_93, %dma_wait3A_179] : memref<10240x128xf32, #tpu.memory_space<vmem_shared>> -> memref<40x128xf32, #tpu.memory_space<vmem_shared>>
    tpu.wait_dma2 semaphore(%arg29 : memref<!tpu.dma_semaphore, #tpu.memory_space<semaphore_mem>>) src(%arg14 : memref<40x128xf32, #tpu.memory_space<vmem>>) dst(%dma_wait3A_180 : memref<40x128xf32, #tpu.memory_space<vmem_shared>>)
    %dma_wait3A_181 = arith.constant 0 : i32
    %dma_wait3A_182 = tpu.memref_slice %arg21[%add3A_101, %dma_wait3A_181] : memref<10240x128xf32, #tpu.memory_space<vmem_shared>> -> memref<40x128xf32, #tpu.memory_space<vmem_shared>>
    %dma_wait3A_183 = arith.constant 0 : i32
    %dma_wait3A_184 = tpu.memref_slice %arg21[%add3A_101, %dma_wait3A_183] : memref<10240x128xf32, #tpu.memory_space<vmem_shared>> -> memref<40x128xf32, #tpu.memory_space<vmem_shared>>
    tpu.wait_dma2 semaphore(%arg29 : memref<!tpu.dma_semaphore, #tpu.memory_space<semaphore_mem>>) src(%arg14 : memref<40x128xf32, #tpu.memory_space<vmem>>) dst(%dma_wait3A_184 : memref<40x128xf32, #tpu.memory_space<vmem_shared>>)
    %dma_wait3A_185 = arith.constant 0 : i32
    %dma_wait3A_186 = tpu.memref_slice %arg21[%add3A_109, %dma_wait3A_185] : memref<10240x128xf32, #tpu.memory_space<vmem_shared>> -> memref<40x128xf32, #tpu.memory_space<vmem_shared>>
    %dma_wait3A_187 = arith.constant 0 : i32
    %dma_wait3A_188 = tpu.memref_slice %arg21[%add3A_109, %dma_wait3A_187] : memref<10240x128xf32, #tpu.memory_space<vmem_shared>> -> memref<40x128xf32, #tpu.memory_space<vmem_shared>>
    tpu.wait_dma2 semaphore(%arg29 : memref<!tpu.dma_semaphore, #tpu.memory_space<semaphore_mem>>) src(%arg14 : memref<40x128xf32, #tpu.memory_space<vmem>>) dst(%dma_wait3A_188 : memref<40x128xf32, #tpu.memory_space<vmem_shared>>)
    %dma_wait3A_189 = arith.constant 0 : i32
    %dma_wait3A_190 = tpu.memref_slice %arg21[%add3A_117, %dma_wait3A_189] : memref<10240x128xf32, #tpu.memory_space<vmem_shared>> -> memref<40x128xf32, #tpu.memory_space<vmem_shared>>
    %dma_wait3A_191 = arith.constant 0 : i32
    %dma_wait3A_192 = tpu.memref_slice %arg21[%add3A_117, %dma_wait3A_191] : memref<10240x128xf32, #tpu.memory_space<vmem_shared>> -> memref<40x128xf32, #tpu.memory_space<vmem_shared>>
    tpu.wait_dma2 semaphore(%arg29 : memref<!tpu.dma_semaphore, #tpu.memory_space<semaphore_mem>>) src(%arg14 : memref<40x128xf32, #tpu.memory_space<vmem>>) dst(%dma_wait3A_192 : memref<40x128xf32, #tpu.memory_space<vmem_shared>>)
    %dma_wait3A_193 = arith.constant 0 : i32
    %dma_wait3A_194 = tpu.memref_slice %arg21[%add3A_125, %dma_wait3A_193] : memref<10240x128xf32, #tpu.memory_space<vmem_shared>> -> memref<40x128xf32, #tpu.memory_space<vmem_shared>>
    %dma_wait3A_195 = arith.constant 0 : i32
    %dma_wait3A_196 = tpu.memref_slice %arg21[%add3A_125, %dma_wait3A_195] : memref<10240x128xf32, #tpu.memory_space<vmem_shared>> -> memref<40x128xf32, #tpu.memory_space<vmem_shared>>
    tpu.wait_dma2 semaphore(%arg29 : memref<!tpu.dma_semaphore, #tpu.memory_space<semaphore_mem>>) src(%arg14 : memref<40x128xf32, #tpu.memory_space<vmem>>) dst(%dma_wait3A_196 : memref<40x128xf32, #tpu.memory_space<vmem_shared>>)
    %dma_wait3A_197 = arith.constant 0 : i32
    %dma_wait3A_198 = tpu.memref_slice %arg21[%add3A_133, %dma_wait3A_197] : memref<10240x128xf32, #tpu.memory_space<vmem_shared>> -> memref<40x128xf32, #tpu.memory_space<vmem_shared>>
    %dma_wait3A_199 = arith.constant 0 : i32
    %dma_wait3A_200 = tpu.memref_slice %arg21[%add3A_133, %dma_wait3A_199] : memref<10240x128xf32, #tpu.memory_space<vmem_shared>> -> memref<40x128xf32, #tpu.memory_space<vmem_shared>>
    tpu.wait_dma2 semaphore(%arg29 : memref<!tpu.dma_semaphore, #tpu.memory_space<semaphore_mem>>) src(%arg14 : memref<40x128xf32, #tpu.memory_space<vmem>>) dst(%dma_wait3A_200 : memref<40x128xf32, #tpu.memory_space<vmem_shared>>)
    %dma_wait3A_201 = tpu.memref_slice %arg3[%mul3A_8] : memref<320000xi32, #tpu.memory_space<hbm>> -> memref<10000xi32, #tpu.memory_space<hbm>>
    %dma_wait3A_202 = tpu.memref_slice %arg3[%mul3A_8] : memref<320000xi32, #tpu.memory_space<hbm>> -> memref<10000xi32, #tpu.memory_space<hbm>>
    tpu.wait_dma2 semaphore(%arg22 : memref<!tpu.dma_semaphore, #tpu.memory_space<semaphore_mem>>) src(%dma_wait3A_202 : memref<10000xi32, #tpu.memory_space<hbm>>) dst(%arg6 : memref<10000xi32, #tpu.memory_space<vmem>>)
    %barrier3A = arith.constant 0 : index
    tpu.barrier barrier_id(%barrier3A)
    %scan3A_203 = arith.constant 0 : i32
    %scan3A_204 = arith.constant 0 : i32
    %scan3A_205 = arith.constant 36 : i32
    %scan3A_206 = arith.addi %scan3A_204, %scan3A_205 : i32
    %scan3A_207 = arith.constant 1 : i32
    scf.for %scan3A_247 = %scan3A_204 to %scan3A_206 step %scan3A_207  : i32 {
      %mul3A_248 = arith.constant 7 : i32
      %mul3A_249 = arith.muli %scan3A_247, %mul3A_248 : i32
      %add3A_250 = arith.constant 0 : i32
      %add3A_251 = arith.addi %mul3A_249, %add3A_250 : i32
      %gt3A = arith.constant 0 : i32
      %gt3A_252 = arith.cmpi sgt, %scan3A_247, %gt3A : i32
      %convert_element_type3A = arith.extui %gt3A_252 : i1 to i32
      %cond3A = arith.constant 0 : i32
      %cond3A_253 = arith.cmpi ne, %convert_element_type3A, %cond3A : i32
      scf.if %cond3A_253 {
        %dma_wait3A_405 = arith.constant 0 : i32
        %dma_wait3A_406 = arith.constant 0 : i32
        %dma_wait3A_407 = tpu.memref_slice %arg2[%dma_wait3A_405, %dma_wait3A_406] : memref<10000x128xf32, #tpu.memory_space<hbm>> -> memref<40x128xf32, #tpu.memory_space<hbm>>
        %dma_wait3A_408 = arith.constant 0 : i32
        %dma_wait3A_409 = arith.constant 0 : i32
        %dma_wait3A_410 = tpu.memref_slice %arg2[%dma_wait3A_408, %dma_wait3A_409] : memref<10000x128xf32, #tpu.memory_space<hbm>> -> memref<40x128xf32, #tpu.memory_space<hbm>>
        tpu.wait_dma2 semaphore(%arg36 : memref<!tpu.dma_semaphore, #tpu.memory_space<semaphore_mem>>) src(%dma_wait3A_410 : memref<40x128xf32, #tpu.memory_space<hbm>>) dst(%arg14 : memref<40x128xf32, #tpu.memory_space<vmem>>)
      } else {
      }
      %lt3A = arith.constant 250 : i32
      %lt3A_254 = arith.cmpi slt, %add3A_251, %lt3A : i32
      %convert_element_type3A_255 = arith.extui %lt3A_254 : i1 to i32
      %cond3A_256 = arith.constant 0 : i32
      %cond3A_257 = arith.cmpi ne, %convert_element_type3A_255, %cond3A_256 : i32
      scf.if %cond3A_257 {
        %mul3A_405 = arith.constant 10000 : i32
        %mul3A_406 = arith.muli %add3A, %mul3A_405 : i32
        %mul3A_407 = arith.constant 40 : i32
        %mul3A_408 = arith.muli %add3A_251, %mul3A_407 : i32
        %add3A_409 = arith.addi %mul3A_406, %mul3A_408 : i32
        %dma_start3A_410 = tpu.memref_slice %arg4[%add3A_409] : memref<320000xi32, #tpu.memory_space<hbm>> -> memref<40xi32, #tpu.memory_space<hbm>>
        %dma_start3A_411 = tpu.memref_slice %arg4[%add3A_409] : memref<320000xi32, #tpu.memory_space<hbm>> -> memref<40xi32, #tpu.memory_space<hbm>>
        tpu.enqueue_dma source(%dma_start3A_411 : memref<40xi32, #tpu.memory_space<hbm>>) target(%arg7 : memref<40xi32, #tpu.memory_space<vmem>>) target_semaphore(%arg22 : memref<!tpu.dma_semaphore, #tpu.memory_space<semaphore_mem>>)
        %mul3A_412 = arith.constant 40 : i32
        %mul3A_413 = arith.muli %add3A_251, %mul3A_412 : i32
        %dma_start3A_414 = tpu.memref_slice %arg6[%mul3A_413] : memref<10000xi32, #tpu.memory_space<vmem>> -> memref<40xi32, #tpu.memory_space<vmem>>
        %dma_start3A_415 = arith.constant 0 : i32
        %dma_start3A_416 = arith.constant 0 : i32
        %dma_start3A_417 = tpu.memref_slice %arg2[%dma_start3A_415, %dma_start3A_416] : memref<10000x128xf32, #tpu.memory_space<hbm>> -> memref<10000x128xf32, #tpu.memory_space<hbm>>
        tpu.enqueue_indirect_dma source(%dma_start3A_417 : memref<10000x128xf32, #tpu.memory_space<hbm>>) target(%arg14 : memref<40x128xf32, #tpu.memory_space<vmem>>) offsets(%dma_start3A_414 : memref<40xi32, #tpu.memory_space<vmem>>) semaphore(%arg29 : memref<!tpu.dma_semaphore, #tpu.memory_space<semaphore_mem>>)
      } else {
      }
      %mul3A_258 = arith.constant 7 : i32
      %mul3A_259 = arith.muli %scan3A_247, %mul3A_258 : i32
      %add3A_260 = arith.constant 1 : i32
      %add3A_261 = arith.addi %mul3A_259, %add3A_260 : i32
      %gt3A_262 = arith.constant 0 : i32
      %gt3A_263 = arith.cmpi sgt, %scan3A_247, %gt3A_262 : i32
      %convert_element_type3A_264 = arith.extui %gt3A_263 : i1 to i32
      %cond3A_265 = arith.constant 0 : i32
      %cond3A_266 = arith.cmpi ne, %convert_element_type3A_264, %cond3A_265 : i32
      scf.if %cond3A_266 {
        %dma_wait3A_405 = arith.constant 0 : i32
        %dma_wait3A_406 = arith.constant 0 : i32
        %dma_wait3A_407 = tpu.memref_slice %arg2[%dma_wait3A_405, %dma_wait3A_406] : memref<10000x128xf32, #tpu.memory_space<hbm>> -> memref<40x128xf32, #tpu.memory_space<hbm>>
        %dma_wait3A_408 = arith.constant 0 : i32
        %dma_wait3A_409 = arith.constant 0 : i32
        %dma_wait3A_410 = tpu.memref_slice %arg2[%dma_wait3A_408, %dma_wait3A_409] : memref<10000x128xf32, #tpu.memory_space<hbm>> -> memref<40x128xf32, #tpu.memory_space<hbm>>
        tpu.wait_dma2 semaphore(%arg37 : memref<!tpu.dma_semaphore, #tpu.memory_space<semaphore_mem>>) src(%dma_wait3A_410 : memref<40x128xf32, #tpu.memory_space<hbm>>) dst(%arg15 : memref<40x128xf32, #tpu.memory_space<vmem>>)
      } else {
      }
      %lt3A_267 = arith.constant 250 : i32
      %lt3A_268 = arith.cmpi slt, %add3A_261, %lt3A_267 : i32
      %convert_element_type3A_269 = arith.extui %lt3A_268 : i1 to i32
      %cond3A_270 = arith.constant 0 : i32
      %cond3A_271 = arith.cmpi ne, %convert_element_type3A_269, %cond3A_270 : i32
      scf.if %cond3A_271 {
        %mul3A_405 = arith.constant 10000 : i32
        %mul3A_406 = arith.muli %add3A, %mul3A_405 : i32
        %mul3A_407 = arith.constant 40 : i32
        %mul3A_408 = arith.muli %add3A_261, %mul3A_407 : i32
        %add3A_409 = arith.addi %mul3A_406, %mul3A_408 : i32
        %dma_start3A_410 = tpu.memref_slice %arg4[%add3A_409] : memref<320000xi32, #tpu.memory_space<hbm>> -> memref<40xi32, #tpu.memory_space<hbm>>
        %dma_start3A_411 = tpu.memref_slice %arg4[%add3A_409] : memref<320000xi32, #tpu.memory_space<hbm>> -> memref<40xi32, #tpu.memory_space<hbm>>
        tpu.enqueue_dma source(%dma_start3A_411 : memref<40xi32, #tpu.memory_space<hbm>>) target(%arg8 : memref<40xi32, #tpu.memory_space<vmem>>) target_semaphore(%arg23 : memref<!tpu.dma_semaphore, #tpu.memory_space<semaphore_mem>>)
        %mul3A_412 = arith.constant 40 : i32
        %mul3A_413 = arith.muli %add3A_261, %mul3A_412 : i32
        %dma_start3A_414 = tpu.memref_slice %arg6[%mul3A_413] : memref<10000xi32, #tpu.memory_space<vmem>> -> memref<40xi32, #tpu.memory_space<vmem>>
        %dma_start3A_415 = arith.constant 0 : i32
        %dma_start3A_416 = arith.constant 0 : i32
        %dma_start3A_417 = tpu.memref_slice %arg2[%dma_start3A_415, %dma_start3A_416] : memref<10000x128xf32, #tpu.memory_space<hbm>> -> memref<10000x128xf32, #tpu.memory_space<hbm>>
        tpu.enqueue_indirect_dma source(%dma_start3A_417 : memref<10000x128xf32, #tpu.memory_space<hbm>>) target(%arg15 : memref<40x128xf32, #tpu.memory_space<vmem>>) offsets(%dma_start3A_414 : memref<40xi32, #tpu.memory_space<vmem>>) semaphore(%arg30 : memref<!tpu.dma_semaphore, #tpu.memory_space<semaphore_mem>>)
      } else {
      }
      %mul3A_272 = arith.constant 7 : i32
      %mul3A_273 = arith.muli %scan3A_247, %mul3A_272 : i32
      %add3A_274 = arith.constant 2 : i32
      %add3A_275 = arith.addi %mul3A_273, %add3A_274 : i32
      %gt3A_276 = arith.constant 0 : i32
      %gt3A_277 = arith.cmpi sgt, %scan3A_247, %gt3A_276 : i32
      %convert_element_type3A_278 = arith.extui %gt3A_277 : i1 to i32
      %cond3A_279 = arith.constant 0 : i32
      %cond3A_280 = arith.cmpi ne, %convert_element_type3A_278, %cond3A_279 : i32
      scf.if %cond3A_280 {
        %dma_wait3A_405 = arith.constant 0 : i32
        %dma_wait3A_406 = arith.constant 0 : i32
        %dma_wait3A_407 = tpu.memref_slice %arg2[%dma_wait3A_405, %dma_wait3A_406] : memref<10000x128xf32, #tpu.memory_space<hbm>> -> memref<40x128xf32, #tpu.memory_space<hbm>>
        %dma_wait3A_408 = arith.constant 0 : i32
        %dma_wait3A_409 = arith.constant 0 : i32
        %dma_wait3A_410 = tpu.memref_slice %arg2[%dma_wait3A_408, %dma_wait3A_409] : memref<10000x128xf32, #tpu.memory_space<hbm>> -> memref<40x128xf32, #tpu.memory_space<hbm>>
        tpu.wait_dma2 semaphore(%arg38 : memref<!tpu.dma_semaphore, #tpu.memory_space<semaphore_mem>>) src(%dma_wait3A_410 : memref<40x128xf32, #tpu.memory_space<hbm>>) dst(%arg16 : memref<40x128xf32, #tpu.memory_space<vmem>>)
      } else {
      }
      %lt3A_281 = arith.constant 250 : i32
      %lt3A_282 = arith.cmpi slt, %add3A_275, %lt3A_281 : i32
      %convert_element_type3A_283 = arith.extui %lt3A_282 : i1 to i32
      %cond3A_284 = arith.constant 0 : i32
      %cond3A_285 = arith.cmpi ne, %convert_element_type3A_283, %cond3A_284 : i32
      scf.if %cond3A_285 {
        %mul3A_405 = arith.constant 10000 : i32
        %mul3A_406 = arith.muli %add3A, %mul3A_405 : i32
        %mul3A_407 = arith.constant 40 : i32
        %mul3A_408 = arith.muli %add3A_275, %mul3A_407 : i32
        %add3A_409 = arith.addi %mul3A_406, %mul3A_408 : i32
        %dma_start3A_410 = tpu.memref_slice %arg4[%add3A_409] : memref<320000xi32, #tpu.memory_space<hbm>> -> memref<40xi32, #tpu.memory_space<hbm>>
        %dma_start3A_411 = tpu.memref_slice %arg4[%add3A_409] : memref<320000xi32, #tpu.memory_space<hbm>> -> memref<40xi32, #tpu.memory_space<hbm>>
        tpu.enqueue_dma source(%dma_start3A_411 : memref<40xi32, #tpu.memory_space<hbm>>) target(%arg9 : memref<40xi32, #tpu.memory_space<vmem>>) target_semaphore(%arg24 : memref<!tpu.dma_semaphore, #tpu.memory_space<semaphore_mem>>)
        %mul3A_412 = arith.constant 40 : i32
        %mul3A_413 = arith.muli %add3A_275, %mul3A_412 : i32
        %dma_start3A_414 = tpu.memref_slice %arg6[%mul3A_413] : memref<10000xi32, #tpu.memory_space<vmem>> -> memref<40xi32, #tpu.memory_space<vmem>>
        %dma_start3A_415 = arith.constant 0 : i32
        %dma_start3A_416 = arith.constant 0 : i32
        %dma_start3A_417 = tpu.memref_slice %arg2[%dma_start3A_415, %dma_start3A_416] : memref<10000x128xf32, #tpu.memory_space<hbm>> -> memref<10000x128xf32, #tpu.memory_space<hbm>>
        tpu.enqueue_indirect_dma source(%dma_start3A_417 : memref<10000x128xf32, #tpu.memory_space<hbm>>) target(%arg16 : memref<40x128xf32, #tpu.memory_space<vmem>>) offsets(%dma_start3A_414 : memref<40xi32, #tpu.memory_space<vmem>>) semaphore(%arg31 : memref<!tpu.dma_semaphore, #tpu.memory_space<semaphore_mem>>)
      } else {
      }
      %mul3A_286 = arith.constant 7 : i32
      %mul3A_287 = arith.muli %scan3A_247, %mul3A_286 : i32
      %add3A_288 = arith.constant 3 : i32
      %add3A_289 = arith.addi %mul3A_287, %add3A_288 : i32
      %gt3A_290 = arith.constant 0 : i32
      %gt3A_291 = arith.cmpi sgt, %scan3A_247, %gt3A_290 : i32
      %convert_element_type3A_292 = arith.extui %gt3A_291 : i1 to i32
      %cond3A_293 = arith.constant 0 : i32
      %cond3A_294 = arith.cmpi ne, %convert_element_type3A_292, %cond3A_293 : i32
      scf.if %cond3A_294 {
        %dma_wait3A_405 = arith.constant 0 : i32
        %dma_wait3A_406 = arith.constant 0 : i32
        %dma_wait3A_407 = tpu.memref_slice %arg2[%dma_wait3A_405, %dma_wait3A_406] : memref<10000x128xf32, #tpu.memory_space<hbm>> -> memref<40x128xf32, #tpu.memory_space<hbm>>
        %dma_wait3A_408 = arith.constant 0 : i32
        %dma_wait3A_409 = arith.constant 0 : i32
        %dma_wait3A_410 = tpu.memref_slice %arg2[%dma_wait3A_408, %dma_wait3A_409] : memref<10000x128xf32, #tpu.memory_space<hbm>> -> memref<40x128xf32, #tpu.memory_space<hbm>>
        tpu.wait_dma2 semaphore(%arg39 : memref<!tpu.dma_semaphore, #tpu.memory_space<semaphore_mem>>) src(%dma_wait3A_410 : memref<40x128xf32, #tpu.memory_space<hbm>>) dst(%arg17 : memref<40x128xf32, #tpu.memory_space<vmem>>)
      } else {
      }
      %lt3A_295 = arith.constant 250 : i32
      %lt3A_296 = arith.cmpi slt, %add3A_289, %lt3A_295 : i32
      %convert_element_type3A_297 = arith.extui %lt3A_296 : i1 to i32
      %cond3A_298 = arith.constant 0 : i32
      %cond3A_299 = arith.cmpi ne, %convert_element_type3A_297, %cond3A_298 : i32
      scf.if %cond3A_299 {
        %mul3A_405 = arith.constant 10000 : i32
        %mul3A_406 = arith.muli %add3A, %mul3A_405 : i32
        %mul3A_407 = arith.constant 40 : i32
        %mul3A_408 = arith.muli %add3A_289, %mul3A_407 : i32
        %add3A_409 = arith.addi %mul3A_406, %mul3A_408 : i32
        %dma_start3A_410 = tpu.memref_slice %arg4[%add3A_409] : memref<320000xi32, #tpu.memory_space<hbm>> -> memref<40xi32, #tpu.memory_space<hbm>>
        %dma_start3A_411 = tpu.memref_slice %arg4[%add3A_409] : memref<320000xi32, #tpu.memory_space<hbm>> -> memref<40xi32, #tpu.memory_space<hbm>>
        tpu.enqueue_dma source(%dma_start3A_411 : memref<40xi32, #tpu.memory_space<hbm>>) target(%arg10 : memref<40xi32, #tpu.memory_space<vmem>>) target_semaphore(%arg25 : memref<!tpu.dma_semaphore, #tpu.memory_space<semaphore_mem>>)
        %mul3A_412 = arith.constant 40 : i32
        %mul3A_413 = arith.muli %add3A_289, %mul3A_412 : i32
        %dma_start3A_414 = tpu.memref_slice %arg6[%mul3A_413] : memref<10000xi32, #tpu.memory_space<vmem>> -> memref<40xi32, #tpu.memory_space<vmem>>
        %dma_start3A_415 = arith.constant 0 : i32
        %dma_start3A_416 = arith.constant 0 : i32
        %dma_start3A_417 = tpu.memref_slice %arg2[%dma_start3A_415, %dma_start3A_416] : memref<10000x128xf32, #tpu.memory_space<hbm>> -> memref<10000x128xf32, #tpu.memory_space<hbm>>
        tpu.enqueue_indirect_dma source(%dma_start3A_417 : memref<10000x128xf32, #tpu.memory_space<hbm>>) target(%arg17 : memref<40x128xf32, #tpu.memory_space<vmem>>) offsets(%dma_start3A_414 : memref<40xi32, #tpu.memory_space<vmem>>) semaphore(%arg32 : memref<!tpu.dma_semaphore, #tpu.memory_space<semaphore_mem>>)
      } else {
      }
      %mul3A_300 = arith.constant 7 : i32
      %mul3A_301 = arith.muli %scan3A_247, %mul3A_300 : i32
      %add3A_302 = arith.constant 4 : i32
      %add3A_303 = arith.addi %mul3A_301, %add3A_302 : i32
      %gt3A_304 = arith.constant 0 : i32
      %gt3A_305 = arith.cmpi sgt, %scan3A_247, %gt3A_304 : i32
      %convert_element_type3A_306 = arith.extui %gt3A_305 : i1 to i32
      %cond3A_307 = arith.constant 0 : i32
      %cond3A_308 = arith.cmpi ne, %convert_element_type3A_306, %cond3A_307 : i32
      scf.if %cond3A_308 {
        %dma_wait3A_405 = arith.constant 0 : i32
        %dma_wait3A_406 = arith.constant 0 : i32
        %dma_wait3A_407 = tpu.memref_slice %arg2[%dma_wait3A_405, %dma_wait3A_406] : memref<10000x128xf32, #tpu.memory_space<hbm>> -> memref<40x128xf32, #tpu.memory_space<hbm>>
        %dma_wait3A_408 = arith.constant 0 : i32
        %dma_wait3A_409 = arith.constant 0 : i32
        %dma_wait3A_410 = tpu.memref_slice %arg2[%dma_wait3A_408, %dma_wait3A_409] : memref<10000x128xf32, #tpu.memory_space<hbm>> -> memref<40x128xf32, #tpu.memory_space<hbm>>
        tpu.wait_dma2 semaphore(%arg40 : memref<!tpu.dma_semaphore, #tpu.memory_space<semaphore_mem>>) src(%dma_wait3A_410 : memref<40x128xf32, #tpu.memory_space<hbm>>) dst(%arg18 : memref<40x128xf32, #tpu.memory_space<vmem>>)
      } else {
      }
      %lt3A_309 = arith.constant 250 : i32
      %lt3A_310 = arith.cmpi slt, %add3A_303, %lt3A_309 : i32
      %convert_element_type3A_311 = arith.extui %lt3A_310 : i1 to i32
      %cond3A_312 = arith.constant 0 : i32
      %cond3A_313 = arith.cmpi ne, %convert_element_type3A_311, %cond3A_312 : i32
      scf.if %cond3A_313 {
        %mul3A_405 = arith.constant 10000 : i32
        %mul3A_406 = arith.muli %add3A, %mul3A_405 : i32
        %mul3A_407 = arith.constant 40 : i32
        %mul3A_408 = arith.muli %add3A_303, %mul3A_407 : i32
        %add3A_409 = arith.addi %mul3A_406, %mul3A_408 : i32
        %dma_start3A_410 = tpu.memref_slice %arg4[%add3A_409] : memref<320000xi32, #tpu.memory_space<hbm>> -> memref<40xi32, #tpu.memory_space<hbm>>
        %dma_start3A_411 = tpu.memref_slice %arg4[%add3A_409] : memref<320000xi32, #tpu.memory_space<hbm>> -> memref<40xi32, #tpu.memory_space<hbm>>
        tpu.enqueue_dma source(%dma_start3A_411 : memref<40xi32, #tpu.memory_space<hbm>>) target(%arg11 : memref<40xi32, #tpu.memory_space<vmem>>) target_semaphore(%arg26 : memref<!tpu.dma_semaphore, #tpu.memory_space<semaphore_mem>>)
        %mul3A_412 = arith.constant 40 : i32
        %mul3A_413 = arith.muli %add3A_303, %mul3A_412 : i32
        %dma_start3A_414 = tpu.memref_slice %arg6[%mul3A_413] : memref<10000xi32, #tpu.memory_space<vmem>> -> memref<40xi32, #tpu.memory_space<vmem>>
        %dma_start3A_415 = arith.constant 0 : i32
        %dma_start3A_416 = arith.constant 0 : i32
        %dma_start3A_417 = tpu.memref_slice %arg2[%dma_start3A_415, %dma_start3A_416] : memref<10000x128xf32, #tpu.memory_space<hbm>> -> memref<10000x128xf32, #tpu.memory_space<hbm>>
        tpu.enqueue_indirect_dma source(%dma_start3A_417 : memref<10000x128xf32, #tpu.memory_space<hbm>>) target(%arg18 : memref<40x128xf32, #tpu.memory_space<vmem>>) offsets(%dma_start3A_414 : memref<40xi32, #tpu.memory_space<vmem>>) semaphore(%arg33 : memref<!tpu.dma_semaphore, #tpu.memory_space<semaphore_mem>>)
      } else {
      }
      %mul3A_314 = arith.constant 7 : i32
      %mul3A_315 = arith.muli %scan3A_247, %mul3A_314 : i32
      %add3A_316 = arith.constant 5 : i32
      %add3A_317 = arith.addi %mul3A_315, %add3A_316 : i32
      %gt3A_318 = arith.constant 0 : i32
      %gt3A_319 = arith.cmpi sgt, %scan3A_247, %gt3A_318 : i32
      %convert_element_type3A_320 = arith.extui %gt3A_319 : i1 to i32
      %cond3A_321 = arith.constant 0 : i32
      %cond3A_322 = arith.cmpi ne, %convert_element_type3A_320, %cond3A_321 : i32
      scf.if %cond3A_322 {
        %dma_wait3A_405 = arith.constant 0 : i32
        %dma_wait3A_406 = arith.constant 0 : i32
        %dma_wait3A_407 = tpu.memref_slice %arg2[%dma_wait3A_405, %dma_wait3A_406] : memref<10000x128xf32, #tpu.memory_space<hbm>> -> memref<40x128xf32, #tpu.memory_space<hbm>>
        %dma_wait3A_408 = arith.constant 0 : i32
        %dma_wait3A_409 = arith.constant 0 : i32
        %dma_wait3A_410 = tpu.memref_slice %arg2[%dma_wait3A_408, %dma_wait3A_409] : memref<10000x128xf32, #tpu.memory_space<hbm>> -> memref<40x128xf32, #tpu.memory_space<hbm>>
        tpu.wait_dma2 semaphore(%arg41 : memref<!tpu.dma_semaphore, #tpu.memory_space<semaphore_mem>>) src(%dma_wait3A_410 : memref<40x128xf32, #tpu.memory_space<hbm>>) dst(%arg19 : memref<40x128xf32, #tpu.memory_space<vmem>>)
      } else {
      }
      %lt3A_323 = arith.constant 250 : i32
      %lt3A_324 = arith.cmpi slt, %add3A_317, %lt3A_323 : i32
      %convert_element_type3A_325 = arith.extui %lt3A_324 : i1 to i32
      %cond3A_326 = arith.constant 0 : i32
      %cond3A_327 = arith.cmpi ne, %convert_element_type3A_325, %cond3A_326 : i32
      scf.if %cond3A_327 {
        %mul3A_405 = arith.constant 10000 : i32
        %mul3A_406 = arith.muli %add3A, %mul3A_405 : i32
        %mul3A_407 = arith.constant 40 : i32
        %mul3A_408 = arith.muli %add3A_317, %mul3A_407 : i32
        %add3A_409 = arith.addi %mul3A_406, %mul3A_408 : i32
        %dma_start3A_410 = tpu.memref_slice %arg4[%add3A_409] : memref<320000xi32, #tpu.memory_space<hbm>> -> memref<40xi32, #tpu.memory_space<hbm>>
        %dma_start3A_411 = tpu.memref_slice %arg4[%add3A_409] : memref<320000xi32, #tpu.memory_space<hbm>> -> memref<40xi32, #tpu.memory_space<hbm>>
        tpu.enqueue_dma source(%dma_start3A_411 : memref<40xi32, #tpu.memory_space<hbm>>) target(%arg12 : memref<40xi32, #tpu.memory_space<vmem>>) target_semaphore(%arg27 : memref<!tpu.dma_semaphore, #tpu.memory_space<semaphore_mem>>)
        %mul3A_412 = arith.constant 40 : i32
        %mul3A_413 = arith.muli %add3A_317, %mul3A_412 : i32
        %dma_start3A_414 = tpu.memref_slice %arg6[%mul3A_413] : memref<10000xi32, #tpu.memory_space<vmem>> -> memref<40xi32, #tpu.memory_space<vmem>>
        %dma_start3A_415 = arith.constant 0 : i32
        %dma_start3A_416 = arith.constant 0 : i32
        %dma_start3A_417 = tpu.memref_slice %arg2[%dma_start3A_415, %dma_start3A_416] : memref<10000x128xf32, #tpu.memory_space<hbm>> -> memref<10000x128xf32, #tpu.memory_space<hbm>>
        tpu.enqueue_indirect_dma source(%dma_start3A_417 : memref<10000x128xf32, #tpu.memory_space<hbm>>) target(%arg19 : memref<40x128xf32, #tpu.memory_space<vmem>>) offsets(%dma_start3A_414 : memref<40xi32, #tpu.memory_space<vmem>>) semaphore(%arg34 : memref<!tpu.dma_semaphore, #tpu.memory_space<semaphore_mem>>)
      } else {
      }
      %mul3A_328 = arith.constant 7 : i32
      %mul3A_329 = arith.muli %scan3A_247, %mul3A_328 : i32
      %add3A_330 = arith.constant 6 : i32
      %add3A_331 = arith.addi %mul3A_329, %add3A_330 : i32
      %gt3A_332 = arith.constant 0 : i32
      %gt3A_333 = arith.cmpi sgt, %scan3A_247, %gt3A_332 : i32
      %convert_element_type3A_334 = arith.extui %gt3A_333 : i1 to i32
      %cond3A_335 = arith.constant 0 : i32
      %cond3A_336 = arith.cmpi ne, %convert_element_type3A_334, %cond3A_335 : i32
      scf.if %cond3A_336 {
        %dma_wait3A_405 = arith.constant 0 : i32
        %dma_wait3A_406 = arith.constant 0 : i32
        %dma_wait3A_407 = tpu.memref_slice %arg2[%dma_wait3A_405, %dma_wait3A_406] : memref<10000x128xf32, #tpu.memory_space<hbm>> -> memref<40x128xf32, #tpu.memory_space<hbm>>
        %dma_wait3A_408 = arith.constant 0 : i32
        %dma_wait3A_409 = arith.constant 0 : i32
        %dma_wait3A_410 = tpu.memref_slice %arg2[%dma_wait3A_408, %dma_wait3A_409] : memref<10000x128xf32, #tpu.memory_space<hbm>> -> memref<40x128xf32, #tpu.memory_space<hbm>>
        tpu.wait_dma2 semaphore(%arg42 : memref<!tpu.dma_semaphore, #tpu.memory_space<semaphore_mem>>) src(%dma_wait3A_410 : memref<40x128xf32, #tpu.memory_space<hbm>>) dst(%arg20 : memref<40x128xf32, #tpu.memory_space<vmem>>)
      } else {
      }
      %lt3A_337 = arith.constant 250 : i32
      %lt3A_338 = arith.cmpi slt, %add3A_331, %lt3A_337 : i32
      %convert_element_type3A_339 = arith.extui %lt3A_338 : i1 to i32
      %cond3A_340 = arith.constant 0 : i32
      %cond3A_341 = arith.cmpi ne, %convert_element_type3A_339, %cond3A_340 : i32
      scf.if %cond3A_341 {
        %mul3A_405 = arith.constant 10000 : i32
        %mul3A_406 = arith.muli %add3A, %mul3A_405 : i32
        %mul3A_407 = arith.constant 40 : i32
        %mul3A_408 = arith.muli %add3A_331, %mul3A_407 : i32
        %add3A_409 = arith.addi %mul3A_406, %mul3A_408 : i32
        %dma_start3A_410 = tpu.memref_slice %arg4[%add3A_409] : memref<320000xi32, #tpu.memory_space<hbm>> -> memref<40xi32, #tpu.memory_space<hbm>>
        %dma_start3A_411 = tpu.memref_slice %arg4[%add3A_409] : memref<320000xi32, #tpu.memory_space<hbm>> -> memref<40xi32, #tpu.memory_space<hbm>>
        tpu.enqueue_dma source(%dma_start3A_411 : memref<40xi32, #tpu.memory_space<hbm>>) target(%arg13 : memref<40xi32, #tpu.memory_space<vmem>>) target_semaphore(%arg28 : memref<!tpu.dma_semaphore, #tpu.memory_space<semaphore_mem>>)
        %mul3A_412 = arith.constant 40 : i32
        %mul3A_413 = arith.muli %add3A_331, %mul3A_412 : i32
        %dma_start3A_414 = tpu.memref_slice %arg6[%mul3A_413] : memref<10000xi32, #tpu.memory_space<vmem>> -> memref<40xi32, #tpu.memory_space<vmem>>
        %dma_start3A_415 = arith.constant 0 : i32
        %dma_start3A_416 = arith.constant 0 : i32
        %dma_start3A_417 = tpu.memref_slice %arg2[%dma_start3A_415, %dma_start3A_416] : memref<10000x128xf32, #tpu.memory_space<hbm>> -> memref<10000x128xf32, #tpu.memory_space<hbm>>
        tpu.enqueue_indirect_dma source(%dma_start3A_417 : memref<10000x128xf32, #tpu.memory_space<hbm>>) target(%arg20 : memref<40x128xf32, #tpu.memory_space<vmem>>) offsets(%dma_start3A_414 : memref<40xi32, #tpu.memory_space<vmem>>) semaphore(%arg35 : memref<!tpu.dma_semaphore, #tpu.memory_space<semaphore_mem>>)
      } else {
      }
      %mul3A_342 = arith.constant 7 : i32
      %mul3A_343 = arith.muli %scan3A_247, %mul3A_342 : i32
      %add3A_344 = arith.constant 0 : i32
      %add3A_345 = arith.addi %mul3A_343, %add3A_344 : i32
      %lt3A_346 = arith.constant 250 : i32
      %lt3A_347 = arith.cmpi slt, %add3A_345, %lt3A_346 : i32
      %convert_element_type3A_348 = arith.extui %lt3A_347 : i1 to i32
      %cond3A_349 = arith.constant 0 : i32
      %cond3A_350 = arith.cmpi ne, %convert_element_type3A_348, %cond3A_349 : i32
      scf.if %cond3A_350 {
        %dma_wait3A_405 = arith.constant 0 : i32
        %dma_wait3A_406 = arith.constant 0 : i32
        %dma_wait3A_407 = tpu.memref_slice %arg2[%dma_wait3A_405, %dma_wait3A_406] : memref<10000x128xf32, #tpu.memory_space<hbm>> -> memref<40x128xf32, #tpu.memory_space<hbm>>
        %dma_wait3A_408 = arith.constant 0 : i32
        %dma_wait3A_409 = arith.constant 0 : i32
        %dma_wait3A_410 = tpu.memref_slice %arg2[%dma_wait3A_408, %dma_wait3A_409] : memref<10000x128xf32, #tpu.memory_space<hbm>> -> memref<40x128xf32, #tpu.memory_space<hbm>>
        tpu.wait_dma2 semaphore(%arg29 : memref<!tpu.dma_semaphore, #tpu.memory_space<semaphore_mem>>) src(%dma_wait3A_410 : memref<40x128xf32, #tpu.memory_space<hbm>>) dst(%arg14 : memref<40x128xf32, #tpu.memory_space<vmem>>)
        %dma_wait3A_411 = arith.constant 0 : i32
        %dma_wait3A_412 = tpu.memref_slice %arg4[%dma_wait3A_411] : memref<320000xi32, #tpu.memory_space<hbm>> -> memref<40xi32, #tpu.memory_space<hbm>>
        %dma_wait3A_413 = arith.constant 0 : i32
        %dma_wait3A_414 = tpu.memref_slice %arg4[%dma_wait3A_413] : memref<320000xi32, #tpu.memory_space<hbm>> -> memref<40xi32, #tpu.memory_space<hbm>>
        tpu.wait_dma2 semaphore(%arg22 : memref<!tpu.dma_semaphore, #tpu.memory_space<semaphore_mem>>) src(%dma_wait3A_414 : memref<40xi32, #tpu.memory_space<hbm>>) dst(%arg7 : memref<40xi32, #tpu.memory_space<vmem>>)
        %dma_start3A_415 = arith.constant 0 : i32
        %dma_start3A_416 = arith.constant 0 : i32
        %dma_start3A_417 = tpu.memref_slice %arg21[%dma_start3A_415, %dma_start3A_416] : memref<10240x128xf32, #tpu.memory_space<vmem_shared>> -> memref<10240x128xf32, #tpu.memory_space<vmem_shared>>
        tpu.enqueue_indirect_dma source(%arg14 : memref<40x128xf32, #tpu.memory_space<vmem>>) target(%dma_start3A_417 : memref<10240x128xf32, #tpu.memory_space<vmem_shared>>) offsets(%arg7 : memref<40xi32, #tpu.memory_space<vmem>>) semaphore(%arg36 : memref<!tpu.dma_semaphore, #tpu.memory_space<semaphore_mem>>) {add = true}
      } else {
      }
      %mul3A_351 = arith.constant 7 : i32
      %mul3A_352 = arith.muli %scan3A_247, %mul3A_351 : i32
      %add3A_353 = arith.constant 1 : i32
      %add3A_354 = arith.addi %mul3A_352, %add3A_353 : i32
      %lt3A_355 = arith.constant 250 : i32
      %lt3A_356 = arith.cmpi slt, %add3A_354, %lt3A_355 : i32
      %convert_element_type3A_357 = arith.extui %lt3A_356 : i1 to i32
      %cond3A_358 = arith.constant 0 : i32
      %cond3A_359 = arith.cmpi ne, %convert_element_type3A_357, %cond3A_358 : i32
      scf.if %cond3A_359 {
        %dma_wait3A_405 = arith.constant 0 : i32
        %dma_wait3A_406 = arith.constant 0 : i32
        %dma_wait3A_407 = tpu.memref_slice %arg2[%dma_wait3A_405, %dma_wait3A_406] : memref<10000x128xf32, #tpu.memory_space<hbm>> -> memref<40x128xf32, #tpu.memory_space<hbm>>
        %dma_wait3A_408 = arith.constant 0 : i32
        %dma_wait3A_409 = arith.constant 0 : i32
        %dma_wait3A_410 = tpu.memref_slice %arg2[%dma_wait3A_408, %dma_wait3A_409] : memref<10000x128xf32, #tpu.memory_space<hbm>> -> memref<40x128xf32, #tpu.memory_space<hbm>>
        tpu.wait_dma2 semaphore(%arg30 : memref<!tpu.dma_semaphore, #tpu.memory_space<semaphore_mem>>) src(%dma_wait3A_410 : memref<40x128xf32, #tpu.memory_space<hbm>>) dst(%arg15 : memref<40x128xf32, #tpu.memory_space<vmem>>)
        %dma_wait3A_411 = arith.constant 0 : i32
        %dma_wait3A_412 = tpu.memref_slice %arg4[%dma_wait3A_411] : memref<320000xi32, #tpu.memory_space<hbm>> -> memref<40xi32, #tpu.memory_space<hbm>>
        %dma_wait3A_413 = arith.constant 0 : i32
        %dma_wait3A_414 = tpu.memref_slice %arg4[%dma_wait3A_413] : memref<320000xi32, #tpu.memory_space<hbm>> -> memref<40xi32, #tpu.memory_space<hbm>>
        tpu.wait_dma2 semaphore(%arg23 : memref<!tpu.dma_semaphore, #tpu.memory_space<semaphore_mem>>) src(%dma_wait3A_414 : memref<40xi32, #tpu.memory_space<hbm>>) dst(%arg8 : memref<40xi32, #tpu.memory_space<vmem>>)
        %dma_start3A_415 = arith.constant 0 : i32
        %dma_start3A_416 = arith.constant 0 : i32
        %dma_start3A_417 = tpu.memref_slice %arg21[%dma_start3A_415, %dma_start3A_416] : memref<10240x128xf32, #tpu.memory_space<vmem_shared>> -> memref<10240x128xf32, #tpu.memory_space<vmem_shared>>
        tpu.enqueue_indirect_dma source(%arg15 : memref<40x128xf32, #tpu.memory_space<vmem>>) target(%dma_start3A_417 : memref<10240x128xf32, #tpu.memory_space<vmem_shared>>) offsets(%arg8 : memref<40xi32, #tpu.memory_space<vmem>>) semaphore(%arg37 : memref<!tpu.dma_semaphore, #tpu.memory_space<semaphore_mem>>) {add = true}
      } else {
      }
      %mul3A_360 = arith.constant 7 : i32
      %mul3A_361 = arith.muli %scan3A_247, %mul3A_360 : i32
      %add3A_362 = arith.constant 2 : i32
      %add3A_363 = arith.addi %mul3A_361, %add3A_362 : i32
      %lt3A_364 = arith.constant 250 : i32
      %lt3A_365 = arith.cmpi slt, %add3A_363, %lt3A_364 : i32
      %convert_element_type3A_366 = arith.extui %lt3A_365 : i1 to i32
      %cond3A_367 = arith.constant 0 : i32
      %cond3A_368 = arith.cmpi ne, %convert_element_type3A_366, %cond3A_367 : i32
      scf.if %cond3A_368 {
        %dma_wait3A_405 = arith.constant 0 : i32
        %dma_wait3A_406 = arith.constant 0 : i32
        %dma_wait3A_407 = tpu.memref_slice %arg2[%dma_wait3A_405, %dma_wait3A_406] : memref<10000x128xf32, #tpu.memory_space<hbm>> -> memref<40x128xf32, #tpu.memory_space<hbm>>
        %dma_wait3A_408 = arith.constant 0 : i32
        %dma_wait3A_409 = arith.constant 0 : i32
        %dma_wait3A_410 = tpu.memref_slice %arg2[%dma_wait3A_408, %dma_wait3A_409] : memref<10000x128xf32, #tpu.memory_space<hbm>> -> memref<40x128xf32, #tpu.memory_space<hbm>>
        tpu.wait_dma2 semaphore(%arg31 : memref<!tpu.dma_semaphore, #tpu.memory_space<semaphore_mem>>) src(%dma_wait3A_410 : memref<40x128xf32, #tpu.memory_space<hbm>>) dst(%arg16 : memref<40x128xf32, #tpu.memory_space<vmem>>)
        %dma_wait3A_411 = arith.constant 0 : i32
        %dma_wait3A_412 = tpu.memref_slice %arg4[%dma_wait3A_411] : memref<320000xi32, #tpu.memory_space<hbm>> -> memref<40xi32, #tpu.memory_space<hbm>>
        %dma_wait3A_413 = arith.constant 0 : i32
        %dma_wait3A_414 = tpu.memref_slice %arg4[%dma_wait3A_413] : memref<320000xi32, #tpu.memory_space<hbm>> -> memref<40xi32, #tpu.memory_space<hbm>>
        tpu.wait_dma2 semaphore(%arg24 : memref<!tpu.dma_semaphore, #tpu.memory_space<semaphore_mem>>) src(%dma_wait3A_414 : memref<40xi32, #tpu.memory_space<hbm>>) dst(%arg9 : memref<40xi32, #tpu.memory_space<vmem>>)
        %dma_start3A_415 = arith.constant 0 : i32
        %dma_start3A_416 = arith.constant 0 : i32
        %dma_start3A_417 = tpu.memref_slice %arg21[%dma_start3A_415, %dma_start3A_416] : memref<10240x128xf32, #tpu.memory_space<vmem_shared>> -> memref<10240x128xf32, #tpu.memory_space<vmem_shared>>
        tpu.enqueue_indirect_dma source(%arg16 : memref<40x128xf32, #tpu.memory_space<vmem>>) target(%dma_start3A_417 : memref<10240x128xf32, #tpu.memory_space<vmem_shared>>) offsets(%arg9 : memref<40xi32, #tpu.memory_space<vmem>>) semaphore(%arg38 : memref<!tpu.dma_semaphore, #tpu.memory_space<semaphore_mem>>) {add = true}
      } else {
      }
      %mul3A_369 = arith.constant 7 : i32
      %mul3A_370 = arith.muli %scan3A_247, %mul3A_369 : i32
      %add3A_371 = arith.constant 3 : i32
      %add3A_372 = arith.addi %mul3A_370, %add3A_371 : i32
      %lt3A_373 = arith.constant 250 : i32
      %lt3A_374 = arith.cmpi slt, %add3A_372, %lt3A_373 : i32
      %convert_element_type3A_375 = arith.extui %lt3A_374 : i1 to i32
      %cond3A_376 = arith.constant 0 : i32
      %cond3A_377 = arith.cmpi ne, %convert_element_type3A_375, %cond3A_376 : i32
      scf.if %cond3A_377 {
        %dma_wait3A_405 = arith.constant 0 : i32
        %dma_wait3A_406 = arith.constant 0 : i32
        %dma_wait3A_407 = tpu.memref_slice %arg2[%dma_wait3A_405, %dma_wait3A_406] : memref<10000x128xf32, #tpu.memory_space<hbm>> -> memref<40x128xf32, #tpu.memory_space<hbm>>
        %dma_wait3A_408 = arith.constant 0 : i32
        %dma_wait3A_409 = arith.constant 0 : i32
        %dma_wait3A_410 = tpu.memref_slice %arg2[%dma_wait3A_408, %dma_wait3A_409] : memref<10000x128xf32, #tpu.memory_space<hbm>> -> memref<40x128xf32, #tpu.memory_space<hbm>>
        tpu.wait_dma2 semaphore(%arg32 : memref<!tpu.dma_semaphore, #tpu.memory_space<semaphore_mem>>) src(%dma_wait3A_410 : memref<40x128xf32, #tpu.memory_space<hbm>>) dst(%arg17 : memref<40x128xf32, #tpu.memory_space<vmem>>)
        %dma_wait3A_411 = arith.constant 0 : i32
        %dma_wait3A_412 = tpu.memref_slice %arg4[%dma_wait3A_411] : memref<320000xi32, #tpu.memory_space<hbm>> -> memref<40xi32, #tpu.memory_space<hbm>>
        %dma_wait3A_413 = arith.constant 0 : i32
        %dma_wait3A_414 = tpu.memref_slice %arg4[%dma_wait3A_413] : memref<320000xi32, #tpu.memory_space<hbm>> -> memref<40xi32, #tpu.memory_space<hbm>>
        tpu.wait_dma2 semaphore(%arg25 : memref<!tpu.dma_semaphore, #tpu.memory_space<semaphore_mem>>) src(%dma_wait3A_414 : memref<40xi32, #tpu.memory_space<hbm>>) dst(%arg10 : memref<40xi32, #tpu.memory_space<vmem>>)
        %dma_start3A_415 = arith.constant 0 : i32
        %dma_start3A_416 = arith.constant 0 : i32
        %dma_start3A_417 = tpu.memref_slice %arg21[%dma_start3A_415, %dma_start3A_416] : memref<10240x128xf32, #tpu.memory_space<vmem_shared>> -> memref<10240x128xf32, #tpu.memory_space<vmem_shared>>
        tpu.enqueue_indirect_dma source(%arg17 : memref<40x128xf32, #tpu.memory_space<vmem>>) target(%dma_start3A_417 : memref<10240x128xf32, #tpu.memory_space<vmem_shared>>) offsets(%arg10 : memref<40xi32, #tpu.memory_space<vmem>>) semaphore(%arg39 : memref<!tpu.dma_semaphore, #tpu.memory_space<semaphore_mem>>) {add = true}
      } else {
      }
      %mul3A_378 = arith.constant 7 : i32
      %mul3A_379 = arith.muli %scan3A_247, %mul3A_378 : i32
      %add3A_380 = arith.constant 4 : i32
      %add3A_381 = arith.addi %mul3A_379, %add3A_380 : i32
      %lt3A_382 = arith.constant 250 : i32
      %lt3A_383 = arith.cmpi slt, %add3A_381, %lt3A_382 : i32
      %convert_element_type3A_384 = arith.extui %lt3A_383 : i1 to i32
      %cond3A_385 = arith.constant 0 : i32
      %cond3A_386 = arith.cmpi ne, %convert_element_type3A_384, %cond3A_385 : i32
      scf.if %cond3A_386 {
        %dma_wait3A_405 = arith.constant 0 : i32
        %dma_wait3A_406 = arith.constant 0 : i32
        %dma_wait3A_407 = tpu.memref_slice %arg2[%dma_wait3A_405, %dma_wait3A_406] : memref<10000x128xf32, #tpu.memory_space<hbm>> -> memref<40x128xf32, #tpu.memory_space<hbm>>
        %dma_wait3A_408 = arith.constant 0 : i32
        %dma_wait3A_409 = arith.constant 0 : i32
        %dma_wait3A_410 = tpu.memref_slice %arg2[%dma_wait3A_408, %dma_wait3A_409] : memref<10000x128xf32, #tpu.memory_space<hbm>> -> memref<40x128xf32, #tpu.memory_space<hbm>>
        tpu.wait_dma2 semaphore(%arg33 : memref<!tpu.dma_semaphore, #tpu.memory_space<semaphore_mem>>) src(%dma_wait3A_410 : memref<40x128xf32, #tpu.memory_space<hbm>>) dst(%arg18 : memref<40x128xf32, #tpu.memory_space<vmem>>)
        %dma_wait3A_411 = arith.constant 0 : i32
        %dma_wait3A_412 = tpu.memref_slice %arg4[%dma_wait3A_411] : memref<320000xi32, #tpu.memory_space<hbm>> -> memref<40xi32, #tpu.memory_space<hbm>>
        %dma_wait3A_413 = arith.constant 0 : i32
        %dma_wait3A_414 = tpu.memref_slice %arg4[%dma_wait3A_413] : memref<320000xi32, #tpu.memory_space<hbm>> -> memref<40xi32, #tpu.memory_space<hbm>>
        tpu.wait_dma2 semaphore(%arg26 : memref<!tpu.dma_semaphore, #tpu.memory_space<semaphore_mem>>) src(%dma_wait3A_414 : memref<40xi32, #tpu.memory_space<hbm>>) dst(%arg11 : memref<40xi32, #tpu.memory_space<vmem>>)
        %dma_start3A_415 = arith.constant 0 : i32
        %dma_start3A_416 = arith.constant 0 : i32
        %dma_start3A_417 = tpu.memref_slice %arg21[%dma_start3A_415, %dma_start3A_416] : memref<10240x128xf32, #tpu.memory_space<vmem_shared>> -> memref<10240x128xf32, #tpu.memory_space<vmem_shared>>
        tpu.enqueue_indirect_dma source(%arg18 : memref<40x128xf32, #tpu.memory_space<vmem>>) target(%dma_start3A_417 : memref<10240x128xf32, #tpu.memory_space<vmem_shared>>) offsets(%arg11 : memref<40xi32, #tpu.memory_space<vmem>>) semaphore(%arg40 : memref<!tpu.dma_semaphore, #tpu.memory_space<semaphore_mem>>) {add = true}
      } else {
      }
      %mul3A_387 = arith.constant 7 : i32
      %mul3A_388 = arith.muli %scan3A_247, %mul3A_387 : i32
      %add3A_389 = arith.constant 5 : i32
      %add3A_390 = arith.addi %mul3A_388, %add3A_389 : i32
      %lt3A_391 = arith.constant 250 : i32
      %lt3A_392 = arith.cmpi slt, %add3A_390, %lt3A_391 : i32
      %convert_element_type3A_393 = arith.extui %lt3A_392 : i1 to i32
      %cond3A_394 = arith.constant 0 : i32
      %cond3A_395 = arith.cmpi ne, %convert_element_type3A_393, %cond3A_394 : i32
      scf.if %cond3A_395 {
        %dma_wait3A_405 = arith.constant 0 : i32
        %dma_wait3A_406 = arith.constant 0 : i32
        %dma_wait3A_407 = tpu.memref_slice %arg2[%dma_wait3A_405, %dma_wait3A_406] : memref<10000x128xf32, #tpu.memory_space<hbm>> -> memref<40x128xf32, #tpu.memory_space<hbm>>
        %dma_wait3A_408 = arith.constant 0 : i32
        %dma_wait3A_409 = arith.constant 0 : i32
        %dma_wait3A_410 = tpu.memref_slice %arg2[%dma_wait3A_408, %dma_wait3A_409] : memref<10000x128xf32, #tpu.memory_space<hbm>> -> memref<40x128xf32, #tpu.memory_space<hbm>>
        tpu.wait_dma2 semaphore(%arg34 : memref<!tpu.dma_semaphore, #tpu.memory_space<semaphore_mem>>) src(%dma_wait3A_410 : memref<40x128xf32, #tpu.memory_space<hbm>>) dst(%arg19 : memref<40x128xf32, #tpu.memory_space<vmem>>)
        %dma_wait3A_411 = arith.constant 0 : i32
        %dma_wait3A_412 = tpu.memref_slice %arg4[%dma_wait3A_411] : memref<320000xi32, #tpu.memory_space<hbm>> -> memref<40xi32, #tpu.memory_space<hbm>>
        %dma_wait3A_413 = arith.constant 0 : i32
        %dma_wait3A_414 = tpu.memref_slice %arg4[%dma_wait3A_413] : memref<320000xi32, #tpu.memory_space<hbm>> -> memref<40xi32, #tpu.memory_space<hbm>>
        tpu.wait_dma2 semaphore(%arg27 : memref<!tpu.dma_semaphore, #tpu.memory_space<semaphore_mem>>) src(%dma_wait3A_414 : memref<40xi32, #tpu.memory_space<hbm>>) dst(%arg12 : memref<40xi32, #tpu.memory_space<vmem>>)
        %dma_start3A_415 = arith.constant 0 : i32
        %dma_start3A_416 = arith.constant 0 : i32
        %dma_start3A_417 = tpu.memref_slice %arg21[%dma_start3A_415, %dma_start3A_416] : memref<10240x128xf32, #tpu.memory_space<vmem_shared>> -> memref<10240x128xf32, #tpu.memory_space<vmem_shared>>
        tpu.enqueue_indirect_dma source(%arg19 : memref<40x128xf32, #tpu.memory_space<vmem>>) target(%dma_start3A_417 : memref<10240x128xf32, #tpu.memory_space<vmem_shared>>) offsets(%arg12 : memref<40xi32, #tpu.memory_space<vmem>>) semaphore(%arg41 : memref<!tpu.dma_semaphore, #tpu.memory_space<semaphore_mem>>) {add = true}
      } else {
      }
      %mul3A_396 = arith.constant 7 : i32
      %mul3A_397 = arith.muli %scan3A_247, %mul3A_396 : i32
      %add3A_398 = arith.constant 6 : i32
      %add3A_399 = arith.addi %mul3A_397, %add3A_398 : i32
      %lt3A_400 = arith.constant 250 : i32
      %lt3A_401 = arith.cmpi slt, %add3A_399, %lt3A_400 : i32
      %convert_element_type3A_402 = arith.extui %lt3A_401 : i1 to i32
      %cond3A_403 = arith.constant 0 : i32
      %cond3A_404 = arith.cmpi ne, %convert_element_type3A_402, %cond3A_403 : i32
      scf.if %cond3A_404 {
        %dma_wait3A_405 = arith.constant 0 : i32
        %dma_wait3A_406 = arith.constant 0 : i32
        %dma_wait3A_407 = tpu.memref_slice %arg2[%dma_wait3A_405, %dma_wait3A_406] : memref<10000x128xf32, #tpu.memory_space<hbm>> -> memref<40x128xf32, #tpu.memory_space<hbm>>
        %dma_wait3A_408 = arith.constant 0 : i32
        %dma_wait3A_409 = arith.constant 0 : i32
        %dma_wait3A_410 = tpu.memref_slice %arg2[%dma_wait3A_408, %dma_wait3A_409] : memref<10000x128xf32, #tpu.memory_space<hbm>> -> memref<40x128xf32, #tpu.memory_space<hbm>>
        tpu.wait_dma2 semaphore(%arg35 : memref<!tpu.dma_semaphore, #tpu.memory_space<semaphore_mem>>) src(%dma_wait3A_410 : memref<40x128xf32, #tpu.memory_space<hbm>>) dst(%arg20 : memref<40x128xf32, #tpu.memory_space<vmem>>)
        %dma_wait3A_411 = arith.constant 0 : i32
        %dma_wait3A_412 = tpu.memref_slice %arg4[%dma_wait3A_411] : memref<320000xi32, #tpu.memory_space<hbm>> -> memref<40xi32, #tpu.memory_space<hbm>>
        %dma_wait3A_413 = arith.constant 0 : i32
        %dma_wait3A_414 = tpu.memref_slice %arg4[%dma_wait3A_413] : memref<320000xi32, #tpu.memory_space<hbm>> -> memref<40xi32, #tpu.memory_space<hbm>>
        tpu.wait_dma2 semaphore(%arg28 : memref<!tpu.dma_semaphore, #tpu.memory_space<semaphore_mem>>) src(%dma_wait3A_414 : memref<40xi32, #tpu.memory_space<hbm>>) dst(%arg13 : memref<40xi32, #tpu.memory_space<vmem>>)
        %dma_start3A_415 = arith.constant 0 : i32
        %dma_start3A_416 = arith.constant 0 : i32
        %dma_start3A_417 = tpu.memref_slice %arg21[%dma_start3A_415, %dma_start3A_416] : memref<10240x128xf32, #tpu.memory_space<vmem_shared>> -> memref<10240x128xf32, #tpu.memory_space<vmem_shared>>
        tpu.enqueue_indirect_dma source(%arg20 : memref<40x128xf32, #tpu.memory_space<vmem>>) target(%dma_start3A_417 : memref<10240x128xf32, #tpu.memory_space<vmem_shared>>) offsets(%arg13 : memref<40xi32, #tpu.memory_space<vmem>>) semaphore(%arg42 : memref<!tpu.dma_semaphore, #tpu.memory_space<semaphore_mem>>) {add = true}
      } else {
      }
    }
    %scan3A_208 = arith.constant 36 : i32
    %dma_wait3A_209 = arith.constant 0 : i32
    %dma_wait3A_210 = arith.constant 0 : i32
    %dma_wait3A_211 = tpu.memref_slice %arg2[%dma_wait3A_209, %dma_wait3A_210] : memref<10000x128xf32, #tpu.memory_space<hbm>> -> memref<40x128xf32, #tpu.memory_space<hbm>>
    %dma_wait3A_212 = arith.constant 0 : i32
    %dma_wait3A_213 = arith.constant 0 : i32
    %dma_wait3A_214 = tpu.memref_slice %arg2[%dma_wait3A_212, %dma_wait3A_213] : memref<10000x128xf32, #tpu.memory_space<hbm>> -> memref<40x128xf32, #tpu.memory_space<hbm>>
    tpu.wait_dma2 semaphore(%arg36 : memref<!tpu.dma_semaphore, #tpu.memory_space<semaphore_mem>>) src(%dma_wait3A_214 : memref<40x128xf32, #tpu.memory_space<hbm>>) dst(%arg14 : memref<40x128xf32, #tpu.memory_space<vmem>>)
    %dma_wait3A_215 = arith.constant 0 : i32
    %dma_wait3A_216 = arith.constant 0 : i32
    %dma_wait3A_217 = tpu.memref_slice %arg2[%dma_wait3A_215, %dma_wait3A_216] : memref<10000x128xf32, #tpu.memory_space<hbm>> -> memref<40x128xf32, #tpu.memory_space<hbm>>
    %dma_wait3A_218 = arith.constant 0 : i32
    %dma_wait3A_219 = arith.constant 0 : i32
    %dma_wait3A_220 = tpu.memref_slice %arg2[%dma_wait3A_218, %dma_wait3A_219] : memref<10000x128xf32, #tpu.memory_space<hbm>> -> memref<40x128xf32, #tpu.memory_space<hbm>>
    tpu.wait_dma2 semaphore(%arg37 : memref<!tpu.dma_semaphore, #tpu.memory_space<semaphore_mem>>) src(%dma_wait3A_220 : memref<40x128xf32, #tpu.memory_space<hbm>>) dst(%arg15 : memref<40x128xf32, #tpu.memory_space<vmem>>)
    %dma_wait3A_221 = arith.constant 0 : i32
    %dma_wait3A_222 = arith.constant 0 : i32
    %dma_wait3A_223 = tpu.memref_slice %arg2[%dma_wait3A_221, %dma_wait3A_222] : memref<10000x128xf32, #tpu.memory_space<hbm>> -> memref<40x128xf32, #tpu.memory_space<hbm>>
    %dma_wait3A_224 = arith.constant 0 : i32
    %dma_wait3A_225 = arith.constant 0 : i32
    %dma_wait3A_226 = tpu.memref_slice %arg2[%dma_wait3A_224, %dma_wait3A_225] : memref<10000x128xf32, #tpu.memory_space<hbm>> -> memref<40x128xf32, #tpu.memory_space<hbm>>
    tpu.wait_dma2 semaphore(%arg38 : memref<!tpu.dma_semaphore, #tpu.memory_space<semaphore_mem>>) src(%dma_wait3A_226 : memref<40x128xf32, #tpu.memory_space<hbm>>) dst(%arg16 : memref<40x128xf32, #tpu.memory_space<vmem>>)
    %dma_wait3A_227 = arith.constant 0 : i32
    %dma_wait3A_228 = arith.constant 0 : i32
    %dma_wait3A_229 = tpu.memref_slice %arg2[%dma_wait3A_227, %dma_wait3A_228] : memref<10000x128xf32, #tpu.memory_space<hbm>> -> memref<40x128xf32, #tpu.memory_space<hbm>>
    %dma_wait3A_230 = arith.constant 0 : i32
    %dma_wait3A_231 = arith.constant 0 : i32
    %dma_wait3A_232 = tpu.memref_slice %arg2[%dma_wait3A_230, %dma_wait3A_231] : memref<10000x128xf32, #tpu.memory_space<hbm>> -> memref<40x128xf32, #tpu.memory_space<hbm>>
    tpu.wait_dma2 semaphore(%arg39 : memref<!tpu.dma_semaphore, #tpu.memory_space<semaphore_mem>>) src(%dma_wait3A_232 : memref<40x128xf32, #tpu.memory_space<hbm>>) dst(%arg17 : memref<40x128xf32, #tpu.memory_space<vmem>>)
    %dma_wait3A_233 = arith.constant 0 : i32
    %dma_wait3A_234 = arith.constant 0 : i32
    %dma_wait3A_235 = tpu.memref_slice %arg2[%dma_wait3A_233, %dma_wait3A_234] : memref<10000x128xf32, #tpu.memory_space<hbm>> -> memref<40x128xf32, #tpu.memory_space<hbm>>
    %dma_wait3A_236 = arith.constant 0 : i32
    %dma_wait3A_237 = arith.constant 0 : i32
    %dma_wait3A_238 = tpu.memref_slice %arg2[%dma_wait3A_236, %dma_wait3A_237] : memref<10000x128xf32, #tpu.memory_space<hbm>> -> memref<40x128xf32, #tpu.memory_space<hbm>>
    tpu.wait_dma2 semaphore(%arg40 : memref<!tpu.dma_semaphore, #tpu.memory_space<semaphore_mem>>) src(%dma_wait3A_238 : memref<40x128xf32, #tpu.memory_space<hbm>>) dst(%arg18 : memref<40x128xf32, #tpu.memory_space<vmem>>)
    %barrier3A_239 = arith.constant 0 : index
    tpu.barrier barrier_id(%barrier3A_239)
    %mul3A_240 = arith.constant 640 : i32
    %mul3A_241 = arith.muli %arg1, %mul3A_240 : i32
    %mul3A_242 = arith.constant 10240 : i32
    %mul3A_243 = arith.muli %arg0, %mul3A_242 : i32
    %mul3A_244 = arith.constant 640 : i32
    %mul3A_245 = arith.muli %arg1, %mul3A_244 : i32
    %add3A_246 = arith.addi %mul3A_243, %mul3A_245 : i32
    "tpu.region"() ({
      %run_scoped3A = tpu.sem_alloc : memref<!tpu.dma_semaphore, #tpu.memory_space<semaphore_mem>>
      %dma_start3A_247 = arith.constant 0 : i32
      %dma_start3A_248 = tpu.memref_slice %arg5[%add3A_246, %dma_start3A_247] : memref<20480x128xf32, #tpu.memory_space<hbm>> -> memref<640x128xf32, #tpu.memory_space<hbm>>
      %dma_start3A_249 = arith.constant 0 : i32
      %dma_start3A_250 = tpu.memref_slice %arg21[%mul3A_241, %dma_start3A_249] : memref<10240x128xf32, #tpu.memory_space<vmem_shared>> -> memref<640x128xf32, #tpu.memory_space<vmem_shared>>
      tpu.enqueue_dma source(%dma_start3A_250 : memref<640x128xf32, #tpu.memory_space<vmem_shared>>) target(%dma_start3A_248 : memref<640x128xf32, #tpu.memory_space<hbm>>) target_semaphore(%run_scoped3A : memref<!tpu.dma_semaphore, #tpu.memory_space<semaphore_mem>>)
      %dma_wait3A_251 = arith.constant 0 : i32
      %dma_wait3A_252 = tpu.memref_slice %arg5[%add3A_246, %dma_wait3A_251] : memref<20480x128xf32, #tpu.memory_space<hbm>> -> memref<640x128xf32, #tpu.memory_space<hbm>>
      %dma_wait3A_253 = arith.constant 0 : i32
      %dma_wait3A_254 = tpu.memref_slice %arg21[%mul3A_241, %dma_wait3A_253] : memref<10240x128xf32, #tpu.memory_space<vmem_shared>> -> memref<640x128xf32, #tpu.memory_space<vmem_shared>>
      tpu.wait_dma2 semaphore(%run_scoped3A : memref<!tpu.dma_semaphore, #tpu.memory_space<semaphore_mem>>) src(%dma_wait3A_254 : memref<640x128xf32, #tpu.memory_space<vmem_shared>>) dst(%dma_wait3A_252 : memref<640x128xf32, #tpu.memory_space<hbm>>)
      tpu.yield
    }) : () -> ()
    return
  }
}

#map = affine_map<(d0, d1) -> (0, 0)>
#map1 = affine_map<(d0, d1) -> (0)>
module attributes {stable_mosaic.version = 14 : i64} {
  func.func @_agg_body(%arg0: i32, %arg1: i32, %arg2: memref<10000x128xf32, #tpu.memory_space<hbm>>, %arg3: memref<320000xi32, #tpu.memory_space<hbm>>, %arg4: memref<320000xi32, #tpu.memory_space<hbm>>, %arg5: memref<20480x128xf32, #tpu.memory_space<hbm>>, %arg6: memref<10000xi32, #tpu.memory_space<vmem>>, %arg7: memref<40xi32, #tpu.memory_space<vmem>>, %arg8: memref<40xi32, #tpu.memory_space<vmem>>, %arg9: memref<40xi32, #tpu.memory_space<vmem>>, %arg10: memref<40xi32, #tpu.memory_space<vmem>>, %arg11: memref<40xi32, #tpu.memory_space<vmem>>, %arg12: memref<40xi32, #tpu.memory_space<vmem>>, %arg13: memref<40xi32, #tpu.memory_space<vmem>>, %arg14: memref<40x128xf32, #tpu.memory_space<vmem>>, %arg15: memref<40x128xf32, #tpu.memory_space<vmem>>, %arg16: memref<40x128xf32, #tpu.memory_space<vmem>>, %arg17: memref<40x128xf32, #tpu.memory_space<vmem>>, %arg18: memref<40x128xf32, #tpu.memory_space<vmem>>, %arg19: memref<40x128xf32, #tpu.memory_space<vmem>>, %arg20: memref<40x128xf32, #tpu.memory_space<vmem>>, %arg21: memref<10240x128xf32, #tpu.memory_space<vmem_shared>>, %arg22: memref<!tpu.dma_semaphore, #tpu.memory_space<semaphore_mem>>, %arg23: memref<!tpu.dma_semaphore, #tpu.memory_space<semaphore_mem>>, %arg24: memref<!tpu.dma_semaphore, #tpu.memory_space<semaphore_mem>>, %arg25: memref<!tpu.dma_semaphore, #tpu.memory_space<semaphore_mem>>, %arg26: memref<!tpu.dma_semaphore, #tpu.memory_space<semaphore_mem>>, %arg27: memref<!tpu.dma_semaphore, #tpu.memory_space<semaphore_mem>>, %arg28: memref<!tpu.dma_semaphore, #tpu.memory_space<semaphore_mem>>, %arg29: memref<!tpu.dma_semaphore, #tpu.memory_space<semaphore_mem>>, %arg30: memref<!tpu.dma_semaphore, #tpu.memory_space<semaphore_mem>>, %arg31: memref<!tpu.dma_semaphore, #tpu.memory_space<semaphore_mem>>, %arg32: memref<!tpu.dma_semaphore, #tpu.memory_space<semaphore_mem>>, %arg33: memref<!tpu.dma_semaphore, #tpu.memory_space<semaphore_mem>>, %arg34: memref<!tpu.dma_semaphore, #tpu.memory_space<semaphore_mem>>, %arg35: memref<!tpu.dma_semaphore, #tpu.memory_space<semaphore_mem>>, %arg36: memref<!tpu.dma_semaphore, #tpu.memory_space<semaphore_mem>>, %arg37: memref<!tpu.dma_semaphore, #tpu.memory_space<semaphore_mem>>, %arg38: memref<!tpu.dma_semaphore, #tpu.memory_space<semaphore_mem>>, %arg39: memref<!tpu.dma_semaphore, #tpu.memory_space<semaphore_mem>>, %arg40: memref<!tpu.dma_semaphore, #tpu.memory_space<semaphore_mem>>, %arg41: memref<!tpu.dma_semaphore, #tpu.memory_space<semaphore_mem>>, %arg42: memref<!tpu.dma_semaphore, #tpu.memory_space<semaphore_mem>>) attributes {dimension_semantics = [#tpu.dimension_semantics<core_parallel>, #tpu.dimension_semantics<subcore_parallel>], iteration_bounds = array<i64: 2, 16>, scalar_prefetch = 0 : i64, scratch_operands = 37 : i64, tpu.core_type = #tpu.core_type<sc_vector_subcore>, window_params = [{transform_indices = #map}, {transform_indices = #map1}, {transform_indices = #map1}, {transform_indices = #map}]} {
    %mul3A = arith.constant 16 : i32
    %mul3A_0 = arith.muli %arg0, %mul3A : i32
    %add3A = arith.addi %mul3A_0, %arg1 : i32
    %broadcast_in_dim3A = arith.constant 0.000000e+00 : f32
    %broadcast_in_dim3A_1 = vector.broadcast %broadcast_in_dim3A : f32 to vector<16xf32>
    %scan3A = arith.constant 0 : i32
    %scan3A_2 = arith.constant 0 : i32
    %scan3A_3 = arith.constant 40 : i32
    %scan3A_4 = arith.addi %scan3A_2, %scan3A_3 : i32
    %scan3A_5 = arith.constant 1 : i32
    scf.for %scan3A_247 = %scan3A_2 to %scan3A_4 step %scan3A_5  : i32 {
      %scan3A_248 = arith.constant 0 : i32
      %scan3A_249 = arith.constant 8 : i32
      %scan3A_250 = arith.addi %scan3A_248, %scan3A_249 : i32
      %scan3A_251 = arith.constant 1 : i32
      scf.for %scan3A_253 = %scan3A_248 to %scan3A_250 step %scan3A_251  : i32 {
        %mul3A_254 = arith.constant 16 : i32
        %mul3A_255 = arith.muli %scan3A_253, %mul3A_254 : i32
        %swap3A = arith.index_cast %scan3A_247 : i32 to index
        %swap3A_256 = arith.index_cast %mul3A_255 : i32 to index
        %swap3A_257 = tpu.vector_load %arg14[%swap3A, %swap3A_256] {strides = array<i32>} : memref<40x128xf32, #tpu.memory_space<vmem>>, vector<16xf32>,
        tpu.vector_store %arg14[%swap3A, %swap3A_256], %broadcast_in_dim3A_1 {strides = array<i32>} : memref<40x128xf32, #tpu.memory_space<vmem>>, vector<16xf32>,
      }
      %scan3A_252 = arith.constant 8 : i32
    }
    %scan3A_6 = arith.constant 40 : i32
    %mul3A_7 = arith.constant 10000 : i32
    %mul3A_8 = arith.muli %add3A, %mul3A_7 : i32
    %dma_start3A = tpu.memref_slice %arg3[%mul3A_8] : memref<320000xi32, #tpu.memory_space<hbm>> -> memref<10000xi32, #tpu.memory_space<hbm>>
    %dma_start3A_9 = tpu.memref_slice %arg3[%mul3A_8] : memref<320000xi32, #tpu.memory_space<hbm>> -> memref<10000xi32, #tpu.memory_space<hbm>>
    tpu.enqueue_dma source(%dma_start3A_9 : memref<10000xi32, #tpu.memory_space<hbm>>) target(%arg6 : memref<10000xi32, #tpu.memory_space<vmem>>) target_semaphore(%arg22 : memref<!tpu.dma_semaphore, #tpu.memory_space<semaphore_mem>>)
    %mul3A_10 = arith.constant 640 : i32
    %mul3A_11 = arith.muli %arg1, %mul3A_10 : i32
    %add3A_12 = arith.constant 0 : i32
    %add3A_13 = arith.addi %mul3A_11, %add3A_12 : i32
    %dma_start3A_14 = arith.constant 0 : i32
    %dma_start3A_15 = tpu.memref_slice %arg21[%add3A_13, %dma_start3A_14] : memref<10240x128xf32, #tpu.memory_space<vmem_shared>> -> memref<40x128xf32, #tpu.memory_space<vmem_shared>>
    %dma_start3A_16 = arith.constant 0 : i32
    %dma_start3A_17 = tpu.memref_slice %arg21[%add3A_13, %dma_start3A_16] : memref<10240x128xf32, #tpu.memory_space<vmem_shared>> -> memref<40x128xf32, #tpu.memory_space<vmem_shared>>
    tpu.enqueue_dma source(%arg14 : memref<40x128xf32, #tpu.memory_space<vmem>>) target(%dma_start3A_17 : memref<40x128xf32, #tpu.memory_space<vmem_shared>>) target_semaphore(%arg29 : memref<!tpu.dma_semaphore, #tpu.memory_space<semaphore_mem>>)
    %mul3A_18 = arith.constant 640 : i32
    %mul3A_19 = arith.muli %arg1, %mul3A_18 : i32
    %add3A_20 = arith.constant 40 : i32
    %add3A_21 = arith.addi %mul3A_19, %add3A_20 : i32
    %dma_start3A_22 = arith.constant 0 : i32
    %dma_start3A_23 = tpu.memref_slice %arg21[%add3A_21, %dma_start3A_22] : memref<10240x128xf32, #tpu.memory_space<vmem_shared>> -> memref<40x128xf32, #tpu.memory_space<vmem_shared>>
    %dma_start3A_24 = arith.constant 0 : i32
    %dma_start3A_25 = tpu.memref_slice %arg21[%add3A_21, %dma_start3A_24] : memref<10240x128xf32, #tpu.memory_space<vmem_shared>> -> memref<40x128xf32, #tpu.memory_space<vmem_shared>>
    tpu.enqueue_dma source(%arg14 : memref<40x128xf32, #tpu.memory_space<vmem>>) target(%dma_start3A_25 : memref<40x128xf32, #tpu.memory_space<vmem_shared>>) target_semaphore(%arg29 : memref<!tpu.dma_semaphore, #tpu.memory_space<semaphore_mem>>)
    %mul3A_26 = arith.constant 640 : i32
    %mul3A_27 = arith.muli %arg1, %mul3A_26 : i32
    %add3A_28 = arith.constant 80 : i32
    %add3A_29 = arith.addi %mul3A_27, %add3A_28 : i32
    %dma_start3A_30 = arith.constant 0 : i32
    %dma_start3A_31 = tpu.memref_slice %arg21[%add3A_29, %dma_start3A_30] : memref<10240x128xf32, #tpu.memory_space<vmem_shared>> -> memref<40x128xf32, #tpu.memory_space<vmem_shared>>
    %dma_start3A_32 = arith.constant 0 : i32
    %dma_start3A_33 = tpu.memref_slice %arg21[%add3A_29, %dma_start3A_32] : memref<10240x128xf32, #tpu.memory_space<vmem_shared>> -> memref<40x128xf32, #tpu.memory_space<vmem_shared>>
    tpu.enqueue_dma source(%arg14 : memref<40x128xf32, #tpu.memory_space<vmem>>) target(%dma_start3A_33 : memref<40x128xf32, #tpu.memory_space<vmem_shared>>) target_semaphore(%arg29 : memref<!tpu.dma_semaphore, #tpu.memory_space<semaphore_mem>>)
    %mul3A_34 = arith.constant 640 : i32
    %mul3A_35 = arith.muli %arg1, %mul3A_34 : i32
    %add3A_36 = arith.constant 120 : i32
    %add3A_37 = arith.addi %mul3A_35, %add3A_36 : i32
    %dma_start3A_38 = arith.constant 0 : i32
    %dma_start3A_39 = tpu.memref_slice %arg21[%add3A_37, %dma_start3A_38] : memref<10240x128xf32, #tpu.memory_space<vmem_shared>> -> memref<40x128xf32, #tpu.memory_space<vmem_shared>>
    %dma_start3A_40 = arith.constant 0 : i32
    %dma_start3A_41 = tpu.memref_slice %arg21[%add3A_37, %dma_start3A_40] : memref<10240x128xf32, #tpu.memory_space<vmem_shared>> -> memref<40x128xf32, #tpu.memory_space<vmem_shared>>
    tpu.enqueue_dma source(%arg14 : memref<40x128xf32, #tpu.memory_space<vmem>>) target(%dma_start3A_41 : memref<40x128xf32, #tpu.memory_space<vmem_shared>>) target_semaphore(%arg29 : memref<!tpu.dma_semaphore, #tpu.memory_space<semaphore_mem>>)
    %mul3A_42 = arith.constant 640 : i32
    %mul3A_43 = arith.muli %arg1, %mul3A_42 : i32
    %add3A_44 = arith.constant 160 : i32
    %add3A_45 = arith.addi %mul3A_43, %add3A_44 : i32
    %dma_start3A_46 = arith.constant 0 : i32
    %dma_start3A_47 = tpu.memref_slice %arg21[%add3A_45, %dma_start3A_46] : memref<10240x128xf32, #tpu.memory_space<vmem_shared>> -> memref<40x128xf32, #tpu.memory_space<vmem_shared>>
    %dma_start3A_48 = arith.constant 0 : i32
    %dma_start3A_49 = tpu.memref_slice %arg21[%add3A_45, %dma_start3A_48] : memref<10240x128xf32, #tpu.memory_space<vmem_shared>> -> memref<40x128xf32, #tpu.memory_space<vmem_shared>>
    tpu.enqueue_dma source(%arg14 : memref<40x128xf32, #tpu.memory_space<vmem>>) target(%dma_start3A_49 : memref<40x128xf32, #tpu.memory_space<vmem_shared>>) target_semaphore(%arg29 : memref<!tpu.dma_semaphore, #tpu.memory_space<semaphore_mem>>)
    %mul3A_50 = arith.constant 640 : i32
    %mul3A_51 = arith.muli %arg1, %mul3A_50 : i32
    %add3A_52 = arith.constant 200 : i32
    %add3A_53 = arith.addi %mul3A_51, %add3A_52 : i32
    %dma_start3A_54 = arith.constant 0 : i32
    %dma_start3A_55 = tpu.memref_slice %arg21[%add3A_53, %dma_start3A_54] : memref<10240x128xf32, #tpu.memory_space<vmem_shared>> -> memref<40x128xf32, #tpu.memory_space<vmem_shared>>
    %dma_start3A_56 = arith.constant 0 : i32
    %dma_start3A_57 = tpu.memref_slice %arg21[%add3A_53, %dma_start3A_56] : memref<10240x128xf32, #tpu.memory_space<vmem_shared>> -> memref<40x128xf32, #tpu.memory_space<vmem_shared>>
    tpu.enqueue_dma source(%arg14 : memref<40x128xf32, #tpu.memory_space<vmem>>) target(%dma_start3A_57 : memref<40x128xf32, #tpu.memory_space<vmem_shared>>) target_semaphore(%arg29 : memref<!tpu.dma_semaphore, #tpu.memory_space<semaphore_mem>>)
    %mul3A_58 = arith.constant 640 : i32
    %mul3A_59 = arith.muli %arg1, %mul3A_58 : i32
    %add3A_60 = arith.constant 240 : i32
    %add3A_61 = arith.addi %mul3A_59, %add3A_60 : i32
    %dma_start3A_62 = arith.constant 0 : i32
    %dma_start3A_63 = tpu.memref_slice %arg21[%add3A_61, %dma_start3A_62] : memref<10240x128xf32, #tpu.memory_space<vmem_shared>> -> memref<40x128xf32, #tpu.memory_space<vmem_shared>>
    %dma_start3A_64 = arith.constant 0 : i32
    %dma_start3A_65 = tpu.memref_slice %arg21[%add3A_61, %dma_start3A_64] : memref<10240x128xf32, #tpu.memory_space<vmem_shared>> -> memref<40x128xf32, #tpu.memory_space<vmem_shared>>
    tpu.enqueue_dma source(%arg14 : memref<40x128xf32, #tpu.memory_space<vmem>>) target(%dma_start3A_65 : memref<40x128xf32, #tpu.memory_space<vmem_shared>>) target_semaphore(%arg29 : memref<!tpu.dma_semaphore, #tpu.memory_space<semaphore_mem>>)
    %mul3A_66 = arith.constant 640 : i32
    %mul3A_67 = arith.muli %arg1, %mul3A_66 : i32
    %add3A_68 = arith.constant 280 : i32
    %add3A_69 = arith.addi %mul3A_67, %add3A_68 : i32
    %dma_start3A_70 = arith.constant 0 : i32
    %dma_start3A_71 = tpu.memref_slice %arg21[%add3A_69, %dma_start3A_70] : memref<10240x128xf32, #tpu.memory_space<vmem_shared>> -> memref<40x128xf32, #tpu.memory_space<vmem_shared>>
    %dma_start3A_72 = arith.constant 0 : i32
    %dma_start3A_73 = tpu.memref_slice %arg21[%add3A_69, %dma_start3A_72] : memref<10240x128xf32, #tpu.memory_space<vmem_shared>> -> memref<40x128xf32, #tpu.memory_space<vmem_shared>>
    tpu.enqueue_dma source(%arg14 : memref<40x128xf32, #tpu.memory_space<vmem>>) target(%dma_start3A_73 : memref<40x128xf32, #tpu.memory_space<vmem_shared>>) target_semaphore(%arg29 : memref<!tpu.dma_semaphore, #tpu.memory_space<semaphore_mem>>)
    %mul3A_74 = arith.constant 640 : i32
    %mul3A_75 = arith.muli %arg1, %mul3A_74 : i32
    %add3A_76 = arith.constant 320 : i32
    %add3A_77 = arith.addi %mul3A_75, %add3A_76 : i32
    %dma_start3A_78 = arith.constant 0 : i32
    %dma_start3A_79 = tpu.memref_slice %arg21[%add3A_77, %dma_start3A_78] : memref<10240x128xf32, #tpu.memory_space<vmem_shared>> -> memref<40x128xf32, #tpu.memory_space<vmem_shared>>
    %dma_start3A_80 = arith.constant 0 : i32
    %dma_start3A_81 = tpu.memref_slice %arg21[%add3A_77, %dma_start3A_80] : memref<10240x128xf32, #tpu.memory_space<vmem_shared>> -> memref<40x128xf32, #tpu.memory_space<vmem_shared>>
    tpu.enqueue_dma source(%arg14 : memref<40x128xf32, #tpu.memory_space<vmem>>) target(%dma_start3A_81 : memref<40x128xf32, #tpu.memory_space<vmem_shared>>) target_semaphore(%arg29 : memref<!tpu.dma_semaphore, #tpu.memory_space<semaphore_mem>>)
    %mul3A_82 = arith.constant 640 : i32
    %mul3A_83 = arith.muli %arg1, %mul3A_82 : i32
    %add3A_84 = arith.constant 360 : i32
    %add3A_85 = arith.addi %mul3A_83, %add3A_84 : i32
    %dma_start3A_86 = arith.constant 0 : i32
    %dma_start3A_87 = tpu.memref_slice %arg21[%add3A_85, %dma_start3A_86] : memref<10240x128xf32, #tpu.memory_space<vmem_shared>> -> memref<40x128xf32, #tpu.memory_space<vmem_shared>>
    %dma_start3A_88 = arith.constant 0 : i32
    %dma_start3A_89 = tpu.memref_slice %arg21[%add3A_85, %dma_start3A_88] : memref<10240x128xf32, #tpu.memory_space<vmem_shared>> -> memref<40x128xf32, #tpu.memory_space<vmem_shared>>
    tpu.enqueue_dma source(%arg14 : memref<40x128xf32, #tpu.memory_space<vmem>>) target(%dma_start3A_89 : memref<40x128xf32, #tpu.memory_space<vmem_shared>>) target_semaphore(%arg29 : memref<!tpu.dma_semaphore, #tpu.memory_space<semaphore_mem>>)
    %mul3A_90 = arith.constant 640 : i32
    %mul3A_91 = arith.muli %arg1, %mul3A_90 : i32
    %add3A_92 = arith.constant 400 : i32
    %add3A_93 = arith.addi %mul3A_91, %add3A_92 : i32
    %dma_start3A_94 = arith.constant 0 : i32
    %dma_start3A_95 = tpu.memref_slice %arg21[%add3A_93, %dma_start3A_94] : memref<10240x128xf32, #tpu.memory_space<vmem_shared>> -> memref<40x128xf32, #tpu.memory_space<vmem_shared>>
    %dma_start3A_96 = arith.constant 0 : i32
    %dma_start3A_97 = tpu.memref_slice %arg21[%add3A_93, %dma_start3A_96] : memref<10240x128xf32, #tpu.memory_space<vmem_shared>> -> memref<40x128xf32, #tpu.memory_space<vmem_shared>>
    tpu.enqueue_dma source(%arg14 : memref<40x128xf32, #tpu.memory_space<vmem>>) target(%dma_start3A_97 : memref<40x128xf32, #tpu.memory_space<vmem_shared>>) target_semaphore(%arg29 : memref<!tpu.dma_semaphore, #tpu.memory_space<semaphore_mem>>)
    %mul3A_98 = arith.constant 640 : i32
    %mul3A_99 = arith.muli %arg1, %mul3A_98 : i32
    %add3A_100 = arith.constant 440 : i32
    %add3A_101 = arith.addi %mul3A_99, %add3A_100 : i32
    %dma_start3A_102 = arith.constant 0 : i32
    %dma_start3A_103 = tpu.memref_slice %arg21[%add3A_101, %dma_start3A_102] : memref<10240x128xf32, #tpu.memory_space<vmem_shared>> -> memref<40x128xf32, #tpu.memory_space<vmem_shared>>
    %dma_start3A_104 = arith.constant 0 : i32
    %dma_start3A_105 = tpu.memref_slice %arg21[%add3A_101, %dma_start3A_104] : memref<10240x128xf32, #tpu.memory_space<vmem_shared>> -> memref<40x128xf32, #tpu.memory_space<vmem_shared>>
    tpu.enqueue_dma source(%arg14 : memref<40x128xf32, #tpu.memory_space<vmem>>) target(%dma_start3A_105 : memref<40x128xf32, #tpu.memory_space<vmem_shared>>) target_semaphore(%arg29 : memref<!tpu.dma_semaphore, #tpu.memory_space<semaphore_mem>>)
    %mul3A_106 = arith.constant 640 : i32
    %mul3A_107 = arith.muli %arg1, %mul3A_106 : i32
    %add3A_108 = arith.constant 480 : i32
    %add3A_109 = arith.addi %mul3A_107, %add3A_108 : i32
    %dma_start3A_110 = arith.constant 0 : i32
    %dma_start3A_111 = tpu.memref_slice %arg21[%add3A_109, %dma_start3A_110] : memref<10240x128xf32, #tpu.memory_space<vmem_shared>> -> memref<40x128xf32, #tpu.memory_space<vmem_shared>>
    %dma_start3A_112 = arith.constant 0 : i32
    %dma_start3A_113 = tpu.memref_slice %arg21[%add3A_109, %dma_start3A_112] : memref<10240x128xf32, #tpu.memory_space<vmem_shared>> -> memref<40x128xf32, #tpu.memory_space<vmem_shared>>
    tpu.enqueue_dma source(%arg14 : memref<40x128xf32, #tpu.memory_space<vmem>>) target(%dma_start3A_113 : memref<40x128xf32, #tpu.memory_space<vmem_shared>>) target_semaphore(%arg29 : memref<!tpu.dma_semaphore, #tpu.memory_space<semaphore_mem>>)
    %mul3A_114 = arith.constant 640 : i32
    %mul3A_115 = arith.muli %arg1, %mul3A_114 : i32
    %add3A_116 = arith.constant 520 : i32
    %add3A_117 = arith.addi %mul3A_115, %add3A_116 : i32
    %dma_start3A_118 = arith.constant 0 : i32
    %dma_start3A_119 = tpu.memref_slice %arg21[%add3A_117, %dma_start3A_118] : memref<10240x128xf32, #tpu.memory_space<vmem_shared>> -> memref<40x128xf32, #tpu.memory_space<vmem_shared>>
    %dma_start3A_120 = arith.constant 0 : i32
    %dma_start3A_121 = tpu.memref_slice %arg21[%add3A_117, %dma_start3A_120] : memref<10240x128xf32, #tpu.memory_space<vmem_shared>> -> memref<40x128xf32, #tpu.memory_space<vmem_shared>>
    tpu.enqueue_dma source(%arg14 : memref<40x128xf32, #tpu.memory_space<vmem>>) target(%dma_start3A_121 : memref<40x128xf32, #tpu.memory_space<vmem_shared>>) target_semaphore(%arg29 : memref<!tpu.dma_semaphore, #tpu.memory_space<semaphore_mem>>)
    %mul3A_122 = arith.constant 640 : i32
    %mul3A_123 = arith.muli %arg1, %mul3A_122 : i32
    %add3A_124 = arith.constant 560 : i32
    %add3A_125 = arith.addi %mul3A_123, %add3A_124 : i32
    %dma_start3A_126 = arith.constant 0 : i32
    %dma_start3A_127 = tpu.memref_slice %arg21[%add3A_125, %dma_start3A_126] : memref<10240x128xf32, #tpu.memory_space<vmem_shared>> -> memref<40x128xf32, #tpu.memory_space<vmem_shared>>
    %dma_start3A_128 = arith.constant 0 : i32
    %dma_start3A_129 = tpu.memref_slice %arg21[%add3A_125, %dma_start3A_128] : memref<10240x128xf32, #tpu.memory_space<vmem_shared>> -> memref<40x128xf32, #tpu.memory_space<vmem_shared>>
    tpu.enqueue_dma source(%arg14 : memref<40x128xf32, #tpu.memory_space<vmem>>) target(%dma_start3A_129 : memref<40x128xf32, #tpu.memory_space<vmem_shared>>) target_semaphore(%arg29 : memref<!tpu.dma_semaphore, #tpu.memory_space<semaphore_mem>>)
    %mul3A_130 = arith.constant 640 : i32
    %mul3A_131 = arith.muli %arg1, %mul3A_130 : i32
    %add3A_132 = arith.constant 600 : i32
    %add3A_133 = arith.addi %mul3A_131, %add3A_132 : i32
    %dma_start3A_134 = arith.constant 0 : i32
    %dma_start3A_135 = tpu.memref_slice %arg21[%add3A_133, %dma_start3A_134] : memref<10240x128xf32, #tpu.memory_space<vmem_shared>> -> memref<40x128xf32, #tpu.memory_space<vmem_shared>>
    %dma_start3A_136 = arith.constant 0 : i32
    %dma_start3A_137 = tpu.memref_slice %arg21[%add3A_133, %dma_start3A_136] : memref<10240x128xf32, #tpu.memory_space<vmem_shared>> -> memref<40x128xf32, #tpu.memory_space<vmem_shared>>
    tpu.enqueue_dma source(%arg14 : memref<40x128xf32, #tpu.memory_space<vmem>>) target(%dma_start3A_137 : memref<40x128xf32, #tpu.memory_space<vmem_shared>>) target_semaphore(%arg29 : memref<!tpu.dma_semaphore, #tpu.memory_space<semaphore_mem>>)
    %dma_wait3A = arith.constant 0 : i32
    %dma_wait3A_138 = tpu.memref_slice %arg21[%add3A_13, %dma_wait3A] : memref<10240x128xf32, #tpu.memory_space<vmem_shared>> -> memref<40x128xf32, #tpu.memory_space<vmem_shared>>
    %dma_wait3A_139 = arith.constant 0 : i32
    %dma_wait3A_140 = tpu.memref_slice %arg21[%add3A_13, %dma_wait3A_139] : memref<10240x128xf32, #tpu.memory_space<vmem_shared>> -> memref<40x128xf32, #tpu.memory_space<vmem_shared>>
    tpu.wait_dma2 semaphore(%arg29 : memref<!tpu.dma_semaphore, #tpu.memory_space<semaphore_mem>>) src(%arg14 : memref<40x128xf32, #tpu.memory_space<vmem>>) dst(%dma_wait3A_140 : memref<40x128xf32, #tpu.memory_space<vmem_shared>>)
    %dma_wait3A_141 = arith.constant 0 : i32
    %dma_wait3A_142 = tpu.memref_slice %arg21[%add3A_21, %dma_wait3A_141] : memref<10240x128xf32, #tpu.memory_space<vmem_shared>> -> memref<40x128xf32, #tpu.memory_space<vmem_shared>>
    %dma_wait3A_143 = arith.constant 0 : i32
    %dma_wait3A_144 = tpu.memref_slice %arg21[%add3A_21, %dma_wait3A_143] : memref<10240x128xf32, #tpu.memory_space<vmem_shared>> -> memref<40x128xf32, #tpu.memory_space<vmem_shared>>
    tpu.wait_dma2 semaphore(%arg29 : memref<!tpu.dma_semaphore, #tpu.memory_space<semaphore_mem>>) src(%arg14 : memref<40x128xf32, #tpu.memory_space<vmem>>) dst(%dma_wait3A_144 : memref<40x128xf32, #tpu.memory_space<vmem_shared>>)
    %dma_wait3A_145 = arith.constant 0 : i32
    %dma_wait3A_146 = tpu.memref_slice %arg21[%add3A_29, %dma_wait3A_145] : memref<10240x128xf32, #tpu.memory_space<vmem_shared>> -> memref<40x128xf32, #tpu.memory_space<vmem_shared>>
    %dma_wait3A_147 = arith.constant 0 : i32
    %dma_wait3A_148 = tpu.memref_slice %arg21[%add3A_29, %dma_wait3A_147] : memref<10240x128xf32, #tpu.memory_space<vmem_shared>> -> memref<40x128xf32, #tpu.memory_space<vmem_shared>>
    tpu.wait_dma2 semaphore(%arg29 : memref<!tpu.dma_semaphore, #tpu.memory_space<semaphore_mem>>) src(%arg14 : memref<40x128xf32, #tpu.memory_space<vmem>>) dst(%dma_wait3A_148 : memref<40x128xf32, #tpu.memory_space<vmem_shared>>)
    %dma_wait3A_149 = arith.constant 0 : i32
    %dma_wait3A_150 = tpu.memref_slice %arg21[%add3A_37, %dma_wait3A_149] : memref<10240x128xf32, #tpu.memory_space<vmem_shared>> -> memref<40x128xf32, #tpu.memory_space<vmem_shared>>
    %dma_wait3A_151 = arith.constant 0 : i32
    %dma_wait3A_152 = tpu.memref_slice %arg21[%add3A_37, %dma_wait3A_151] : memref<10240x128xf32, #tpu.memory_space<vmem_shared>> -> memref<40x128xf32, #tpu.memory_space<vmem_shared>>
    tpu.wait_dma2 semaphore(%arg29 : memref<!tpu.dma_semaphore, #tpu.memory_space<semaphore_mem>>) src(%arg14 : memref<40x128xf32, #tpu.memory_space<vmem>>) dst(%dma_wait3A_152 : memref<40x128xf32, #tpu.memory_space<vmem_shared>>)
    %dma_wait3A_153 = arith.constant 0 : i32
    %dma_wait3A_154 = tpu.memref_slice %arg21[%add3A_45, %dma_wait3A_153] : memref<10240x128xf32, #tpu.memory_space<vmem_shared>> -> memref<40x128xf32, #tpu.memory_space<vmem_shared>>
    %dma_wait3A_155 = arith.constant 0 : i32
    %dma_wait3A_156 = tpu.memref_slice %arg21[%add3A_45, %dma_wait3A_155] : memref<10240x128xf32, #tpu.memory_space<vmem_shared>> -> memref<40x128xf32, #tpu.memory_space<vmem_shared>>
    tpu.wait_dma2 semaphore(%arg29 : memref<!tpu.dma_semaphore, #tpu.memory_space<semaphore_mem>>) src(%arg14 : memref<40x128xf32, #tpu.memory_space<vmem>>) dst(%dma_wait3A_156 : memref<40x128xf32, #tpu.memory_space<vmem_shared>>)
    %dma_wait3A_157 = arith.constant 0 : i32
    %dma_wait3A_158 = tpu.memref_slice %arg21[%add3A_53, %dma_wait3A_157] : memref<10240x128xf32, #tpu.memory_space<vmem_shared>> -> memref<40x128xf32, #tpu.memory_space<vmem_shared>>
    %dma_wait3A_159 = arith.constant 0 : i32
    %dma_wait3A_160 = tpu.memref_slice %arg21[%add3A_53, %dma_wait3A_159] : memref<10240x128xf32, #tpu.memory_space<vmem_shared>> -> memref<40x128xf32, #tpu.memory_space<vmem_shared>>
    tpu.wait_dma2 semaphore(%arg29 : memref<!tpu.dma_semaphore, #tpu.memory_space<semaphore_mem>>) src(%arg14 : memref<40x128xf32, #tpu.memory_space<vmem>>) dst(%dma_wait3A_160 : memref<40x128xf32, #tpu.memory_space<vmem_shared>>)
    %dma_wait3A_161 = arith.constant 0 : i32
    %dma_wait3A_162 = tpu.memref_slice %arg21[%add3A_61, %dma_wait3A_161] : memref<10240x128xf32, #tpu.memory_space<vmem_shared>> -> memref<40x128xf32, #tpu.memory_space<vmem_shared>>
    %dma_wait3A_163 = arith.constant 0 : i32
    %dma_wait3A_164 = tpu.memref_slice %arg21[%add3A_61, %dma_wait3A_163] : memref<10240x128xf32, #tpu.memory_space<vmem_shared>> -> memref<40x128xf32, #tpu.memory_space<vmem_shared>>
    tpu.wait_dma2 semaphore(%arg29 : memref<!tpu.dma_semaphore, #tpu.memory_space<semaphore_mem>>) src(%arg14 : memref<40x128xf32, #tpu.memory_space<vmem>>) dst(%dma_wait3A_164 : memref<40x128xf32, #tpu.memory_space<vmem_shared>>)
    %dma_wait3A_165 = arith.constant 0 : i32
    %dma_wait3A_166 = tpu.memref_slice %arg21[%add3A_69, %dma_wait3A_165] : memref<10240x128xf32, #tpu.memory_space<vmem_shared>> -> memref<40x128xf32, #tpu.memory_space<vmem_shared>>
    %dma_wait3A_167 = arith.constant 0 : i32
    %dma_wait3A_168 = tpu.memref_slice %arg21[%add3A_69, %dma_wait3A_167] : memref<10240x128xf32, #tpu.memory_space<vmem_shared>> -> memref<40x128xf32, #tpu.memory_space<vmem_shared>>
    tpu.wait_dma2 semaphore(%arg29 : memref<!tpu.dma_semaphore, #tpu.memory_space<semaphore_mem>>) src(%arg14 : memref<40x128xf32, #tpu.memory_space<vmem>>) dst(%dma_wait3A_168 : memref<40x128xf32, #tpu.memory_space<vmem_shared>>)
    %dma_wait3A_169 = arith.constant 0 : i32
    %dma_wait3A_170 = tpu.memref_slice %arg21[%add3A_77, %dma_wait3A_169] : memref<10240x128xf32, #tpu.memory_space<vmem_shared>> -> memref<40x128xf32, #tpu.memory_space<vmem_shared>>
    %dma_wait3A_171 = arith.constant 0 : i32
    %dma_wait3A_172 = tpu.memref_slice %arg21[%add3A_77, %dma_wait3A_171] : memref<10240x128xf32, #tpu.memory_space<vmem_shared>> -> memref<40x128xf32, #tpu.memory_space<vmem_shared>>
    tpu.wait_dma2 semaphore(%arg29 : memref<!tpu.dma_semaphore, #tpu.memory_space<semaphore_mem>>) src(%arg14 : memref<40x128xf32, #tpu.memory_space<vmem>>) dst(%dma_wait3A_172 : memref<40x128xf32, #tpu.memory_space<vmem_shared>>)
    %dma_wait3A_173 = arith.constant 0 : i32
    %dma_wait3A_174 = tpu.memref_slice %arg21[%add3A_85, %dma_wait3A_173] : memref<10240x128xf32, #tpu.memory_space<vmem_shared>> -> memref<40x128xf32, #tpu.memory_space<vmem_shared>>
    %dma_wait3A_175 = arith.constant 0 : i32
    %dma_wait3A_176 = tpu.memref_slice %arg21[%add3A_85, %dma_wait3A_175] : memref<10240x128xf32, #tpu.memory_space<vmem_shared>> -> memref<40x128xf32, #tpu.memory_space<vmem_shared>>
    tpu.wait_dma2 semaphore(%arg29 : memref<!tpu.dma_semaphore, #tpu.memory_space<semaphore_mem>>) src(%arg14 : memref<40x128xf32, #tpu.memory_space<vmem>>) dst(%dma_wait3A_176 : memref<40x128xf32, #tpu.memory_space<vmem_shared>>)
    %dma_wait3A_177 = arith.constant 0 : i32
    %dma_wait3A_178 = tpu.memref_slice %arg21[%add3A_93, %dma_wait3A_177] : memref<10240x128xf32, #tpu.memory_space<vmem_shared>> -> memref<40x128xf32, #tpu.memory_space<vmem_shared>>
    %dma_wait3A_179 = arith.constant 0 : i32
    %dma_wait3A_180 = tpu.memref_slice %arg21[%add3A_93, %dma_wait3A_179] : memref<10240x128xf32, #tpu.memory_space<vmem_shared>> -> memref<40x128xf32, #tpu.memory_space<vmem_shared>>
    tpu.wait_dma2 semaphore(%arg29 : memref<!tpu.dma_semaphore, #tpu.memory_space<semaphore_mem>>) src(%arg14 : memref<40x128xf32, #tpu.memory_space<vmem>>) dst(%dma_wait3A_180 : memref<40x128xf32, #tpu.memory_space<vmem_shared>>)
    %dma_wait3A_181 = arith.constant 0 : i32
    %dma_wait3A_182 = tpu.memref_slice %arg21[%add3A_101, %dma_wait3A_181] : memref<10240x128xf32, #tpu.memory_space<vmem_shared>> -> memref<40x128xf32, #tpu.memory_space<vmem_shared>>
    %dma_wait3A_183 = arith.constant 0 : i32
    %dma_wait3A_184 = tpu.memref_slice %arg21[%add3A_101, %dma_wait3A_183] : memref<10240x128xf32, #tpu.memory_space<vmem_shared>> -> memref<40x128xf32, #tpu.memory_space<vmem_shared>>
    tpu.wait_dma2 semaphore(%arg29 : memref<!tpu.dma_semaphore, #tpu.memory_space<semaphore_mem>>) src(%arg14 : memref<40x128xf32, #tpu.memory_space<vmem>>) dst(%dma_wait3A_184 : memref<40x128xf32, #tpu.memory_space<vmem_shared>>)
    %dma_wait3A_185 = arith.constant 0 : i32
    %dma_wait3A_186 = tpu.memref_slice %arg21[%add3A_109, %dma_wait3A_185] : memref<10240x128xf32, #tpu.memory_space<vmem_shared>> -> memref<40x128xf32, #tpu.memory_space<vmem_shared>>
    %dma_wait3A_187 = arith.constant 0 : i32
    %dma_wait3A_188 = tpu.memref_slice %arg21[%add3A_109, %dma_wait3A_187] : memref<10240x128xf32, #tpu.memory_space<vmem_shared>> -> memref<40x128xf32, #tpu.memory_space<vmem_shared>>
    tpu.wait_dma2 semaphore(%arg29 : memref<!tpu.dma_semaphore, #tpu.memory_space<semaphore_mem>>) src(%arg14 : memref<40x128xf32, #tpu.memory_space<vmem>>) dst(%dma_wait3A_188 : memref<40x128xf32, #tpu.memory_space<vmem_shared>>)
    %dma_wait3A_189 = arith.constant 0 : i32
    %dma_wait3A_190 = tpu.memref_slice %arg21[%add3A_117, %dma_wait3A_189] : memref<10240x128xf32, #tpu.memory_space<vmem_shared>> -> memref<40x128xf32, #tpu.memory_space<vmem_shared>>
    %dma_wait3A_191 = arith.constant 0 : i32
    %dma_wait3A_192 = tpu.memref_slice %arg21[%add3A_117, %dma_wait3A_191] : memref<10240x128xf32, #tpu.memory_space<vmem_shared>> -> memref<40x128xf32, #tpu.memory_space<vmem_shared>>
    tpu.wait_dma2 semaphore(%arg29 : memref<!tpu.dma_semaphore, #tpu.memory_space<semaphore_mem>>) src(%arg14 : memref<40x128xf32, #tpu.memory_space<vmem>>) dst(%dma_wait3A_192 : memref<40x128xf32, #tpu.memory_space<vmem_shared>>)
    %dma_wait3A_193 = arith.constant 0 : i32
    %dma_wait3A_194 = tpu.memref_slice %arg21[%add3A_125, %dma_wait3A_193] : memref<10240x128xf32, #tpu.memory_space<vmem_shared>> -> memref<40x128xf32, #tpu.memory_space<vmem_shared>>
    %dma_wait3A_195 = arith.constant 0 : i32
    %dma_wait3A_196 = tpu.memref_slice %arg21[%add3A_125, %dma_wait3A_195] : memref<10240x128xf32, #tpu.memory_space<vmem_shared>> -> memref<40x128xf32, #tpu.memory_space<vmem_shared>>
    tpu.wait_dma2 semaphore(%arg29 : memref<!tpu.dma_semaphore, #tpu.memory_space<semaphore_mem>>) src(%arg14 : memref<40x128xf32, #tpu.memory_space<vmem>>) dst(%dma_wait3A_196 : memref<40x128xf32, #tpu.memory_space<vmem_shared>>)
    %dma_wait3A_197 = arith.constant 0 : i32
    %dma_wait3A_198 = tpu.memref_slice %arg21[%add3A_133, %dma_wait3A_197] : memref<10240x128xf32, #tpu.memory_space<vmem_shared>> -> memref<40x128xf32, #tpu.memory_space<vmem_shared>>
    %dma_wait3A_199 = arith.constant 0 : i32
    %dma_wait3A_200 = tpu.memref_slice %arg21[%add3A_133, %dma_wait3A_199] : memref<10240x128xf32, #tpu.memory_space<vmem_shared>> -> memref<40x128xf32, #tpu.memory_space<vmem_shared>>
    tpu.wait_dma2 semaphore(%arg29 : memref<!tpu.dma_semaphore, #tpu.memory_space<semaphore_mem>>) src(%arg14 : memref<40x128xf32, #tpu.memory_space<vmem>>) dst(%dma_wait3A_200 : memref<40x128xf32, #tpu.memory_space<vmem_shared>>)
    %dma_wait3A_201 = tpu.memref_slice %arg3[%mul3A_8] : memref<320000xi32, #tpu.memory_space<hbm>> -> memref<10000xi32, #tpu.memory_space<hbm>>
    %dma_wait3A_202 = tpu.memref_slice %arg3[%mul3A_8] : memref<320000xi32, #tpu.memory_space<hbm>> -> memref<10000xi32, #tpu.memory_space<hbm>>
    tpu.wait_dma2 semaphore(%arg22 : memref<!tpu.dma_semaphore, #tpu.memory_space<semaphore_mem>>) src(%dma_wait3A_202 : memref<10000xi32, #tpu.memory_space<hbm>>) dst(%arg6 : memref<10000xi32, #tpu.memory_space<vmem>>)
    %barrier3A = arith.constant 0 : index
    tpu.barrier barrier_id(%barrier3A)
    %scan3A_203 = arith.constant 0 : i32
    %scan3A_204 = arith.constant 0 : i32
    %scan3A_205 = arith.constant 36 : i32
    %scan3A_206 = arith.addi %scan3A_204, %scan3A_205 : i32
    %scan3A_207 = arith.constant 1 : i32
    scf.for %scan3A_247 = %scan3A_204 to %scan3A_206 step %scan3A_207  : i32 {
      %mul3A_248 = arith.constant 7 : i32
      %mul3A_249 = arith.muli %scan3A_247, %mul3A_248 : i32
      %add3A_250 = arith.constant 0 : i32
      %add3A_251 = arith.addi %mul3A_249, %add3A_250 : i32
      %gt3A = arith.constant 0 : i32
      %gt3A_252 = arith.cmpi sgt, %scan3A_247, %gt3A : i32
      %convert_element_type3A = arith.extui %gt3A_252 : i1 to i32
      %cond3A = arith.constant 0 : i32
      %cond3A_253 = arith.cmpi ne, %convert_element_type3A, %cond3A : i32
      scf.if %cond3A_253 {
        %dma_wait3A_405 = arith.constant 0 : i32
        %dma_wait3A_406 = arith.constant 0 : i32
        %dma_wait3A_407 = tpu.memref_slice %arg2[%dma_wait3A_405, %dma_wait3A_406] : memref<10000x128xf32, #tpu.memory_space<hbm>> -> memref<40x128xf32, #tpu.memory_space<hbm>>
        %dma_wait3A_408 = arith.constant 0 : i32
        %dma_wait3A_409 = arith.constant 0 : i32
        %dma_wait3A_410 = tpu.memref_slice %arg2[%dma_wait3A_408, %dma_wait3A_409] : memref<10000x128xf32, #tpu.memory_space<hbm>> -> memref<40x128xf32, #tpu.memory_space<hbm>>
        tpu.wait_dma2 semaphore(%arg36 : memref<!tpu.dma_semaphore, #tpu.memory_space<semaphore_mem>>) src(%dma_wait3A_410 : memref<40x128xf32, #tpu.memory_space<hbm>>) dst(%arg14 : memref<40x128xf32, #tpu.memory_space<vmem>>)
      } else {
      }
      %lt3A = arith.constant 250 : i32
      %lt3A_254 = arith.cmpi slt, %add3A_251, %lt3A : i32
      %convert_element_type3A_255 = arith.extui %lt3A_254 : i1 to i32
      %cond3A_256 = arith.constant 0 : i32
      %cond3A_257 = arith.cmpi ne, %convert_element_type3A_255, %cond3A_256 : i32
      scf.if %cond3A_257 {
        %mul3A_405 = arith.constant 10000 : i32
        %mul3A_406 = arith.muli %add3A, %mul3A_405 : i32
        %mul3A_407 = arith.constant 40 : i32
        %mul3A_408 = arith.muli %add3A_251, %mul3A_407 : i32
        %add3A_409 = arith.addi %mul3A_406, %mul3A_408 : i32
        %dma_start3A_410 = tpu.memref_slice %arg4[%add3A_409] : memref<320000xi32, #tpu.memory_space<hbm>> -> memref<40xi32, #tpu.memory_space<hbm>>
        %dma_start3A_411 = tpu.memref_slice %arg4[%add3A_409] : memref<320000xi32, #tpu.memory_space<hbm>> -> memref<40xi32, #tpu.memory_space<hbm>>
        tpu.enqueue_dma source(%dma_start3A_411 : memref<40xi32, #tpu.memory_space<hbm>>) target(%arg7 : memref<40xi32, #tpu.memory_space<vmem>>) target_semaphore(%arg22 : memref<!tpu.dma_semaphore, #tpu.memory_space<semaphore_mem>>)
        %mul3A_412 = arith.constant 40 : i32
        %mul3A_413 = arith.muli %add3A_251, %mul3A_412 : i32
        %dma_start3A_414 = tpu.memref_slice %arg6[%mul3A_413] : memref<10000xi32, #tpu.memory_space<vmem>> -> memref<40xi32, #tpu.memory_space<vmem>>
        %dma_start3A_415 = arith.constant 0 : i32
        %dma_start3A_416 = arith.constant 0 : i32
        %dma_start3A_417 = tpu.memref_slice %arg2[%dma_start3A_415, %dma_start3A_416] : memref<10000x128xf32, #tpu.memory_space<hbm>> -> memref<10000x128xf32, #tpu.memory_space<hbm>>
        tpu.enqueue_indirect_dma source(%dma_start3A_417 : memref<10000x128xf32, #tpu.memory_space<hbm>>) target(%arg14 : memref<40x128xf32, #tpu.memory_space<vmem>>) offsets(%dma_start3A_414 : memref<40xi32, #tpu.memory_space<vmem>>) semaphore(%arg29 : memref<!tpu.dma_semaphore, #tpu.memory_space<semaphore_mem>>)
      } else {
      }
      %mul3A_258 = arith.constant 7 : i32
      %mul3A_259 = arith.muli %scan3A_247, %mul3A_258 : i32
      %add3A_260 = arith.constant 1 : i32
      %add3A_261 = arith.addi %mul3A_259, %add3A_260 : i32
      %gt3A_262 = arith.constant 0 : i32
      %gt3A_263 = arith.cmpi sgt, %scan3A_247, %gt3A_262 : i32
      %convert_element_type3A_264 = arith.extui %gt3A_263 : i1 to i32
      %cond3A_265 = arith.constant 0 : i32
      %cond3A_266 = arith.cmpi ne, %convert_element_type3A_264, %cond3A_265 : i32
      scf.if %cond3A_266 {
        %dma_wait3A_405 = arith.constant 0 : i32
        %dma_wait3A_406 = arith.constant 0 : i32
        %dma_wait3A_407 = tpu.memref_slice %arg2[%dma_wait3A_405, %dma_wait3A_406] : memref<10000x128xf32, #tpu.memory_space<hbm>> -> memref<40x128xf32, #tpu.memory_space<hbm>>
        %dma_wait3A_408 = arith.constant 0 : i32
        %dma_wait3A_409 = arith.constant 0 : i32
        %dma_wait3A_410 = tpu.memref_slice %arg2[%dma_wait3A_408, %dma_wait3A_409] : memref<10000x128xf32, #tpu.memory_space<hbm>> -> memref<40x128xf32, #tpu.memory_space<hbm>>
        tpu.wait_dma2 semaphore(%arg37 : memref<!tpu.dma_semaphore, #tpu.memory_space<semaphore_mem>>) src(%dma_wait3A_410 : memref<40x128xf32, #tpu.memory_space<hbm>>) dst(%arg15 : memref<40x128xf32, #tpu.memory_space<vmem>>)
      } else {
      }
      %lt3A_267 = arith.constant 250 : i32
      %lt3A_268 = arith.cmpi slt, %add3A_261, %lt3A_267 : i32
      %convert_element_type3A_269 = arith.extui %lt3A_268 : i1 to i32
      %cond3A_270 = arith.constant 0 : i32
      %cond3A_271 = arith.cmpi ne, %convert_element_type3A_269, %cond3A_270 : i32
      scf.if %cond3A_271 {
        %mul3A_405 = arith.constant 10000 : i32
        %mul3A_406 = arith.muli %add3A, %mul3A_405 : i32
        %mul3A_407 = arith.constant 40 : i32
        %mul3A_408 = arith.muli %add3A_261, %mul3A_407 : i32
        %add3A_409 = arith.addi %mul3A_406, %mul3A_408 : i32
        %dma_start3A_410 = tpu.memref_slice %arg4[%add3A_409] : memref<320000xi32, #tpu.memory_space<hbm>> -> memref<40xi32, #tpu.memory_space<hbm>>
        %dma_start3A_411 = tpu.memref_slice %arg4[%add3A_409] : memref<320000xi32, #tpu.memory_space<hbm>> -> memref<40xi32, #tpu.memory_space<hbm>>
        tpu.enqueue_dma source(%dma_start3A_411 : memref<40xi32, #tpu.memory_space<hbm>>) target(%arg8 : memref<40xi32, #tpu.memory_space<vmem>>) target_semaphore(%arg23 : memref<!tpu.dma_semaphore, #tpu.memory_space<semaphore_mem>>)
        %mul3A_412 = arith.constant 40 : i32
        %mul3A_413 = arith.muli %add3A_261, %mul3A_412 : i32
        %dma_start3A_414 = tpu.memref_slice %arg6[%mul3A_413] : memref<10000xi32, #tpu.memory_space<vmem>> -> memref<40xi32, #tpu.memory_space<vmem>>
        %dma_start3A_415 = arith.constant 0 : i32
        %dma_start3A_416 = arith.constant 0 : i32
        %dma_start3A_417 = tpu.memref_slice %arg2[%dma_start3A_415, %dma_start3A_416] : memref<10000x128xf32, #tpu.memory_space<hbm>> -> memref<10000x128xf32, #tpu.memory_space<hbm>>
        tpu.enqueue_indirect_dma source(%dma_start3A_417 : memref<10000x128xf32, #tpu.memory_space<hbm>>) target(%arg15 : memref<40x128xf32, #tpu.memory_space<vmem>>) offsets(%dma_start3A_414 : memref<40xi32, #tpu.memory_space<vmem>>) semaphore(%arg30 : memref<!tpu.dma_semaphore, #tpu.memory_space<semaphore_mem>>)
      } else {
      }
      %mul3A_272 = arith.constant 7 : i32
      %mul3A_273 = arith.muli %scan3A_247, %mul3A_272 : i32
      %add3A_274 = arith.constant 2 : i32
      %add3A_275 = arith.addi %mul3A_273, %add3A_274 : i32
      %gt3A_276 = arith.constant 0 : i32
      %gt3A_277 = arith.cmpi sgt, %scan3A_247, %gt3A_276 : i32
      %convert_element_type3A_278 = arith.extui %gt3A_277 : i1 to i32
      %cond3A_279 = arith.constant 0 : i32
      %cond3A_280 = arith.cmpi ne, %convert_element_type3A_278, %cond3A_279 : i32
      scf.if %cond3A_280 {
        %dma_wait3A_405 = arith.constant 0 : i32
        %dma_wait3A_406 = arith.constant 0 : i32
        %dma_wait3A_407 = tpu.memref_slice %arg2[%dma_wait3A_405, %dma_wait3A_406] : memref<10000x128xf32, #tpu.memory_space<hbm>> -> memref<40x128xf32, #tpu.memory_space<hbm>>
        %dma_wait3A_408 = arith.constant 0 : i32
        %dma_wait3A_409 = arith.constant 0 : i32
        %dma_wait3A_410 = tpu.memref_slice %arg2[%dma_wait3A_408, %dma_wait3A_409] : memref<10000x128xf32, #tpu.memory_space<hbm>> -> memref<40x128xf32, #tpu.memory_space<hbm>>
        tpu.wait_dma2 semaphore(%arg38 : memref<!tpu.dma_semaphore, #tpu.memory_space<semaphore_mem>>) src(%dma_wait3A_410 : memref<40x128xf32, #tpu.memory_space<hbm>>) dst(%arg16 : memref<40x128xf32, #tpu.memory_space<vmem>>)
      } else {
      }
      %lt3A_281 = arith.constant 250 : i32
      %lt3A_282 = arith.cmpi slt, %add3A_275, %lt3A_281 : i32
      %convert_element_type3A_283 = arith.extui %lt3A_282 : i1 to i32
      %cond3A_284 = arith.constant 0 : i32
      %cond3A_285 = arith.cmpi ne, %convert_element_type3A_283, %cond3A_284 : i32
      scf.if %cond3A_285 {
        %mul3A_405 = arith.constant 10000 : i32
        %mul3A_406 = arith.muli %add3A, %mul3A_405 : i32
        %mul3A_407 = arith.constant 40 : i32
        %mul3A_408 = arith.muli %add3A_275, %mul3A_407 : i32
        %add3A_409 = arith.addi %mul3A_406, %mul3A_408 : i32
        %dma_start3A_410 = tpu.memref_slice %arg4[%add3A_409] : memref<320000xi32, #tpu.memory_space<hbm>> -> memref<40xi32, #tpu.memory_space<hbm>>
        %dma_start3A_411 = tpu.memref_slice %arg4[%add3A_409] : memref<320000xi32, #tpu.memory_space<hbm>> -> memref<40xi32, #tpu.memory_space<hbm>>
        tpu.enqueue_dma source(%dma_start3A_411 : memref<40xi32, #tpu.memory_space<hbm>>) target(%arg9 : memref<40xi32, #tpu.memory_space<vmem>>) target_semaphore(%arg24 : memref<!tpu.dma_semaphore, #tpu.memory_space<semaphore_mem>>)
        %mul3A_412 = arith.constant 40 : i32
        %mul3A_413 = arith.muli %add3A_275, %mul3A_412 : i32
        %dma_start3A_414 = tpu.memref_slice %arg6[%mul3A_413] : memref<10000xi32, #tpu.memory_space<vmem>> -> memref<40xi32, #tpu.memory_space<vmem>>
        %dma_start3A_415 = arith.constant 0 : i32
        %dma_start3A_416 = arith.constant 0 : i32
        %dma_start3A_417 = tpu.memref_slice %arg2[%dma_start3A_415, %dma_start3A_416] : memref<10000x128xf32, #tpu.memory_space<hbm>> -> memref<10000x128xf32, #tpu.memory_space<hbm>>
        tpu.enqueue_indirect_dma source(%dma_start3A_417 : memref<10000x128xf32, #tpu.memory_space<hbm>>) target(%arg16 : memref<40x128xf32, #tpu.memory_space<vmem>>) offsets(%dma_start3A_414 : memref<40xi32, #tpu.memory_space<vmem>>) semaphore(%arg31 : memref<!tpu.dma_semaphore, #tpu.memory_space<semaphore_mem>>)
      } else {
      }
      %mul3A_286 = arith.constant 7 : i32
      %mul3A_287 = arith.muli %scan3A_247, %mul3A_286 : i32
      %add3A_288 = arith.constant 3 : i32
      %add3A_289 = arith.addi %mul3A_287, %add3A_288 : i32
      %gt3A_290 = arith.constant 0 : i32
      %gt3A_291 = arith.cmpi sgt, %scan3A_247, %gt3A_290 : i32
      %convert_element_type3A_292 = arith.extui %gt3A_291 : i1 to i32
      %cond3A_293 = arith.constant 0 : i32
      %cond3A_294 = arith.cmpi ne, %convert_element_type3A_292, %cond3A_293 : i32
      scf.if %cond3A_294 {
        %dma_wait3A_405 = arith.constant 0 : i32
        %dma_wait3A_406 = arith.constant 0 : i32
        %dma_wait3A_407 = tpu.memref_slice %arg2[%dma_wait3A_405, %dma_wait3A_406] : memref<10000x128xf32, #tpu.memory_space<hbm>> -> memref<40x128xf32, #tpu.memory_space<hbm>>
        %dma_wait3A_408 = arith.constant 0 : i32
        %dma_wait3A_409 = arith.constant 0 : i32
        %dma_wait3A_410 = tpu.memref_slice %arg2[%dma_wait3A_408, %dma_wait3A_409] : memref<10000x128xf32, #tpu.memory_space<hbm>> -> memref<40x128xf32, #tpu.memory_space<hbm>>
        tpu.wait_dma2 semaphore(%arg39 : memref<!tpu.dma_semaphore, #tpu.memory_space<semaphore_mem>>) src(%dma_wait3A_410 : memref<40x128xf32, #tpu.memory_space<hbm>>) dst(%arg17 : memref<40x128xf32, #tpu.memory_space<vmem>>)
      } else {
      }
      %lt3A_295 = arith.constant 250 : i32
      %lt3A_296 = arith.cmpi slt, %add3A_289, %lt3A_295 : i32
      %convert_element_type3A_297 = arith.extui %lt3A_296 : i1 to i32
      %cond3A_298 = arith.constant 0 : i32
      %cond3A_299 = arith.cmpi ne, %convert_element_type3A_297, %cond3A_298 : i32
      scf.if %cond3A_299 {
        %mul3A_405 = arith.constant 10000 : i32
        %mul3A_406 = arith.muli %add3A, %mul3A_405 : i32
        %mul3A_407 = arith.constant 40 : i32
        %mul3A_408 = arith.muli %add3A_289, %mul3A_407 : i32
        %add3A_409 = arith.addi %mul3A_406, %mul3A_408 : i32
        %dma_start3A_410 = tpu.memref_slice %arg4[%add3A_409] : memref<320000xi32, #tpu.memory_space<hbm>> -> memref<40xi32, #tpu.memory_space<hbm>>
        %dma_start3A_411 = tpu.memref_slice %arg4[%add3A_409] : memref<320000xi32, #tpu.memory_space<hbm>> -> memref<40xi32, #tpu.memory_space<hbm>>
        tpu.enqueue_dma source(%dma_start3A_411 : memref<40xi32, #tpu.memory_space<hbm>>) target(%arg10 : memref<40xi32, #tpu.memory_space<vmem>>) target_semaphore(%arg25 : memref<!tpu.dma_semaphore, #tpu.memory_space<semaphore_mem>>)
        %mul3A_412 = arith.constant 40 : i32
        %mul3A_413 = arith.muli %add3A_289, %mul3A_412 : i32
        %dma_start3A_414 = tpu.memref_slice %arg6[%mul3A_413] : memref<10000xi32, #tpu.memory_space<vmem>> -> memref<40xi32, #tpu.memory_space<vmem>>
        %dma_start3A_415 = arith.constant 0 : i32
        %dma_start3A_416 = arith.constant 0 : i32
        %dma_start3A_417 = tpu.memref_slice %arg2[%dma_start3A_415, %dma_start3A_416] : memref<10000x128xf32, #tpu.memory_space<hbm>> -> memref<10000x128xf32, #tpu.memory_space<hbm>>
        tpu.enqueue_indirect_dma source(%dma_start3A_417 : memref<10000x128xf32, #tpu.memory_space<hbm>>) target(%arg17 : memref<40x128xf32, #tpu.memory_space<vmem>>) offsets(%dma_start3A_414 : memref<40xi32, #tpu.memory_space<vmem>>) semaphore(%arg32 : memref<!tpu.dma_semaphore, #tpu.memory_space<semaphore_mem>>)
      } else {
      }
      %mul3A_300 = arith.constant 7 : i32
      %mul3A_301 = arith.muli %scan3A_247, %mul3A_300 : i32
      %add3A_302 = arith.constant 4 : i32
      %add3A_303 = arith.addi %mul3A_301, %add3A_302 : i32
      %gt3A_304 = arith.constant 0 : i32
      %gt3A_305 = arith.cmpi sgt, %scan3A_247, %gt3A_304 : i32
      %convert_element_type3A_306 = arith.extui %gt3A_305 : i1 to i32
      %cond3A_307 = arith.constant 0 : i32
      %cond3A_308 = arith.cmpi ne, %convert_element_type3A_306, %cond3A_307 : i32
      scf.if %cond3A_308 {
        %dma_wait3A_405 = arith.constant 0 : i32
        %dma_wait3A_406 = arith.constant 0 : i32
        %dma_wait3A_407 = tpu.memref_slice %arg2[%dma_wait3A_405, %dma_wait3A_406] : memref<10000x128xf32, #tpu.memory_space<hbm>> -> memref<40x128xf32, #tpu.memory_space<hbm>>
        %dma_wait3A_408 = arith.constant 0 : i32
        %dma_wait3A_409 = arith.constant 0 : i32
        %dma_wait3A_410 = tpu.memref_slice %arg2[%dma_wait3A_408, %dma_wait3A_409] : memref<10000x128xf32, #tpu.memory_space<hbm>> -> memref<40x128xf32, #tpu.memory_space<hbm>>
        tpu.wait_dma2 semaphore(%arg40 : memref<!tpu.dma_semaphore, #tpu.memory_space<semaphore_mem>>) src(%dma_wait3A_410 : memref<40x128xf32, #tpu.memory_space<hbm>>) dst(%arg18 : memref<40x128xf32, #tpu.memory_space<vmem>>)
      } else {
      }
      %lt3A_309 = arith.constant 250 : i32
      %lt3A_310 = arith.cmpi slt, %add3A_303, %lt3A_309 : i32
      %convert_element_type3A_311 = arith.extui %lt3A_310 : i1 to i32
      %cond3A_312 = arith.constant 0 : i32
      %cond3A_313 = arith.cmpi ne, %convert_element_type3A_311, %cond3A_312 : i32
      scf.if %cond3A_313 {
        %mul3A_405 = arith.constant 10000 : i32
        %mul3A_406 = arith.muli %add3A, %mul3A_405 : i32
        %mul3A_407 = arith.constant 40 : i32
        %mul3A_408 = arith.muli %add3A_303, %mul3A_407 : i32
        %add3A_409 = arith.addi %mul3A_406, %mul3A_408 : i32
        %dma_start3A_410 = tpu.memref_slice %arg4[%add3A_409] : memref<320000xi32, #tpu.memory_space<hbm>> -> memref<40xi32, #tpu.memory_space<hbm>>
        %dma_start3A_411 = tpu.memref_slice %arg4[%add3A_409] : memref<320000xi32, #tpu.memory_space<hbm>> -> memref<40xi32, #tpu.memory_space<hbm>>
        tpu.enqueue_dma source(%dma_start3A_411 : memref<40xi32, #tpu.memory_space<hbm>>) target(%arg11 : memref<40xi32, #tpu.memory_space<vmem>>) target_semaphore(%arg26 : memref<!tpu.dma_semaphore, #tpu.memory_space<semaphore_mem>>)
        %mul3A_412 = arith.constant 40 : i32
        %mul3A_413 = arith.muli %add3A_303, %mul3A_412 : i32
        %dma_start3A_414 = tpu.memref_slice %arg6[%mul3A_413] : memref<10000xi32, #tpu.memory_space<vmem>> -> memref<40xi32, #tpu.memory_space<vmem>>
        %dma_start3A_415 = arith.constant 0 : i32
        %dma_start3A_416 = arith.constant 0 : i32
        %dma_start3A_417 = tpu.memref_slice %arg2[%dma_start3A_415, %dma_start3A_416] : memref<10000x128xf32, #tpu.memory_space<hbm>> -> memref<10000x128xf32, #tpu.memory_space<hbm>>
        tpu.enqueue_indirect_dma source(%dma_start3A_417 : memref<10000x128xf32, #tpu.memory_space<hbm>>) target(%arg18 : memref<40x128xf32, #tpu.memory_space<vmem>>) offsets(%dma_start3A_414 : memref<40xi32, #tpu.memory_space<vmem>>) semaphore(%arg33 : memref<!tpu.dma_semaphore, #tpu.memory_space<semaphore_mem>>)
      } else {
      }
      %mul3A_314 = arith.constant 7 : i32
      %mul3A_315 = arith.muli %scan3A_247, %mul3A_314 : i32
      %add3A_316 = arith.constant 5 : i32
      %add3A_317 = arith.addi %mul3A_315, %add3A_316 : i32
      %gt3A_318 = arith.constant 0 : i32
      %gt3A_319 = arith.cmpi sgt, %scan3A_247, %gt3A_318 : i32
      %convert_element_type3A_320 = arith.extui %gt3A_319 : i1 to i32
      %cond3A_321 = arith.constant 0 : i32
      %cond3A_322 = arith.cmpi ne, %convert_element_type3A_320, %cond3A_321 : i32
      scf.if %cond3A_322 {
        %dma_wait3A_405 = arith.constant 0 : i32
        %dma_wait3A_406 = arith.constant 0 : i32
        %dma_wait3A_407 = tpu.memref_slice %arg2[%dma_wait3A_405, %dma_wait3A_406] : memref<10000x128xf32, #tpu.memory_space<hbm>> -> memref<40x128xf32, #tpu.memory_space<hbm>>
        %dma_wait3A_408 = arith.constant 0 : i32
        %dma_wait3A_409 = arith.constant 0 : i32
        %dma_wait3A_410 = tpu.memref_slice %arg2[%dma_wait3A_408, %dma_wait3A_409] : memref<10000x128xf32, #tpu.memory_space<hbm>> -> memref<40x128xf32, #tpu.memory_space<hbm>>
        tpu.wait_dma2 semaphore(%arg41 : memref<!tpu.dma_semaphore, #tpu.memory_space<semaphore_mem>>) src(%dma_wait3A_410 : memref<40x128xf32, #tpu.memory_space<hbm>>) dst(%arg19 : memref<40x128xf32, #tpu.memory_space<vmem>>)
      } else {
      }
      %lt3A_323 = arith.constant 250 : i32
      %lt3A_324 = arith.cmpi slt, %add3A_317, %lt3A_323 : i32
      %convert_element_type3A_325 = arith.extui %lt3A_324 : i1 to i32
      %cond3A_326 = arith.constant 0 : i32
      %cond3A_327 = arith.cmpi ne, %convert_element_type3A_325, %cond3A_326 : i32
      scf.if %cond3A_327 {
        %mul3A_405 = arith.constant 10000 : i32
        %mul3A_406 = arith.muli %add3A, %mul3A_405 : i32
        %mul3A_407 = arith.constant 40 : i32
        %mul3A_408 = arith.muli %add3A_317, %mul3A_407 : i32
        %add3A_409 = arith.addi %mul3A_406, %mul3A_408 : i32
        %dma_start3A_410 = tpu.memref_slice %arg4[%add3A_409] : memref<320000xi32, #tpu.memory_space<hbm>> -> memref<40xi32, #tpu.memory_space<hbm>>
        %dma_start3A_411 = tpu.memref_slice %arg4[%add3A_409] : memref<320000xi32, #tpu.memory_space<hbm>> -> memref<40xi32, #tpu.memory_space<hbm>>
        tpu.enqueue_dma source(%dma_start3A_411 : memref<40xi32, #tpu.memory_space<hbm>>) target(%arg12 : memref<40xi32, #tpu.memory_space<vmem>>) target_semaphore(%arg27 : memref<!tpu.dma_semaphore, #tpu.memory_space<semaphore_mem>>)
        %mul3A_412 = arith.constant 40 : i32
        %mul3A_413 = arith.muli %add3A_317, %mul3A_412 : i32
        %dma_start3A_414 = tpu.memref_slice %arg6[%mul3A_413] : memref<10000xi32, #tpu.memory_space<vmem>> -> memref<40xi32, #tpu.memory_space<vmem>>
        %dma_start3A_415 = arith.constant 0 : i32
        %dma_start3A_416 = arith.constant 0 : i32
        %dma_start3A_417 = tpu.memref_slice %arg2[%dma_start3A_415, %dma_start3A_416] : memref<10000x128xf32, #tpu.memory_space<hbm>> -> memref<10000x128xf32, #tpu.memory_space<hbm>>
        tpu.enqueue_indirect_dma source(%dma_start3A_417 : memref<10000x128xf32, #tpu.memory_space<hbm>>) target(%arg19 : memref<40x128xf32, #tpu.memory_space<vmem>>) offsets(%dma_start3A_414 : memref<40xi32, #tpu.memory_space<vmem>>) semaphore(%arg34 : memref<!tpu.dma_semaphore, #tpu.memory_space<semaphore_mem>>)
      } else {
      }
      %mul3A_328 = arith.constant 7 : i32
      %mul3A_329 = arith.muli %scan3A_247, %mul3A_328 : i32
      %add3A_330 = arith.constant 6 : i32
      %add3A_331 = arith.addi %mul3A_329, %add3A_330 : i32
      %gt3A_332 = arith.constant 0 : i32
      %gt3A_333 = arith.cmpi sgt, %scan3A_247, %gt3A_332 : i32
      %convert_element_type3A_334 = arith.extui %gt3A_333 : i1 to i32
      %cond3A_335 = arith.constant 0 : i32
      %cond3A_336 = arith.cmpi ne, %convert_element_type3A_334, %cond3A_335 : i32
      scf.if %cond3A_336 {
        %dma_wait3A_405 = arith.constant 0 : i32
        %dma_wait3A_406 = arith.constant 0 : i32
        %dma_wait3A_407 = tpu.memref_slice %arg2[%dma_wait3A_405, %dma_wait3A_406] : memref<10000x128xf32, #tpu.memory_space<hbm>> -> memref<40x128xf32, #tpu.memory_space<hbm>>
        %dma_wait3A_408 = arith.constant 0 : i32
        %dma_wait3A_409 = arith.constant 0 : i32
        %dma_wait3A_410 = tpu.memref_slice %arg2[%dma_wait3A_408, %dma_wait3A_409] : memref<10000x128xf32, #tpu.memory_space<hbm>> -> memref<40x128xf32, #tpu.memory_space<hbm>>
        tpu.wait_dma2 semaphore(%arg42 : memref<!tpu.dma_semaphore, #tpu.memory_space<semaphore_mem>>) src(%dma_wait3A_410 : memref<40x128xf32, #tpu.memory_space<hbm>>) dst(%arg20 : memref<40x128xf32, #tpu.memory_space<vmem>>)
      } else {
      }
      %lt3A_337 = arith.constant 250 : i32
      %lt3A_338 = arith.cmpi slt, %add3A_331, %lt3A_337 : i32
      %convert_element_type3A_339 = arith.extui %lt3A_338 : i1 to i32
      %cond3A_340 = arith.constant 0 : i32
      %cond3A_341 = arith.cmpi ne, %convert_element_type3A_339, %cond3A_340 : i32
      scf.if %cond3A_341 {
        %mul3A_405 = arith.constant 10000 : i32
        %mul3A_406 = arith.muli %add3A, %mul3A_405 : i32
        %mul3A_407 = arith.constant 40 : i32
        %mul3A_408 = arith.muli %add3A_331, %mul3A_407 : i32
        %add3A_409 = arith.addi %mul3A_406, %mul3A_408 : i32
        %dma_start3A_410 = tpu.memref_slice %arg4[%add3A_409] : memref<320000xi32, #tpu.memory_space<hbm>> -> memref<40xi32, #tpu.memory_space<hbm>>
        %dma_start3A_411 = tpu.memref_slice %arg4[%add3A_409] : memref<320000xi32, #tpu.memory_space<hbm>> -> memref<40xi32, #tpu.memory_space<hbm>>
        tpu.enqueue_dma source(%dma_start3A_411 : memref<40xi32, #tpu.memory_space<hbm>>) target(%arg13 : memref<40xi32, #tpu.memory_space<vmem>>) target_semaphore(%arg28 : memref<!tpu.dma_semaphore, #tpu.memory_space<semaphore_mem>>)
        %mul3A_412 = arith.constant 40 : i32
        %mul3A_413 = arith.muli %add3A_331, %mul3A_412 : i32
        %dma_start3A_414 = tpu.memref_slice %arg6[%mul3A_413] : memref<10000xi32, #tpu.memory_space<vmem>> -> memref<40xi32, #tpu.memory_space<vmem>>
        %dma_start3A_415 = arith.constant 0 : i32
        %dma_start3A_416 = arith.constant 0 : i32
        %dma_start3A_417 = tpu.memref_slice %arg2[%dma_start3A_415, %dma_start3A_416] : memref<10000x128xf32, #tpu.memory_space<hbm>> -> memref<10000x128xf32, #tpu.memory_space<hbm>>
        tpu.enqueue_indirect_dma source(%dma_start3A_417 : memref<10000x128xf32, #tpu.memory_space<hbm>>) target(%arg20 : memref<40x128xf32, #tpu.memory_space<vmem>>) offsets(%dma_start3A_414 : memref<40xi32, #tpu.memory_space<vmem>>) semaphore(%arg35 : memref<!tpu.dma_semaphore, #tpu.memory_space<semaphore_mem>>)
      } else {
      }
      %mul3A_342 = arith.constant 7 : i32
      %mul3A_343 = arith.muli %scan3A_247, %mul3A_342 : i32
      %add3A_344 = arith.constant 0 : i32
      %add3A_345 = arith.addi %mul3A_343, %add3A_344 : i32
      %lt3A_346 = arith.constant 250 : i32
      %lt3A_347 = arith.cmpi slt, %add3A_345, %lt3A_346 : i32
      %convert_element_type3A_348 = arith.extui %lt3A_347 : i1 to i32
      %cond3A_349 = arith.constant 0 : i32
      %cond3A_350 = arith.cmpi ne, %convert_element_type3A_348, %cond3A_349 : i32
      scf.if %cond3A_350 {
        %dma_wait3A_405 = arith.constant 0 : i32
        %dma_wait3A_406 = arith.constant 0 : i32
        %dma_wait3A_407 = tpu.memref_slice %arg2[%dma_wait3A_405, %dma_wait3A_406] : memref<10000x128xf32, #tpu.memory_space<hbm>> -> memref<40x128xf32, #tpu.memory_space<hbm>>
        %dma_wait3A_408 = arith.constant 0 : i32
        %dma_wait3A_409 = arith.constant 0 : i32
        %dma_wait3A_410 = tpu.memref_slice %arg2[%dma_wait3A_408, %dma_wait3A_409] : memref<10000x128xf32, #tpu.memory_space<hbm>> -> memref<40x128xf32, #tpu.memory_space<hbm>>
        tpu.wait_dma2 semaphore(%arg29 : memref<!tpu.dma_semaphore, #tpu.memory_space<semaphore_mem>>) src(%dma_wait3A_410 : memref<40x128xf32, #tpu.memory_space<hbm>>) dst(%arg14 : memref<40x128xf32, #tpu.memory_space<vmem>>)
        %dma_wait3A_411 = arith.constant 0 : i32
        %dma_wait3A_412 = tpu.memref_slice %arg4[%dma_wait3A_411] : memref<320000xi32, #tpu.memory_space<hbm>> -> memref<40xi32, #tpu.memory_space<hbm>>
        %dma_wait3A_413 = arith.constant 0 : i32
        %dma_wait3A_414 = tpu.memref_slice %arg4[%dma_wait3A_413] : memref<320000xi32, #tpu.memory_space<hbm>> -> memref<40xi32, #tpu.memory_space<hbm>>
        tpu.wait_dma2 semaphore(%arg22 : memref<!tpu.dma_semaphore, #tpu.memory_space<semaphore_mem>>) src(%dma_wait3A_414 : memref<40xi32, #tpu.memory_space<hbm>>) dst(%arg7 : memref<40xi32, #tpu.memory_space<vmem>>)
        %dma_start3A_415 = arith.constant 0 : i32
        %dma_start3A_416 = arith.constant 0 : i32
        %dma_start3A_417 = tpu.memref_slice %arg21[%dma_start3A_415, %dma_start3A_416] : memref<10240x128xf32, #tpu.memory_space<vmem_shared>> -> memref<10240x128xf32, #tpu.memory_space<vmem_shared>>
        tpu.enqueue_indirect_dma source(%arg14 : memref<40x128xf32, #tpu.memory_space<vmem>>) target(%dma_start3A_417 : memref<10240x128xf32, #tpu.memory_space<vmem_shared>>) offsets(%arg7 : memref<40xi32, #tpu.memory_space<vmem>>) semaphore(%arg36 : memref<!tpu.dma_semaphore, #tpu.memory_space<semaphore_mem>>) {add = true}
      } else {
      }
      %mul3A_351 = arith.constant 7 : i32
      %mul3A_352 = arith.muli %scan3A_247, %mul3A_351 : i32
      %add3A_353 = arith.constant 1 : i32
      %add3A_354 = arith.addi %mul3A_352, %add3A_353 : i32
      %lt3A_355 = arith.constant 250 : i32
      %lt3A_356 = arith.cmpi slt, %add3A_354, %lt3A_355 : i32
      %convert_element_type3A_357 = arith.extui %lt3A_356 : i1 to i32
      %cond3A_358 = arith.constant 0 : i32
      %cond3A_359 = arith.cmpi ne, %convert_element_type3A_357, %cond3A_358 : i32
      scf.if %cond3A_359 {
        %dma_wait3A_405 = arith.constant 0 : i32
        %dma_wait3A_406 = arith.constant 0 : i32
        %dma_wait3A_407 = tpu.memref_slice %arg2[%dma_wait3A_405, %dma_wait3A_406] : memref<10000x128xf32, #tpu.memory_space<hbm>> -> memref<40x128xf32, #tpu.memory_space<hbm>>
        %dma_wait3A_408 = arith.constant 0 : i32
        %dma_wait3A_409 = arith.constant 0 : i32
        %dma_wait3A_410 = tpu.memref_slice %arg2[%dma_wait3A_408, %dma_wait3A_409] : memref<10000x128xf32, #tpu.memory_space<hbm>> -> memref<40x128xf32, #tpu.memory_space<hbm>>
        tpu.wait_dma2 semaphore(%arg30 : memref<!tpu.dma_semaphore, #tpu.memory_space<semaphore_mem>>) src(%dma_wait3A_410 : memref<40x128xf32, #tpu.memory_space<hbm>>) dst(%arg15 : memref<40x128xf32, #tpu.memory_space<vmem>>)
        %dma_wait3A_411 = arith.constant 0 : i32
        %dma_wait3A_412 = tpu.memref_slice %arg4[%dma_wait3A_411] : memref<320000xi32, #tpu.memory_space<hbm>> -> memref<40xi32, #tpu.memory_space<hbm>>
        %dma_wait3A_413 = arith.constant 0 : i32
        %dma_wait3A_414 = tpu.memref_slice %arg4[%dma_wait3A_413] : memref<320000xi32, #tpu.memory_space<hbm>> -> memref<40xi32, #tpu.memory_space<hbm>>
        tpu.wait_dma2 semaphore(%arg23 : memref<!tpu.dma_semaphore, #tpu.memory_space<semaphore_mem>>) src(%dma_wait3A_414 : memref<40xi32, #tpu.memory_space<hbm>>) dst(%arg8 : memref<40xi32, #tpu.memory_space<vmem>>)
        %dma_start3A_415 = arith.constant 0 : i32
        %dma_start3A_416 = arith.constant 0 : i32
        %dma_start3A_417 = tpu.memref_slice %arg21[%dma_start3A_415, %dma_start3A_416] : memref<10240x128xf32, #tpu.memory_space<vmem_shared>> -> memref<10240x128xf32, #tpu.memory_space<vmem_shared>>
        tpu.enqueue_indirect_dma source(%arg15 : memref<40x128xf32, #tpu.memory_space<vmem>>) target(%dma_start3A_417 : memref<10240x128xf32, #tpu.memory_space<vmem_shared>>) offsets(%arg8 : memref<40xi32, #tpu.memory_space<vmem>>) semaphore(%arg37 : memref<!tpu.dma_semaphore, #tpu.memory_space<semaphore_mem>>) {add = true}
      } else {
      }
      %mul3A_360 = arith.constant 7 : i32
      %mul3A_361 = arith.muli %scan3A_247, %mul3A_360 : i32
      %add3A_362 = arith.constant 2 : i32
      %add3A_363 = arith.addi %mul3A_361, %add3A_362 : i32
      %lt3A_364 = arith.constant 250 : i32
      %lt3A_365 = arith.cmpi slt, %add3A_363, %lt3A_364 : i32
      %convert_element_type3A_366 = arith.extui %lt3A_365 : i1 to i32
      %cond3A_367 = arith.constant 0 : i32
      %cond3A_368 = arith.cmpi ne, %convert_element_type3A_366, %cond3A_367 : i32
      scf.if %cond3A_368 {
        %dma_wait3A_405 = arith.constant 0 : i32
        %dma_wait3A_406 = arith.constant 0 : i32
        %dma_wait3A_407 = tpu.memref_slice %arg2[%dma_wait3A_405, %dma_wait3A_406] : memref<10000x128xf32, #tpu.memory_space<hbm>> -> memref<40x128xf32, #tpu.memory_space<hbm>>
        %dma_wait3A_408 = arith.constant 0 : i32
        %dma_wait3A_409 = arith.constant 0 : i32
        %dma_wait3A_410 = tpu.memref_slice %arg2[%dma_wait3A_408, %dma_wait3A_409] : memref<10000x128xf32, #tpu.memory_space<hbm>> -> memref<40x128xf32, #tpu.memory_space<hbm>>
        tpu.wait_dma2 semaphore(%arg31 : memref<!tpu.dma_semaphore, #tpu.memory_space<semaphore_mem>>) src(%dma_wait3A_410 : memref<40x128xf32, #tpu.memory_space<hbm>>) dst(%arg16 : memref<40x128xf32, #tpu.memory_space<vmem>>)
        %dma_wait3A_411 = arith.constant 0 : i32
        %dma_wait3A_412 = tpu.memref_slice %arg4[%dma_wait3A_411] : memref<320000xi32, #tpu.memory_space<hbm>> -> memref<40xi32, #tpu.memory_space<hbm>>
        %dma_wait3A_413 = arith.constant 0 : i32
        %dma_wait3A_414 = tpu.memref_slice %arg4[%dma_wait3A_413] : memref<320000xi32, #tpu.memory_space<hbm>> -> memref<40xi32, #tpu.memory_space<hbm>>
        tpu.wait_dma2 semaphore(%arg24 : memref<!tpu.dma_semaphore, #tpu.memory_space<semaphore_mem>>) src(%dma_wait3A_414 : memref<40xi32, #tpu.memory_space<hbm>>) dst(%arg9 : memref<40xi32, #tpu.memory_space<vmem>>)
        %dma_start3A_415 = arith.constant 0 : i32
        %dma_start3A_416 = arith.constant 0 : i32
        %dma_start3A_417 = tpu.memref_slice %arg21[%dma_start3A_415, %dma_start3A_416] : memref<10240x128xf32, #tpu.memory_space<vmem_shared>> -> memref<10240x128xf32, #tpu.memory_space<vmem_shared>>
        tpu.enqueue_indirect_dma source(%arg16 : memref<40x128xf32, #tpu.memory_space<vmem>>) target(%dma_start3A_417 : memref<10240x128xf32, #tpu.memory_space<vmem_shared>>) offsets(%arg9 : memref<40xi32, #tpu.memory_space<vmem>>) semaphore(%arg38 : memref<!tpu.dma_semaphore, #tpu.memory_space<semaphore_mem>>) {add = true}
      } else {
      }
      %mul3A_369 = arith.constant 7 : i32
      %mul3A_370 = arith.muli %scan3A_247, %mul3A_369 : i32
      %add3A_371 = arith.constant 3 : i32
      %add3A_372 = arith.addi %mul3A_370, %add3A_371 : i32
      %lt3A_373 = arith.constant 250 : i32
      %lt3A_374 = arith.cmpi slt, %add3A_372, %lt3A_373 : i32
      %convert_element_type3A_375 = arith.extui %lt3A_374 : i1 to i32
      %cond3A_376 = arith.constant 0 : i32
      %cond3A_377 = arith.cmpi ne, %convert_element_type3A_375, %cond3A_376 : i32
      scf.if %cond3A_377 {
        %dma_wait3A_405 = arith.constant 0 : i32
        %dma_wait3A_406 = arith.constant 0 : i32
        %dma_wait3A_407 = tpu.memref_slice %arg2[%dma_wait3A_405, %dma_wait3A_406] : memref<10000x128xf32, #tpu.memory_space<hbm>> -> memref<40x128xf32, #tpu.memory_space<hbm>>
        %dma_wait3A_408 = arith.constant 0 : i32
        %dma_wait3A_409 = arith.constant 0 : i32
        %dma_wait3A_410 = tpu.memref_slice %arg2[%dma_wait3A_408, %dma_wait3A_409] : memref<10000x128xf32, #tpu.memory_space<hbm>> -> memref<40x128xf32, #tpu.memory_space<hbm>>
        tpu.wait_dma2 semaphore(%arg32 : memref<!tpu.dma_semaphore, #tpu.memory_space<semaphore_mem>>) src(%dma_wait3A_410 : memref<40x128xf32, #tpu.memory_space<hbm>>) dst(%arg17 : memref<40x128xf32, #tpu.memory_space<vmem>>)
        %dma_wait3A_411 = arith.constant 0 : i32
        %dma_wait3A_412 = tpu.memref_slice %arg4[%dma_wait3A_411] : memref<320000xi32, #tpu.memory_space<hbm>> -> memref<40xi32, #tpu.memory_space<hbm>>
        %dma_wait3A_413 = arith.constant 0 : i32
        %dma_wait3A_414 = tpu.memref_slice %arg4[%dma_wait3A_413] : memref<320000xi32, #tpu.memory_space<hbm>> -> memref<40xi32, #tpu.memory_space<hbm>>
        tpu.wait_dma2 semaphore(%arg25 : memref<!tpu.dma_semaphore, #tpu.memory_space<semaphore_mem>>) src(%dma_wait3A_414 : memref<40xi32, #tpu.memory_space<hbm>>) dst(%arg10 : memref<40xi32, #tpu.memory_space<vmem>>)
        %dma_start3A_415 = arith.constant 0 : i32
        %dma_start3A_416 = arith.constant 0 : i32
        %dma_start3A_417 = tpu.memref_slice %arg21[%dma_start3A_415, %dma_start3A_416] : memref<10240x128xf32, #tpu.memory_space<vmem_shared>> -> memref<10240x128xf32, #tpu.memory_space<vmem_shared>>
        tpu.enqueue_indirect_dma source(%arg17 : memref<40x128xf32, #tpu.memory_space<vmem>>) target(%dma_start3A_417 : memref<10240x128xf32, #tpu.memory_space<vmem_shared>>) offsets(%arg10 : memref<40xi32, #tpu.memory_space<vmem>>) semaphore(%arg39 : memref<!tpu.dma_semaphore, #tpu.memory_space<semaphore_mem>>) {add = true}
      } else {
      }
      %mul3A_378 = arith.constant 7 : i32
      %mul3A_379 = arith.muli %scan3A_247, %mul3A_378 : i32
      %add3A_380 = arith.constant 4 : i32
      %add3A_381 = arith.addi %mul3A_379, %add3A_380 : i32
      %lt3A_382 = arith.constant 250 : i32
      %lt3A_383 = arith.cmpi slt, %add3A_381, %lt3A_382 : i32
      %convert_element_type3A_384 = arith.extui %lt3A_383 : i1 to i32
      %cond3A_385 = arith.constant 0 : i32
      %cond3A_386 = arith.cmpi ne, %convert_element_type3A_384, %cond3A_385 : i32
      scf.if %cond3A_386 {
        %dma_wait3A_405 = arith.constant 0 : i32
        %dma_wait3A_406 = arith.constant 0 : i32
        %dma_wait3A_407 = tpu.memref_slice %arg2[%dma_wait3A_405, %dma_wait3A_406] : memref<10000x128xf32, #tpu.memory_space<hbm>> -> memref<40x128xf32, #tpu.memory_space<hbm>>
        %dma_wait3A_408 = arith.constant 0 : i32
        %dma_wait3A_409 = arith.constant 0 : i32
        %dma_wait3A_410 = tpu.memref_slice %arg2[%dma_wait3A_408, %dma_wait3A_409] : memref<10000x128xf32, #tpu.memory_space<hbm>> -> memref<40x128xf32, #tpu.memory_space<hbm>>
        tpu.wait_dma2 semaphore(%arg33 : memref<!tpu.dma_semaphore, #tpu.memory_space<semaphore_mem>>) src(%dma_wait3A_410 : memref<40x128xf32, #tpu.memory_space<hbm>>) dst(%arg18 : memref<40x128xf32, #tpu.memory_space<vmem>>)
        %dma_wait3A_411 = arith.constant 0 : i32
        %dma_wait3A_412 = tpu.memref_slice %arg4[%dma_wait3A_411] : memref<320000xi32, #tpu.memory_space<hbm>> -> memref<40xi32, #tpu.memory_space<hbm>>
        %dma_wait3A_413 = arith.constant 0 : i32
        %dma_wait3A_414 = tpu.memref_slice %arg4[%dma_wait3A_413] : memref<320000xi32, #tpu.memory_space<hbm>> -> memref<40xi32, #tpu.memory_space<hbm>>
        tpu.wait_dma2 semaphore(%arg26 : memref<!tpu.dma_semaphore, #tpu.memory_space<semaphore_mem>>) src(%dma_wait3A_414 : memref<40xi32, #tpu.memory_space<hbm>>) dst(%arg11 : memref<40xi32, #tpu.memory_space<vmem>>)
        %dma_start3A_415 = arith.constant 0 : i32
        %dma_start3A_416 = arith.constant 0 : i32
        %dma_start3A_417 = tpu.memref_slice %arg21[%dma_start3A_415, %dma_start3A_416] : memref<10240x128xf32, #tpu.memory_space<vmem_shared>> -> memref<10240x128xf32, #tpu.memory_space<vmem_shared>>
        tpu.enqueue_indirect_dma source(%arg18 : memref<40x128xf32, #tpu.memory_space<vmem>>) target(%dma_start3A_417 : memref<10240x128xf32, #tpu.memory_space<vmem_shared>>) offsets(%arg11 : memref<40xi32, #tpu.memory_space<vmem>>) semaphore(%arg40 : memref<!tpu.dma_semaphore, #tpu.memory_space<semaphore_mem>>) {add = true}
      } else {
      }
      %mul3A_387 = arith.constant 7 : i32
      %mul3A_388 = arith.muli %scan3A_247, %mul3A_387 : i32
      %add3A_389 = arith.constant 5 : i32
      %add3A_390 = arith.addi %mul3A_388, %add3A_389 : i32
      %lt3A_391 = arith.constant 250 : i32
      %lt3A_392 = arith.cmpi slt, %add3A_390, %lt3A_391 : i32
      %convert_element_type3A_393 = arith.extui %lt3A_392 : i1 to i32
      %cond3A_394 = arith.constant 0 : i32
      %cond3A_395 = arith.cmpi ne, %convert_element_type3A_393, %cond3A_394 : i32
      scf.if %cond3A_395 {
        %dma_wait3A_405 = arith.constant 0 : i32
        %dma_wait3A_406 = arith.constant 0 : i32
        %dma_wait3A_407 = tpu.memref_slice %arg2[%dma_wait3A_405, %dma_wait3A_406] : memref<10000x128xf32, #tpu.memory_space<hbm>> -> memref<40x128xf32, #tpu.memory_space<hbm>>
        %dma_wait3A_408 = arith.constant 0 : i32
        %dma_wait3A_409 = arith.constant 0 : i32
        %dma_wait3A_410 = tpu.memref_slice %arg2[%dma_wait3A_408, %dma_wait3A_409] : memref<10000x128xf32, #tpu.memory_space<hbm>> -> memref<40x128xf32, #tpu.memory_space<hbm>>
        tpu.wait_dma2 semaphore(%arg34 : memref<!tpu.dma_semaphore, #tpu.memory_space<semaphore_mem>>) src(%dma_wait3A_410 : memref<40x128xf32, #tpu.memory_space<hbm>>) dst(%arg19 : memref<40x128xf32, #tpu.memory_space<vmem>>)
        %dma_wait3A_411 = arith.constant 0 : i32
        %dma_wait3A_412 = tpu.memref_slice %arg4[%dma_wait3A_411] : memref<320000xi32, #tpu.memory_space<hbm>> -> memref<40xi32, #tpu.memory_space<hbm>>
        %dma_wait3A_413 = arith.constant 0 : i32
        %dma_wait3A_414 = tpu.memref_slice %arg4[%dma_wait3A_413] : memref<320000xi32, #tpu.memory_space<hbm>> -> memref<40xi32, #tpu.memory_space<hbm>>
        tpu.wait_dma2 semaphore(%arg27 : memref<!tpu.dma_semaphore, #tpu.memory_space<semaphore_mem>>) src(%dma_wait3A_414 : memref<40xi32, #tpu.memory_space<hbm>>) dst(%arg12 : memref<40xi32, #tpu.memory_space<vmem>>)
        %dma_start3A_415 = arith.constant 0 : i32
        %dma_start3A_416 = arith.constant 0 : i32
        %dma_start3A_417 = tpu.memref_slice %arg21[%dma_start3A_415, %dma_start3A_416] : memref<10240x128xf32, #tpu.memory_space<vmem_shared>> -> memref<10240x128xf32, #tpu.memory_space<vmem_shared>>
        tpu.enqueue_indirect_dma source(%arg19 : memref<40x128xf32, #tpu.memory_space<vmem>>) target(%dma_start3A_417 : memref<10240x128xf32, #tpu.memory_space<vmem_shared>>) offsets(%arg12 : memref<40xi32, #tpu.memory_space<vmem>>) semaphore(%arg41 : memref<!tpu.dma_semaphore, #tpu.memory_space<semaphore_mem>>) {add = true}
      } else {
      }
      %mul3A_396 = arith.constant 7 : i32
      %mul3A_397 = arith.muli %scan3A_247, %mul3A_396 : i32
      %add3A_398 = arith.constant 6 : i32
      %add3A_399 = arith.addi %mul3A_397, %add3A_398 : i32
      %lt3A_400 = arith.constant 250 : i32
      %lt3A_401 = arith.cmpi slt, %add3A_399, %lt3A_400 : i32
      %convert_element_type3A_402 = arith.extui %lt3A_401 : i1 to i32
      %cond3A_403 = arith.constant 0 : i32
      %cond3A_404 = arith.cmpi ne, %convert_element_type3A_402, %cond3A_403 : i32
      scf.if %cond3A_404 {
        %dma_wait3A_405 = arith.constant 0 : i32
        %dma_wait3A_406 = arith.constant 0 : i32
        %dma_wait3A_407 = tpu.memref_slice %arg2[%dma_wait3A_405, %dma_wait3A_406] : memref<10000x128xf32, #tpu.memory_space<hbm>> -> memref<40x128xf32, #tpu.memory_space<hbm>>
        %dma_wait3A_408 = arith.constant 0 : i32
        %dma_wait3A_409 = arith.constant 0 : i32
        %dma_wait3A_410 = tpu.memref_slice %arg2[%dma_wait3A_408, %dma_wait3A_409] : memref<10000x128xf32, #tpu.memory_space<hbm>> -> memref<40x128xf32, #tpu.memory_space<hbm>>
        tpu.wait_dma2 semaphore(%arg35 : memref<!tpu.dma_semaphore, #tpu.memory_space<semaphore_mem>>) src(%dma_wait3A_410 : memref<40x128xf32, #tpu.memory_space<hbm>>) dst(%arg20 : memref<40x128xf32, #tpu.memory_space<vmem>>)
        %dma_wait3A_411 = arith.constant 0 : i32
        %dma_wait3A_412 = tpu.memref_slice %arg4[%dma_wait3A_411] : memref<320000xi32, #tpu.memory_space<hbm>> -> memref<40xi32, #tpu.memory_space<hbm>>
        %dma_wait3A_413 = arith.constant 0 : i32
        %dma_wait3A_414 = tpu.memref_slice %arg4[%dma_wait3A_413] : memref<320000xi32, #tpu.memory_space<hbm>> -> memref<40xi32, #tpu.memory_space<hbm>>
        tpu.wait_dma2 semaphore(%arg28 : memref<!tpu.dma_semaphore, #tpu.memory_space<semaphore_mem>>) src(%dma_wait3A_414 : memref<40xi32, #tpu.memory_space<hbm>>) dst(%arg13 : memref<40xi32, #tpu.memory_space<vmem>>)
        %dma_start3A_415 = arith.constant 0 : i32
        %dma_start3A_416 = arith.constant 0 : i32
        %dma_start3A_417 = tpu.memref_slice %arg21[%dma_start3A_415, %dma_start3A_416] : memref<10240x128xf32, #tpu.memory_space<vmem_shared>> -> memref<10240x128xf32, #tpu.memory_space<vmem_shared>>
        tpu.enqueue_indirect_dma source(%arg20 : memref<40x128xf32, #tpu.memory_space<vmem>>) target(%dma_start3A_417 : memref<10240x128xf32, #tpu.memory_space<vmem_shared>>) offsets(%arg13 : memref<40xi32, #tpu.memory_space<vmem>>) semaphore(%arg42 : memref<!tpu.dma_semaphore, #tpu.memory_space<semaphore_mem>>) {add = true}
      } else {
      }
    }
    %scan3A_208 = arith.constant 36 : i32
    %dma_wait3A_209 = arith.constant 0 : i32
    %dma_wait3A_210 = arith.constant 0 : i32
    %dma_wait3A_211 = tpu.memref_slice %arg2[%dma_wait3A_209, %dma_wait3A_210] : memref<10000x128xf32, #tpu.memory_space<hbm>> -> memref<40x128xf32, #tpu.memory_space<hbm>>
    %dma_wait3A_212 = arith.constant 0 : i32
    %dma_wait3A_213 = arith.constant 0 : i32
    %dma_wait3A_214 = tpu.memref_slice %arg2[%dma_wait3A_212, %dma_wait3A_213] : memref<10000x128xf32, #tpu.memory_space<hbm>> -> memref<40x128xf32, #tpu.memory_space<hbm>>
    tpu.wait_dma2 semaphore(%arg36 : memref<!tpu.dma_semaphore, #tpu.memory_space<semaphore_mem>>) src(%dma_wait3A_214 : memref<40x128xf32, #tpu.memory_space<hbm>>) dst(%arg14 : memref<40x128xf32, #tpu.memory_space<vmem>>)
    %dma_wait3A_215 = arith.constant 0 : i32
    %dma_wait3A_216 = arith.constant 0 : i32
    %dma_wait3A_217 = tpu.memref_slice %arg2[%dma_wait3A_215, %dma_wait3A_216] : memref<10000x128xf32, #tpu.memory_space<hbm>> -> memref<40x128xf32, #tpu.memory_space<hbm>>
    %dma_wait3A_218 = arith.constant 0 : i32
    %dma_wait3A_219 = arith.constant 0 : i32
    %dma_wait3A_220 = tpu.memref_slice %arg2[%dma_wait3A_218, %dma_wait3A_219] : memref<10000x128xf32, #tpu.memory_space<hbm>> -> memref<40x128xf32, #tpu.memory_space<hbm>>
    tpu.wait_dma2 semaphore(%arg37 : memref<!tpu.dma_semaphore, #tpu.memory_space<semaphore_mem>>) src(%dma_wait3A_220 : memref<40x128xf32, #tpu.memory_space<hbm>>) dst(%arg15 : memref<40x128xf32, #tpu.memory_space<vmem>>)
    %dma_wait3A_221 = arith.constant 0 : i32
    %dma_wait3A_222 = arith.constant 0 : i32
    %dma_wait3A_223 = tpu.memref_slice %arg2[%dma_wait3A_221, %dma_wait3A_222] : memref<10000x128xf32, #tpu.memory_space<hbm>> -> memref<40x128xf32, #tpu.memory_space<hbm>>
    %dma_wait3A_224 = arith.constant 0 : i32
    %dma_wait3A_225 = arith.constant 0 : i32
    %dma_wait3A_226 = tpu.memref_slice %arg2[%dma_wait3A_224, %dma_wait3A_225] : memref<10000x128xf32, #tpu.memory_space<hbm>> -> memref<40x128xf32, #tpu.memory_space<hbm>>
    tpu.wait_dma2 semaphore(%arg38 : memref<!tpu.dma_semaphore, #tpu.memory_space<semaphore_mem>>) src(%dma_wait3A_226 : memref<40x128xf32, #tpu.memory_space<hbm>>) dst(%arg16 : memref<40x128xf32, #tpu.memory_space<vmem>>)
    %dma_wait3A_227 = arith.constant 0 : i32
    %dma_wait3A_228 = arith.constant 0 : i32
    %dma_wait3A_229 = tpu.memref_slice %arg2[%dma_wait3A_227, %dma_wait3A_228] : memref<10000x128xf32, #tpu.memory_space<hbm>> -> memref<40x128xf32, #tpu.memory_space<hbm>>
    %dma_wait3A_230 = arith.constant 0 : i32
    %dma_wait3A_231 = arith.constant 0 : i32
    %dma_wait3A_232 = tpu.memref_slice %arg2[%dma_wait3A_230, %dma_wait3A_231] : memref<10000x128xf32, #tpu.memory_space<hbm>> -> memref<40x128xf32, #tpu.memory_space<hbm>>
    tpu.wait_dma2 semaphore(%arg39 : memref<!tpu.dma_semaphore, #tpu.memory_space<semaphore_mem>>) src(%dma_wait3A_232 : memref<40x128xf32, #tpu.memory_space<hbm>>) dst(%arg17 : memref<40x128xf32, #tpu.memory_space<vmem>>)
    %dma_wait3A_233 = arith.constant 0 : i32
    %dma_wait3A_234 = arith.constant 0 : i32
    %dma_wait3A_235 = tpu.memref_slice %arg2[%dma_wait3A_233, %dma_wait3A_234] : memref<10000x128xf32, #tpu.memory_space<hbm>> -> memref<40x128xf32, #tpu.memory_space<hbm>>
    %dma_wait3A_236 = arith.constant 0 : i32
    %dma_wait3A_237 = arith.constant 0 : i32
    %dma_wait3A_238 = tpu.memref_slice %arg2[%dma_wait3A_236, %dma_wait3A_237] : memref<10000x128xf32, #tpu.memory_space<hbm>> -> memref<40x128xf32, #tpu.memory_space<hbm>>
    tpu.wait_dma2 semaphore(%arg40 : memref<!tpu.dma_semaphore, #tpu.memory_space<semaphore_mem>>) src(%dma_wait3A_238 : memref<40x128xf32, #tpu.memory_space<hbm>>) dst(%arg18 : memref<40x128xf32, #tpu.memory_space<vmem>>)
    %barrier3A_239 = arith.constant 0 : index
    tpu.barrier barrier_id(%barrier3A_239)
    %mul3A_240 = arith.constant 640 : i32
    %mul3A_241 = arith.muli %arg1, %mul3A_240 : i32
    %mul3A_242 = arith.constant 10240 : i32
    %mul3A_243 = arith.muli %arg0, %mul3A_242 : i32
    %mul3A_244 = arith.constant 640 : i32
    %mul3A_245 = arith.muli %arg1, %mul3A_244 : i32
    %add3A_246 = arith.addi %mul3A_243, %mul3A_245 : i32
    "tpu.region"() ({
      %run_scoped3A = tpu.sem_alloc : memref<!tpu.dma_semaphore, #tpu.memory_space<semaphore_mem>>
      %dma_start3A_247 = arith.constant 0 : i32
      %dma_start3A_248 = tpu.memref_slice %arg5[%add3A_246, %dma_start3A_247] : memref<20480x128xf32, #tpu.memory_space<hbm>> -> memref<640x128xf32, #tpu.memory_space<hbm>>
      %dma_start3A_249 = arith.constant 0 : i32
      %dma_start3A_250 = tpu.memref_slice %arg21[%mul3A_241, %dma_start3A_249] : memref<10240x128xf32, #tpu.memory_space<vmem_shared>> -> memref<640x128xf32, #tpu.memory_space<vmem_shared>>
      tpu.enqueue_dma source(%dma_start3A_250 : memref<640x128xf32, #tpu.memory_space<vmem_shared>>) target(%dma_start3A_248 : memref<640x128xf32, #tpu.memory_space<hbm>>) target_semaphore(%run_scoped3A : memref<!tpu.dma_semaphore, #tpu.memory_space<semaphore_mem>>)
      %dma_wait3A_251 = arith.constant 0 : i32
      %dma_wait3A_252 = tpu.memref_slice %arg5[%add3A_246, %dma_wait3A_251] : memref<20480x128xf32, #tpu.memory_space<hbm>> -> memref<640x128xf32, #tpu.memory_space<hbm>>
      %dma_wait3A_253 = arith.constant 0 : i32
      %dma_wait3A_254 = tpu.memref_slice %arg21[%mul3A_241, %dma_wait3A_253] : memref<10240x128xf32, #tpu.memory_space<vmem_shared>> -> memref<640x128xf32, #tpu.memory_space<vmem_shared>>
      tpu.wait_dma2 semaphore(%run_scoped3A : memref<!tpu.dma_semaphore, #tpu.memory_space<semaphore_mem>>) src(%dma_wait3A_254 : memref<640x128xf32, #tpu.memory_space<vmem_shared>>) dst(%dma_wait3A_252 : memref<640x128xf32, #tpu.memory_space<hbm>>)
      tpu.yield
    }) : () -> ()
    return
  }
}

module attributes {stable_mosaic.version = 14 : i64} {
  func.func @_lin1_body(%arg0: i32, %arg1: memref<2000x128xf32, #tpu.memory_space<vmem>>, %arg2: memref<128x128xf32, #tpu.memory_space<vmem>>, %arg3: memref<2000x32xf32, #tpu.memory_space<vmem>>, %arg4: memref<2000x128xf32, #tpu.memory_space<vmem>>, %arg5: memref<2000x1xf32, #tpu.memory_space<vmem>>) attributes {dimension_semantics = [#tpu.dimension_semantics<arbitrary>], iteration_bounds = array<i64: 5>, scalar_prefetch = 0 : i64, scratch_operands = 0 : i64, tpu.core_type = #tpu.core_type<tc>, window_params = [{transform_indices = @transform_0, window_bounds = array<i64: 2000, 128>}, {pipeline_mode = #tpu.pipeline_mode<synchronous>, transform_indices = @transform_1, window_bounds = array<i64: 128, 128>}, {transform_indices = @transform_2, window_bounds = array<i64: 2000, 32>}, {transform_indices = @transform_3, window_bounds = array<i64: 2000, 128>}, {transform_indices = @transform_4, window_bounds = array<i64: 2000, 1>}]} {
    %get3A = arith.constant 0 : index
    %get3A_0 = arith.constant 0 : index
    %get3A_1 = vector.load %arg3[%get3A, %get3A_0] : memref<2000x32xf32, #tpu.memory_space<vmem>>, vector<2000x32xf32>
    %reduce_sum3A = arith.constant dense<0.000000e+00> : vector<2000xf32>
    %reduce_sum3A_2 = vector.multi_reduction <add>, %get3A_1, %reduce_sum3A [1] : vector<2000x32xf32> to vector<2000xf32>
    %broadcast_in_dim3A = vector.shape_cast %reduce_sum3A_2 : vector<2000xf32> to vector<2000x1xf32>
    %add3A = arith.constant 1.000000e+00 : f32
    %add3A_3 = vector.broadcast %add3A : f32 to vector<2000x1xf32>
    %add3A_4 = arith.addf %add3A_3, %broadcast_in_dim3A : vector<2000x1xf32>
    %rsqrt3A = math.rsqrt %add3A_4 : vector<2000x1xf32>
    %get3A_5 = arith.constant 0 : index
    %get3A_6 = arith.constant 0 : index
    %get3A_7 = vector.load %arg1[%get3A_5, %get3A_6] : memref<2000x128xf32, #tpu.memory_space<vmem>>, vector<2000x128xf32>
    %get3A_8 = arith.constant 0 : index
    %get3A_9 = arith.constant 0 : index
    %get3A_10 = vector.load %arg2[%get3A_8, %get3A_9] : memref<128x128xf32, #tpu.memory_space<vmem>>, vector<128x128xf32>
    %dot_general3A = arith.constant dense<0.000000e+00> : vector<2000x128xf32>
    %dot_general3A_11 = tpu.matmul %get3A_7, %get3A_10, %dot_general3A {dimension_numbers = #tpu.dot_dimension_numbers<[1], [0], [0], [1], [0, 0, 1, 1], [], []>, transpose_lhs_hint = false} : vector<2000x128xf32>, vector<128x128xf32>, vector<2000x128xf32> -> vector<2000x128xf32>
    %mul3A = vector.broadcast %rsqrt3A : vector<2000x1xf32> to vector<2000x128xf32>
    %mul3A_12 = arith.mulf %dot_general3A_11, %mul3A : vector<2000x128xf32>
    %swap3A = arith.constant 0 : index
    %swap3A_13 = arith.constant 0 : index
    %swap3A_14 = vector.load %arg4[%swap3A, %swap3A_13] : memref<2000x128xf32, #tpu.memory_space<vmem>>, vector<2000x128xf32>
    tpu.vector_store %arg4[%swap3A, %swap3A_13], %mul3A_12 {strides = array<i32>} : memref<2000x128xf32, #tpu.memory_space<vmem>>, vector<2000x128xf32>,
    %swap3A_15 = arith.constant 0 : index
    %swap3A_16 = arith.constant 0 : index
    %swap3A_17 = vector.load %arg5[%swap3A_15, %swap3A_16] : memref<2000x1xf32, #tpu.memory_space<vmem>>, vector<2000x1xf32>
    tpu.vector_store %arg5[%swap3A_15, %swap3A_16], %rsqrt3A {strides = array<i32>} : memref<2000x1xf32, #tpu.memory_space<vmem>>, vector<2000x1xf32>,
    return
  }
  func.func @transform_0(%arg0: i32) -> (i32, i32) {
    %c0_i32 = arith.constant 0 : i32
    %c0_i32_0 = arith.constant 0 : i32
    return %arg0, %c0_i32 : i32, i32
  }
  func.func @transform_1(%arg0: i32) -> (i32, i32) {
    %c0_i32 = arith.constant 0 : i32
    %c0_i32_0 = arith.constant 0 : i32
    %c0_i32_1 = arith.constant 0 : i32
    return %c0_i32, %c0_i32_0 : i32, i32
  }
  func.func @transform_2(%arg0: i32) -> (i32, i32) {
    %c0_i32 = arith.constant 0 : i32
    %c0_i32_0 = arith.constant 0 : i32
    return %arg0, %c0_i32 : i32, i32
  }
  func.func @transform_3(%arg0: i32) -> (i32, i32) {
    %c0_i32 = arith.constant 0 : i32
    %c0_i32_0 = arith.constant 0 : i32
    return %arg0, %c0_i32 : i32, i32
  }
  func.func @transform_4(%arg0: i32) -> (i32, i32) {
    %c0_i32 = arith.constant 0 : i32
    %c0_i32_0 = arith.constant 0 : i32
    return %arg0, %c0_i32 : i32, i32
  }
}

module attributes {stable_mosaic.version = 14 : i64} {
  func.func @_lin2_body(%arg0: i32, %arg1: memref<1x2000x128xf32, #tpu.memory_space<vmem>>, %arg2: memref<1x2000x128xf32, #tpu.memory_space<vmem>>, %arg3: memref<2000x128xf32, #tpu.memory_space<vmem>>, %arg4: memref<2000x1xf32, #tpu.memory_space<vmem>>, %arg5: memref<1x128xf32, #tpu.memory_space<vmem>>, %arg6: memref<128x128xf32, #tpu.memory_space<vmem>>, %arg7: memref<2000x128xf32, #tpu.memory_space<vmem>>) attributes {dimension_semantics = [#tpu.dimension_semantics<arbitrary>], iteration_bounds = array<i64: 5>, scalar_prefetch = 0 : i64, scratch_operands = 0 : i64, tpu.core_type = #tpu.core_type<tc>, window_params = [{transform_indices = @transform_0, window_bounds = array<i64: 1, 2000, 128>}, {transform_indices = @transform_1, window_bounds = array<i64: 1, 2000, 128>}, {transform_indices = @transform_2, window_bounds = array<i64: 2000, 128>}, {transform_indices = @transform_3, window_bounds = array<i64: 2000, 1>}, {pipeline_mode = #tpu.pipeline_mode<synchronous>, transform_indices = @transform_4, window_bounds = array<i64: 1, 128>}, {pipeline_mode = #tpu.pipeline_mode<synchronous>, transform_indices = @transform_5, window_bounds = array<i64: 128, 128>}, {transform_indices = @transform_6, window_bounds = array<i64: 2000, 128>}]} {
    %get3A = arith.constant 0 : index
    %get3A_0 = arith.constant 0 : index
    %get3A_1 = vector.load %arg4[%get3A, %get3A_0] : memref<2000x1xf32, #tpu.memory_space<vmem>>, vector<2000x1xf32>
    %get3A_2 = arith.constant 0 : index
    %get3A_3 = arith.constant 0 : index
    %get3A_4 = arith.constant 0 : index
    %get3A_5 = vector.load %arg1[%get3A_2, %get3A_3, %get3A_4] : memref<1x2000x128xf32, #tpu.memory_space<vmem>>, vector<1x2000x128xf32>
    %get3A_6 = vector.shape_cast %get3A_5 : vector<1x2000x128xf32> to vector<2000x128xf32>
    %get3A_7 = arith.constant 0 : index
    %get3A_8 = arith.constant 0 : index
    %get3A_9 = arith.constant 0 : index
    %get3A_10 = vector.load %arg2[%get3A_7, %get3A_8, %get3A_9] : memref<1x2000x128xf32, #tpu.memory_space<vmem>>, vector<1x2000x128xf32>
    %get3A_11 = vector.shape_cast %get3A_10 : vector<1x2000x128xf32> to vector<2000x128xf32>
    %add3A = arith.addf %get3A_6, %get3A_11 : vector<2000x128xf32>
    %get3A_12 = arith.constant 0 : index
    %get3A_13 = arith.constant 0 : index
    %get3A_14 = vector.load %arg3[%get3A_12, %get3A_13] : memref<2000x128xf32, #tpu.memory_space<vmem>>, vector<2000x128xf32>
    %add3A_15 = arith.addf %add3A, %get3A_14 : vector<2000x128xf32>
    %mul3A = vector.broadcast %get3A_1 : vector<2000x1xf32> to vector<2000x128xf32>
    %mul3A_16 = arith.mulf %add3A_15, %mul3A : vector<2000x128xf32>
    %get3A_17 = arith.constant 0 : index
    %get3A_18 = arith.constant 0 : index
    %get3A_19 = vector.load %arg5[%get3A_17, %get3A_18] : memref<1x128xf32, #tpu.memory_space<vmem>>, vector<1x128xf32>
    %add3A_20 = vector.broadcast %get3A_19 : vector<1x128xf32> to vector<2000x128xf32>
    %add3A_21 = arith.addf %mul3A_16, %add3A_20 : vector<2000x128xf32>
    %max3A = arith.constant 0.000000e+00 : f32
    %max3A_22 = vector.broadcast %max3A : f32 to vector<2000x128xf32>
    %max3A_23 = arith.maximumf %add3A_21, %max3A_22 : vector<2000x128xf32>
    %get3A_24 = arith.constant 0 : index
    %get3A_25 = arith.constant 0 : index
    %get3A_26 = vector.load %arg6[%get3A_24, %get3A_25] : memref<128x128xf32, #tpu.memory_space<vmem>>, vector<128x128xf32>
    %dot_general3A = arith.constant dense<0.000000e+00> : vector<2000x128xf32>
    %dot_general3A_27 = tpu.matmul %max3A_23, %get3A_26, %dot_general3A {dimension_numbers = #tpu.dot_dimension_numbers<[1], [0], [0], [1], [0, 0, 1, 1], [], []>, transpose_lhs_hint = false} : vector<2000x128xf32>, vector<128x128xf32>, vector<2000x128xf32> -> vector<2000x128xf32>
    %mul3A_28 = vector.broadcast %get3A_1 : vector<2000x1xf32> to vector<2000x128xf32>
    %mul3A_29 = arith.mulf %dot_general3A_27, %mul3A_28 : vector<2000x128xf32>
    %swap3A = arith.constant 0 : index
    %swap3A_30 = arith.constant 0 : index
    %swap3A_31 = vector.load %arg7[%swap3A, %swap3A_30] : memref<2000x128xf32, #tpu.memory_space<vmem>>, vector<2000x128xf32>
    tpu.vector_store %arg7[%swap3A, %swap3A_30], %mul3A_29 {strides = array<i32>} : memref<2000x128xf32, #tpu.memory_space<vmem>>, vector<2000x128xf32>,
    return
  }
  func.func @transform_0(%arg0: i32) -> (i32, i32, i32) {
    %c0_i32 = arith.constant 0 : i32
    %c0_i32_0 = arith.constant 0 : i32
    %c0_i32_1 = arith.constant 0 : i32
    return %c0_i32, %arg0, %c0_i32_0 : i32, i32, i32
  }
  func.func @transform_1(%arg0: i32) -> (i32, i32, i32) {
    %c1_i32 = arith.constant 1 : i32
    %c0_i32 = arith.constant 0 : i32
    %c0_i32_0 = arith.constant 0 : i32
    return %c1_i32, %arg0, %c0_i32 : i32, i32, i32
  }
  func.func @transform_2(%arg0: i32) -> (i32, i32) {
    %c0_i32 = arith.constant 0 : i32
    %c0_i32_0 = arith.constant 0 : i32
    return %arg0, %c0_i32 : i32, i32
  }
  func.func @transform_3(%arg0: i32) -> (i32, i32) {
    %c0_i32 = arith.constant 0 : i32
    %c0_i32_0 = arith.constant 0 : i32
    return %arg0, %c0_i32 : i32, i32
  }
  func.func @transform_4(%arg0: i32) -> (i32, i32) {
    %c0_i32 = arith.constant 0 : i32
    %c0_i32_0 = arith.constant 0 : i32
    %c0_i32_1 = arith.constant 0 : i32
    return %c0_i32, %c0_i32_0 : i32, i32
  }
  func.func @transform_5(%arg0: i32) -> (i32, i32) {
    %c0_i32 = arith.constant 0 : i32
    %c0_i32_0 = arith.constant 0 : i32
    %c0_i32_1 = arith.constant 0 : i32
    return %c0_i32, %c0_i32_0 : i32, i32
  }
  func.func @transform_6(%arg0: i32) -> (i32, i32) {
    %c0_i32 = arith.constant 0 : i32
    %c0_i32_0 = arith.constant 0 : i32
    return %arg0, %c0_i32 : i32, i32
  }
}

module attributes {stable_mosaic.version = 14 : i64} {
  func.func @_pool_body(%arg0: i32, %arg1: memref<1x2000x128xf32, #tpu.memory_space<vmem>>, %arg2: memref<1x2000x128xf32, #tpu.memory_space<vmem>>, %arg3: memref<2000x128xf32, #tpu.memory_space<vmem>>, %arg4: memref<2000x1xf32, #tpu.memory_space<vmem>>, %arg5: memref<1x128xf32, #tpu.memory_space<vmem>>, %arg6: memref<2000x1xi32, #tpu.memory_space<vmem>>, %arg7: memref<64x128xf32, #tpu.memory_space<vmem>>, %arg8: memref<64x128xf32, #tpu.memory_space<vmem>>, %arg9: memref<64x128xf32, #tpu.memory_space<vmem>>) attributes {dimension_semantics = [#tpu.dimension_semantics<arbitrary>], iteration_bounds = array<i64: 5>, scalar_prefetch = 0 : i64, scratch_operands = 2 : i64, tpu.core_type = #tpu.core_type<tc>, window_params = [{transform_indices = @transform_0, window_bounds = array<i64: 1, 2000, 128>}, {transform_indices = @transform_1, window_bounds = array<i64: 1, 2000, 128>}, {transform_indices = @transform_2, window_bounds = array<i64: 2000, 128>}, {transform_indices = @transform_3, window_bounds = array<i64: 2000, 1>}, {pipeline_mode = #tpu.pipeline_mode<synchronous>, transform_indices = @transform_4, window_bounds = array<i64: 1, 128>}, {transform_indices = @transform_5, window_bounds = array<i64: 2000, 1>}, {pipeline_mode = #tpu.pipeline_mode<synchronous>, transform_indices = @transform_6, window_bounds = array<i64: 64, 128>}]} {
    %get3A = arith.constant 0 : index
    %get3A_0 = arith.constant 0 : index
    %get3A_1 = arith.constant 0 : index
    %get3A_2 = vector.load %arg1[%get3A, %get3A_0, %get3A_1] : memref<1x2000x128xf32, #tpu.memory_space<vmem>>, vector<1x2000x128xf32>
    %get3A_3 = vector.shape_cast %get3A_2 : vector<1x2000x128xf32> to vector<2000x128xf32>
    %get3A_4 = arith.constant 0 : index
    %get3A_5 = arith.constant 0 : index
    %get3A_6 = arith.constant 0 : index
    %get3A_7 = vector.load %arg2[%get3A_4, %get3A_5, %get3A_6] : memref<1x2000x128xf32, #tpu.memory_space<vmem>>, vector<1x2000x128xf32>
    %get3A_8 = vector.shape_cast %get3A_7 : vector<1x2000x128xf32> to vector<2000x128xf32>
    %add3A = arith.addf %get3A_3, %get3A_8 : vector<2000x128xf32>
    %get3A_9 = arith.constant 0 : index
    %get3A_10 = arith.constant 0 : index
    %get3A_11 = vector.load %arg3[%get3A_9, %get3A_10] : memref<2000x128xf32, #tpu.memory_space<vmem>>, vector<2000x128xf32>
    %add3A_12 = arith.addf %add3A, %get3A_11 : vector<2000x128xf32>
    %get3A_13 = arith.constant 0 : index
    %get3A_14 = arith.constant 0 : index
    %get3A_15 = vector.load %arg4[%get3A_13, %get3A_14] : memref<2000x1xf32, #tpu.memory_space<vmem>>, vector<2000x1xf32>
    %mul3A = vector.broadcast %get3A_15 : vector<2000x1xf32> to vector<2000x128xf32>
    %mul3A_16 = arith.mulf %add3A_12, %mul3A : vector<2000x128xf32>
    %get3A_17 = arith.constant 0 : index
    %get3A_18 = arith.constant 0 : index
    %get3A_19 = vector.load %arg5[%get3A_17, %get3A_18] : memref<1x128xf32, #tpu.memory_space<vmem>>, vector<1x128xf32>
    %add3A_20 = vector.broadcast %get3A_19 : vector<1x128xf32> to vector<2000x128xf32>
    %add3A_21 = arith.addf %mul3A_16, %add3A_20 : vector<2000x128xf32>
    %max3A = arith.constant 0.000000e+00 : f32
    %max3A_22 = vector.broadcast %max3A : f32 to vector<2000x128xf32>
    %max3A_23 = arith.maximumf %add3A_21, %max3A_22 : vector<2000x128xf32>
    %iota3A = tpu.iota {dimensions = array<i32: 1>} : vector<2000x64xi32>
    %get3A_24 = arith.constant 0 : index
    %get3A_25 = arith.constant 0 : index
    %get3A_26 = vector.load %arg6[%get3A_24, %get3A_25] : memref<2000x1xi32, #tpu.memory_space<vmem>>, vector<2000x1xi32>
    %eq3A = vector.broadcast %get3A_26 : vector<2000x1xi32> to vector<2000x64xi32>
    %eq3A_27 = arith.cmpi eq, %eq3A, %iota3A : vector<2000x64xi32>
    %convert_element_type3A = arith.extui %eq3A_27 : vector<2000x64xi1> to vector<2000x64xi32>
    %convert_element_type3A_28 = arith.sitofp %convert_element_type3A : vector<2000x64xi32> to vector<2000x64xf32>
    %dot_general3A = arith.constant dense<0.000000e+00> : vector<64x128xf32>
    %dot_general3A_29 = tpu.matmul %convert_element_type3A_28, %max3A_23, %dot_general3A {dimension_numbers = #tpu.dot_dimension_numbers<[0], [0], [1], [1], [0, 1, 1, 1], [], []>, transpose_lhs_hint = false} : vector<2000x64xf32>, vector<2000x128xf32>, vector<64x128xf32> -> vector<64x128xf32>
    %broadcast_in_dim3A = arith.constant 1.000000e+00 : f32
    %broadcast_in_dim3A_30 = vector.broadcast %broadcast_in_dim3A : f32 to vector<2000x128xf32>
    %dot_general3A_31 = arith.constant dense<0.000000e+00> : vector<64x128xf32>
    %dot_general3A_32 = tpu.matmul %convert_element_type3A_28, %broadcast_in_dim3A_30, %dot_general3A_31 {dimension_numbers = #tpu.dot_dimension_numbers<[0], [0], [1], [1], [0, 1, 1, 1], [], []>, transpose_lhs_hint = false} : vector<2000x64xf32>, vector<2000x128xf32>, vector<64x128xf32> -> vector<64x128xf32>
    %eq3A_33 = arith.constant 0 : i32
    %eq3A_34 = arith.cmpi eq, %arg0, %eq3A_33 : i32
    %convert_element_type3A_35 = arith.extui %eq3A_34 : i1 to i32
    %cond3A = arith.constant 0 : i32
    %cond3A_36 = arith.cmpi ne, %convert_element_type3A_35, %cond3A : i32
    scf.if %cond3A_36 {
      %swap3A = arith.constant 0 : index
      %swap3A_46 = arith.constant 0 : index
      %swap3A_47 = vector.load %arg8[%swap3A, %swap3A_46] : memref<64x128xf32, #tpu.memory_space<vmem>>, vector<64x128xf32>
      tpu.vector_store %arg8[%swap3A, %swap3A_46], %dot_general3A_29 {strides = array<i32>} : memref<64x128xf32, #tpu.memory_space<vmem>>, vector<64x128xf32>,
      %swap3A_48 = arith.constant 0 : index
      %swap3A_49 = arith.constant 0 : index
      %swap3A_50 = vector.load %arg9[%swap3A_48, %swap3A_49] : memref<64x128xf32, #tpu.memory_space<vmem>>, vector<64x128xf32>
      tpu.vector_store %arg9[%swap3A_48, %swap3A_49], %dot_general3A_32 {strides = array<i32>} : memref<64x128xf32, #tpu.memory_space<vmem>>, vector<64x128xf32>,
    } else {
    }
    %gt3A = arith.constant 0 : i32
    %gt3A_37 = arith.cmpi sgt, %arg0, %gt3A : i32
    %convert_element_type3A_38 = arith.extui %gt3A_37 : i1 to i32
    %cond3A_39 = arith.constant 0 : i32
    %cond3A_40 = arith.cmpi ne, %convert_element_type3A_38, %cond3A_39 : i32
    scf.if %cond3A_40 {
      %get3A_46 = arith.constant 0 : index
      %get3A_47 = arith.constant 0 : index
      %get3A_48 = vector.load %arg8[%get3A_46, %get3A_47] : memref<64x128xf32, #tpu.memory_space<vmem>>, vector<64x128xf32>
      %add3A_49 = arith.addf %get3A_48, %dot_general3A_29 : vector<64x128xf32>
      %swap3A = arith.constant 0 : index
      %swap3A_50 = arith.constant 0 : index
      %swap3A_51 = vector.load %arg8[%swap3A, %swap3A_50] : memref<64x128xf32, #tpu.memory_space<vmem>>, vector<64x128xf32>
      tpu.vector_store %arg8[%swap3A, %swap3A_50], %add3A_49 {strides = array<i32>} : memref<64x128xf32, #tpu.memory_space<vmem>>, vector<64x128xf32>,
      %get3A_52 = arith.constant 0 : index
      %get3A_53 = arith.constant 0 : index
      %get3A_54 = vector.load %arg9[%get3A_52, %get3A_53] : memref<64x128xf32, #tpu.memory_space<vmem>>, vector<64x128xf32>
      %add3A_55 = arith.addf %get3A_54, %dot_general3A_32 : vector<64x128xf32>
      %swap3A_56 = arith.constant 0 : index
      %swap3A_57 = arith.constant 0 : index
      %swap3A_58 = vector.load %arg9[%swap3A_56, %swap3A_57] : memref<64x128xf32, #tpu.memory_space<vmem>>, vector<64x128xf32>
      tpu.vector_store %arg9[%swap3A_56, %swap3A_57], %add3A_55 {strides = array<i32>} : memref<64x128xf32, #tpu.memory_space<vmem>>, vector<64x128xf32>,
    } else {
    }
    %eq3A_41 = arith.constant 4 : i32
    %eq3A_42 = arith.cmpi eq, %arg0, %eq3A_41 : i32
    %convert_element_type3A_43 = arith.extui %eq3A_42 : i1 to i32
    %cond3A_44 = arith.constant 0 : i32
    %cond3A_45 = arith.cmpi ne, %convert_element_type3A_43, %cond3A_44 : i32
    scf.if %cond3A_45 {
      %get3A_46 = arith.constant 0 : index
      %get3A_47 = arith.constant 0 : index
      %get3A_48 = vector.load %arg8[%get3A_46, %get3A_47] : memref<64x128xf32, #tpu.memory_space<vmem>>, vector<64x128xf32>
      %get3A_49 = arith.constant 0 : index
      %get3A_50 = arith.constant 0 : index
      %get3A_51 = vector.load %arg9[%get3A_49, %get3A_50] : memref<64x128xf32, #tpu.memory_space<vmem>>, vector<64x128xf32>
      %max3A_52 = arith.constant 1.000000e+00 : f32
      %max3A_53 = vector.broadcast %max3A_52 : f32 to vector<64x128xf32>
      %max3A_54 = arith.maximumf %get3A_51, %max3A_53 : vector<64x128xf32>
      %div3A = arith.divf %get3A_48, %max3A_54 : vector<64x128xf32>
      %swap3A = arith.constant 0 : index
      %swap3A_55 = arith.constant 0 : index
      %swap3A_56 = vector.load %arg7[%swap3A, %swap3A_55] : memref<64x128xf32, #tpu.memory_space<vmem>>, vector<64x128xf32>
      tpu.vector_store %arg7[%swap3A, %swap3A_55], %div3A {strides = array<i32>} : memref<64x128xf32, #tpu.memory_space<vmem>>, vector<64x128xf32>,
    } else {
    }
    return
  }
  func.func @transform_0(%arg0: i32) -> (i32, i32, i32) {
    %c0_i32 = arith.constant 0 : i32
    %c0_i32_0 = arith.constant 0 : i32
    %c0_i32_1 = arith.constant 0 : i32
    return %c0_i32, %arg0, %c0_i32_0 : i32, i32, i32
  }
  func.func @transform_1(%arg0: i32) -> (i32, i32, i32) {
    %c1_i32 = arith.constant 1 : i32
    %c0_i32 = arith.constant 0 : i32
    %c0_i32_0 = arith.constant 0 : i32
    return %c1_i32, %arg0, %c0_i32 : i32, i32, i32
  }
  func.func @transform_2(%arg0: i32) -> (i32, i32) {
    %c0_i32 = arith.constant 0 : i32
    %c0_i32_0 = arith.constant 0 : i32
    return %arg0, %c0_i32 : i32, i32
  }
  func.func @transform_3(%arg0: i32) -> (i32, i32) {
    %c0_i32 = arith.constant 0 : i32
    %c0_i32_0 = arith.constant 0 : i32
    return %arg0, %c0_i32 : i32, i32
  }
  func.func @transform_4(%arg0: i32) -> (i32, i32) {
    %c0_i32 = arith.constant 0 : i32
    %c0_i32_0 = arith.constant 0 : i32
    %c0_i32_1 = arith.constant 0 : i32
    return %c0_i32, %c0_i32_0 : i32, i32
  }
  func.func @transform_5(%arg0: i32) -> (i32, i32) {
    %c0_i32 = arith.constant 0 : i32
    %c0_i32_0 = arith.constant 0 : i32
    return %arg0, %c0_i32 : i32, i32
  }
  func.func @transform_6(%arg0: i32) -> (i32, i32) {
    %c0_i32 = arith.constant 0 : i32
    %c0_i32_0 = arith.constant 0 : i32
    %c0_i32_1 = arith.constant 0 : i32
    return %c0_i32, %c0_i32_0 : i32, i32
  }
}

</mosaic_0001>

<sc_bundles>
// kernel: kernel.11.cloned.1.call-start
scs
__scs_entry_jumppad:
0x0: {  	(pc) =	sbr.rel $0x88, $3  }
0x1: {  	(tag) =	ssettag $0x0;
	lr =	simm.s32 $0x1  }
0x2: {  	[smem:$0x3F9A] =	sst lr;
	_ =	strace $0xD0000000  }
0x3: {  	_ = 	snop  }
0x4: {  	_ = 	snop  }
0x5: {  	_ = 	snop  }
0x6: {  	_ = 	snop  }
0x7: {  	_ = 	snop  }
__scs_overlays_trampoline_lowered:
0x8: {  	[smem:$0x3FA9] =	sst s0  }
0x9: {  	[smem:$0x3FAA] =	sst s1  }
0xa: {  	[smem:$0x3FAB] =	sst s2  }
0xb: {  	[smem:$0x3FAC] =	sst s3  }
0xc: {  	[smem:$0x3FAD] =	sst s4  }
0xd: {  	[smem:$0x3FAE] =	sst s5  }
0xe: {  	[smem:$0x3FAF] =	sst s6  }
0xf: {  	[smem:$0x3FB0] =	sst s7  }
0x10: {  	[smem:$0x3FB1] =	sst s8  }
0x11: {  	[smem:$0x3FB2] =	sst s9;
	s0 =	simm.s32 @!p0 $0x0  }
0x12: {  	s1 =	sld [smem:$0x3F98];
	s0 =	simm.s32 @p0 $0x1  }
0x13: {  	[smem:$0x3FB3] =	sst s0;
	s0 =	simm.s32 @!p1 $0x0  }
0x14: {  	s2 =	sld [smem:$0x3F97];
	s0 =	simm.s32 @p1 $0x1  }
0x15: {  	[smem:$0x3FB4] =	sst s0;
	s0 =	simm.s32 @!p2 $0x0  }
0x16: {  	s3 =	sld [smem:$0x3FDB];
	s0 =	simm.s32 @p2 $0x1  }
0x17: {  	s4 =	simm.s32 $0x1BF5;
	[smem:$0x3FB6] =	sst s0  }
0x18: {  	s0 =	sld [smem:$0x3F99];
	_ =	swait.ge [sflag:s4], $0x0  }
0x19: {  	s7 =	sld [smem:$0x3F9A]  }
0x1a: {  	s8 =	sadd.s32 $0xFFFFE003, lr  }
0x1b: {  	s9 =	sadd.s32 $0xFFFFFEF7, lr;
	s5 =	simm.s32 $0xFFFFFFFF;
	p2 =	slt.u32 s8, $0xFFFFF086  }
0x1c: {  	p1 =	slt.u32 s9, $0xF7A;
	s5 =	simm.s32 @!p2 $0x0  }
0x1d: {  	s5 =	simm.s32 @p1 $0x1;
	p0 =	seq.s32 s7, s2  }
0x1e: {  	s7 =	smul.u32 @!p0 $0xF7A, s2;
	p2 =	seq.s32 @!p0 s5, $0x0  }
0x1f: {  	s9 =	smul.u32 $0xF7A, s1;
	s8 =	simm.s32 @!p0 $0x1BF5;
	p2 =	por !p2, p0  }
0x20: {  	[sflag:s8] =	ssyncset.s32 @!p0 $0xFFFFF086;
	s6 =	sadd.s32 @!p0 s3, s7;
	s7 =	simm.s32 @!p0 $0x108  }
0x21: {  	s3 =	sadd.s32 s3, s9;
	s6 =	sadd.s32 @!p0 $0x88, s6;
	s7 =	simm.s32 @p2 $0x1082  }
0x22: {  	[simem:s7], [sflag:s8] =	dma.local @!p0 [hbm:s6], $0xF7A  }
0x23: {  	s9 =	sor.u32 $0xD0000000, s2;
	s6 =	simm.s32 $0x108;
	_ =	swait.ge @!p0 [sflag:s8], $0x0  }
0x24: {  	s3 =	sadd.s32 $0x88, s3;
	s6 =	simm.s32 @!p1 $0x1082;
	[sflag:s4] =	ssyncset.s32 $0xFFFFF086  }
0x25: {  	[simem:s6], [sflag:s4] =	dma.local [hbm:s3], $0xF7A  }
0x26: {  	[smem:$0x3F9A] =	sst s1;
	(tag) =	ssettag s2;
	_ =	strace s9  }
0x27: {  	s1 =	sld [smem:$0x3FAA]  }
0x28: {  	s2 =	sld [smem:$0x3FAB]  }
0x29: {  	s4 =	sld [smem:$0x3FAD]  }
0x2a: {  	p0 =	seq.s32 s5, $0x0;
	s5 =	sld [smem:$0x3FAE]  }
0x2b: {  	s6 =	sld [smem:$0x3FAF]  }
0x2c: {  	s7 =	sld [smem:$0x3FB0]  }
0x2d: {  	s3 =	simm.s32 $0x108;
	s8 =	sld [smem:$0x3FB1]  }
0x2e: {  	s3 =	simm.s32 @!p0 $0x1082;
	s9 =	sld [smem:$0x3FB2]  }
0x2f: {  	lr =	sadd.s32 s0, s3;
	s0 =	sld [smem:$0x3FA9]  }
0x30: {  	s3 =	sld [smem:$0x3FAC]  }
0x31: {  	[smem:$0x3FB5] =	sst s10  }
0x32: {  	s10 =	sld [smem:$0x3FB3];
	_ =	sdelay $0x3  }
0x33: {  	p0 =	seq.s32 s10, $0x1;
	s10 =	sld [smem:$0x3FB5];
	_ =	sdelay $0x3  }
0x34: {  	[smem:$0x3FB5] =	sst s10  }
0x35: {  	s10 =	sld [smem:$0x3FB4];
	_ =	sdelay $0x3  }
0x36: {  	p1 =	seq.s32 s10, $0x1;
	s10 =	sld [smem:$0x3FB5];
	_ =	sdelay $0x3  }
0x37: {  	[smem:$0x3FB5] =	sst s10  }
0x38: {  	s10 =	sld [smem:$0x3FB6]  }
0x39: {  	_ = 	snop;
	(pc) =	sbr.ind lr, $3  }
0x3a: {  	_ = 	snop  }
0x3b: {  	_ = 	snop  }
0x3c: {  	p2 =	seq.s32 s10, $0x1;
	s10 =	sld [smem:$0x3FB5]  }
0x3d: {  	_ =	shalt  }
0x3e: {  	_ =	shalt  }
0x3f: {  	_ =	shalt  }
0x40: {  	_ =	shalt  }
0x41: {  	_ =	shalt  }
0x42: {  	_ =	shalt  }
0x43: {  	_ =	shalt  }
0x44: {  	_ =	shalt  }
0x45: {  	_ =	shalt  }
0x46: {  	_ =	shalt  }
0x47: {  	_ =	shalt  }
0x48: {  	_ =	shalt  }
0x49: {  	_ =	shalt  }
0x4a: {  	_ =	shalt  }
0x4b: {  	_ =	shalt  }
0x4c: {  	_ =	shalt  }
0x4d: {  	_ =	shalt  }
0x4e: {  	_ =	shalt  }
0x4f: {  	_ =	shalt  }
0x50: {  	_ =	shalt  }
0x51: {  	_ =	shalt  }
0x52: {  	_ =	shalt  }
0x53: {  	_ =	shalt  }
0x54: {  	_ =	shalt  }
0x55: {  	_ =	shalt  }
0x56: {  	_ =	shalt  }
0x57: {  	_ =	shalt  }
0x58: {  	_ =	shalt  }
0x59: {  	_ =	shalt  }
0x5a: {  	_ =	shalt  }
0x5b: {  	_ =	shalt  }
0x5c: {  	_ =	shalt  }
0x5d: {  	_ =	shalt  }
0x5e: {  	_ =	shalt  }
0x5f: {  	_ =	shalt  }
0x60: {  	_ =	shalt  }
0x61: {  	_ =	shalt  }
0x62: {  	_ =	shalt  }
0x63: {  	_ =	shalt  }
0x64: {  	_ =	shalt  }
0x65: {  	_ =	shalt  }
0x66: {  	_ =	shalt  }
0x67: {  	_ =	shalt  }
0x68: {  	_ =	shalt  }
0x69: {  	_ =	shalt  }
0x6a: {  	_ =	shalt  }
0x6b: {  	_ =	shalt  }
0x6c: {  	_ =	shalt  }
0x6d: {  	_ =	shalt  }
0x6e: {  	_ =	shalt  }
0x6f: {  	_ =	shalt  }
0x70: {  	_ =	shalt  }
0x71: {  	_ =	shalt  }
0x72: {  	_ =	shalt  }
0x73: {  	_ =	shalt  }
0x74: {  	_ =	shalt  }
0x75: {  	_ =	shalt  }
0x76: {  	_ =	shalt  }
0x77: {  	_ =	shalt  }
0x78: {  	_ =	shalt  }
0x79: {  	_ =	shalt  }
0x7a: {  	_ =	shalt  }
0x7b: {  	_ =	shalt  }
0x7c: {  	_ =	shalt  }
0x7d: {  	_ =	shalt  }
0x7e: {  	_ =	shalt  }
0x7f: {  	_ =	shalt  }
0x80: {  	_ =	shalt  }
0x81: {  	_ =	shalt  }
0x82: {  	_ =	shalt  }
0x83: {  	_ =	shalt  }
0x84: {  	_ =	shalt  }
0x85: {  	_ =	shalt  }
0x86: {  	_ =	shalt  }
0x87: {  	_ =	shalt  }
.Lfunc_end0:
.L_simem_size_0:
called_computation.1_lowered:
.L_overlay_start_0:
0x88: {  	s2 =	sld [smem:$0x3FD9]  }
0x89: {  	s3 =	sld [smem:$0x3FFE];
	_ =	sdelay $0x1  }
0x8a: {  	s1 =	srdreg.scid  }
0x8b: {  	s0 =	sand.u32 $0x1, s1  }
0x8c: {  	s16 =	sshll.u32 s0, $0xA;
	s2 =	sadd.s32 s3, s2  }
0x8d: {  	s2 =	sadd.s32 s2, s16  }
0x8e: {  	[smem:$0x3FC1] =	sst s2  }
0x8f: {  	_ = 	snop  }
0x90: {  	(tm) =	ssettm $0x1  }
0x91: {  	s17 =	sld [smem:$0x3FFB];
	_ =	sdelay $0x3  }
0x92: {  	_ =	strace s17  }
0x93: {  	s2 =	sld [smem:$0x3FFC];
	_ =	sdelay $0x3  }
0x94: {  	_ =	strace s2  }
0x95: {  	s2 =	sld [smem:$0x3FFD];
	_ =	sdelay $0x3  }
0x96: {  	_ =	strace s2  }
0x97: {  	_ =	strace $0x8FFFFFFF  }
0x98: {  	s18 =	sld [smem:$0x3FDB];
	_ =	sdelay $0x1  }
0x99: {  	s19 =	simm.s32 $_scs_section_size  }
0x9a: {  	s4 =	simm.s32 $_size__tile_overlayer_lowered;
	s5 =	simm.s32 $_tile_overlayer_lowered  }
0x9b: {  	s22 =	simm.s32 $0x1BFF;
	s21 =	sshll.u32 s5, $0x1;
	s2 =	sadd.s32 s19, s18  }
0x9c: {  	s6 =	simm.s32 $0x0;
	s20 =	sshll.u32 s4, $0x1;
	s4 =	sadd.s32 s21, s2  }
0x9d: {  	[timem:s6], [sflag:s22] =	dma.local [hbm:s4], s20  }
0x9e: {  	_ =	swait.ge [sflag:s22], s20  }
0x9f: {  	s3 =	ssub.s32 $0x0, s20;
	[sflag:s22] =	ssyncset.done $0x0  }
0xa0: {  	[sflag:s22] =	ssyncadd.s32 s3;
	_ =	sdelay $0x1  }
0xa1: {  	s23 =	simm.s32 $0x1B8B  }
0xa2: {  	_ =	swait.ge [sflag:s23], $0x1  }
0xa3: {  	[sflag:s23] =	ssyncset.done $0x0  }
0xa4: {  	s25 =	simm.s32 $0x1B8E;
	s24 =	sld [smem:$0x3FFE];
	[sflag:s23] =	ssyncadd.s32 $0xFFFFFFFF  }
0xa5: {  	s26 =	simm.s32 $execute0_lowered;
	[smem:$0x3FD2] =	sst s25  }
0xa6: {  	s4 =	sshll.u32 s26, $0x1;
	_ =	strace $0x80000049;
	[dreg:$0x1] =	wrdreg $0xFFFFFFFF  }
0xa7: {  	s28 =	simm.s32 $_size_execute0_lowered;
	s2 =	sadd.s32 s2, s4;
	[dreg:$0x0] =	wrdreg $0x0  }
0xa8: {  	s4 =	sshll.u32 s28, $0x1;
	[dreg:$0x2] =	wrdreg s2  }
0xa9: {  	[dreg:$0x3] =	wrdreg s4  }
0xaa: {  	[dreg:$0x4] =	wrdreg $0xC0  }
0xab: {  	_ =	task [dreg:s6], $0x5FFFF  }
0xac: {  	[dreg:$0x1] =	wrdreg $0xFFFFFFFF  }
0xad: {  	[dreg:$0x0] =	wrdreg $0x60  }
0xae: {  	[dreg:$0x2] =	wrdreg s24  }
0xaf: {  	[dreg:$0x3] =	wrdreg $0xB7000  }
0xb0: {  	[dreg:$0x4] =	wrdreg $0x9  }
0xb1: {  	_ =	task.clear_ibuf [dreg:s6], $0x5FFFF;
	_ =	strace $0x90000049  }
0xb2: {  	s29 =	simm.s32 $0x9;
	_ =	strace $0x8000004B  }
0xb3: {  	_ =	swait.ge [sflag:s29], $0x1  }
0xb4: {  	[sflag:s29] =	ssyncadd.s32 $0xFFFFFFFF  }
0xb5: {  	_ =	strace $0x9000004B  }
0xb6: {  	_ =	sfence  }
0xb7: {  	s30 =	sld [smem:$0x0];
	_ =	sdelay $0x2  }
0xb8: {  	s31 =	sshll.u32 s1, $0xD;
	s1 =	sshrl.u32 s1, $0x2  }
0xb9: {  	s3 =	sand.u32 $0x4000, s31;
	s1 =	sadd.s32 s1, s30  }
0xba: {  	s0 =	sor.u32 s3, s0;
	s1 =	sshll.u32 s1, $0x11  }
0xbb: {  	s0 =	sor.u32 s1, s0  }
0xbc: {  	s0 =	sadd.s32 $0x8F2B, s0  }
0xbd: {  	[sflag:s0] =	ssyncadd.remote.s32 $0x1  }
0xbe: {  	_ =	sfence.sel $0xFFFF  }
0xbf: {  	[dreg:$0x0] =	wrdreg $0xFFFFFFFF;
	(pc) =	sbr.abs _section_cstart, $3  }
0xc0: {  	[dreg:$0x1] =	wrdreg $0xFFFFFFFF  }
0xc1: {  	_ =	task.clear_ibuf [dreg:s6], $0x2FFFF;
	_ =	strace $0x9FFFFFFF  }
0xc2: {  	(tm) =	ssettm $0x7FFFFFFF  }
0xc3: {  	_ =	shalt  }
tec
execute0_lowered:
.L_overlay_start_1:
0x0: {  	(tag) =	ssettag $0x1  }
0x1: {  	s0 =	srdreg.scid;
	s11 =	stileid.u32  }
0x2: {  	s1 =	rddreg [dreg:$0x0];
	s6 =	smul.u32 $0x2800, s11  }
0x3: {  	s2 =	rddreg [dreg:$0x1];
	s28 =	simm.s32 $0xA;
	s9 =	smul.u32 $0x50000, s11  }
0x4: {  	s31 =	simm.s32 $0xC;
	s0 =	sand.u32 $0x1, s0;
	s21 =	smul.u32 $0x2710, s11  }
0x5: {  	s29 =	simm.s32 $0x15;
	s10 =	sadd.s32 $0xC400, s1;
	s8 =	smul.u32 $0x28000, s0  }
0x6: {  	s3 =	sshll.u32 s0, $0x4;
	s12 =	ssub.s32 $0x2, s0;
	s0 =	smul.u32 $0x27100, s0  }
0x7: {  	s4 =	sor.u32 s11, s3;
	s3 =	simm.s32 $0x0;
	s13 =	sshrl.u32 s12, $0x1  }
0x8: {  	s9 =	sshrl.u32 s9, $0x2;
	s5 =	smul.u32 $0x2710, s4;
	[smem:$0x7FF] =	sst s3  }
0x9: {  	s4 =	sadd.s32 $0x16200, s1;
	s6 =	sadd.s32 s6, s8;
	s18 =	sadd.s32 s9, s2  }
0xa: {  	s0 =	sadd.s32 s21, s0;
	_ =	strace $0x8000004A;
	s14 =	sadd.s32 $0x1400, s18  }
0xb: {  	s15 =	sadd.s32 $0x2800, s18;
	s16 =	sadd.s32 $0x3C00, s18;
	[dreg:$0x4] =	wrdreg s18  }
0xc: {  	s17 =	sadd.s32 $0x5000, s18;
	s20 =	sadd.s32 $0x6400, s18;
	[dreg:$0x5] =	wrdreg s14  }
0xd: {  	s9 =	sadd.s32 $0x7800, s18;
	s23 =	sadd.s32 $0xC8, s0;
	[dreg:$0x6] =	wrdreg s15  }
0xe: {  	s25 =	sadd.s32 $0xF0, s0;
	s30 =	sadd.s32 $0xA0, s0;
	[dreg:$0x7] =	wrdreg s16  }
0xf: {  	s8 =	sadd.s32 $0x78, s0;
	s11 =	sadd.s32 $0x50, s0;
	[dreg:$0x8] =	wrdreg s17  }
0x10: {  	s21 =	sadd.s32 $0xC800, s18;
	s7 =	sshrl.u32 s5, $0x3;
	[dreg:$0x9] =	wrdreg s20  }
0x11: {  	s19 =	sadd.s32 $0x28, s5;
	[dreg:$0xa] =	wrdreg s9;
	s22 =	sadd.s32 $0x78, s5  }
0x12: {  	s5 =	sadd.s32 $0xC8, s5;
	s24 =	sshrl.u32 s23, $0x3;
	s26 =	sshrl.u32 s25, $0x3  }
0x13: {  	s9 =	sshrl.u32 s8, $0x3;
	s15 =	sadd.s32 $0x8C00, s18;
	s20 =	sadd.s32 $0xB400, s18  }
0x14: {  	[dreg:$0x19] =	wrdreg s21;
	s23 =	sadd.s32 $0xDC00, s18;
	s25 =	sadd.s32 $0x10400, s18  }
0x15: {  	s8 =	simm.s32 $0x8;
	s7 =	sadd.s32 s7, s1;
	[dreg:$0x14] =	wrdreg s15  }
0x16: {  	s1 =	sadd.s32 s6, s1;
	s6 =	ssub.s32 s12, s13;
	[dreg:$0x18] =	wrdreg s20  }
0x17: {  	s5 =	sshrl.u32 s5, $0x3;
	s12 =	sshrl.u32 s11, $0x3;
	[dreg:$0x1a] =	wrdreg s23  }
0x18: {  	s13 =	sadd.s32 $0x28, s0;
	s0 =	sshrl.u32 s0, $0x3;
	[dreg:$0x1c] =	wrdreg s25  }
0x19: {  	s11 =	simm.s32 $0x28;
	s23 =	simm.s32 $0x5300;
	s7 =	sadd.s32 $0x2600, s7  }
0x1a: {  	s25 =	simm.s32 $0x7B00;
	s5 =	sadd.s32 s10, s5;
	[dreg:$0x3] =	wrdreg s7  }
0x1b: {  	s15 =	simm.s32 $0xB;
	s16 =	sadd.s32 $0x3D400, s1;
	[dreg:$0xd] =	wrdreg s5  }
0x1c: {  	s14 =	sshrl.u32 s13, $0x3;
	s17 =	smax.u32 s6, $0x1;
	[dreg:$0x15] =	wrdreg s16  }
0x1d: {  	s1 =	simm.s32 $0x9;
	s5 =	sadd.s32 s24, s10;
	[dreg:$0x16] =	wrdreg s17  }
0x1e: {  	s7 =	sshrl.u32 s19, $0x3;
	s19 =	sadd.s32 $0xA000, s18;
	[dreg:$0xe] =	wrdreg s5  }
0x1f: {  	s6 =	simm.s32 $0x14;
	s24 =	sadd.s32 $0xF000, s18;
	[dreg:$0x17] =	wrdreg s19  }
0x20: {  	s16 =	simm.s32 $0x3;
	s7 =	sadd.s32 s10, s7;
	[dreg:$0x1b] =	wrdreg s24  }
0x21: {  	s17 =	simm.s32 $0x0;
	s5 =	sadd.s32 s26, s10;
	[dreg:$0xb] =	wrdreg s7  }
0x22: {  	s26 =	sadd.s32 $0x11800, s18;
	s24 =	simm.s32 $0x2980;
	[dreg:$0xf] =	wrdreg s5  }
0x23: {  	s7 =	sshrl.u32 s22, $0x3;
	s22 =	sadd.s32 s0, s10;
	[dreg:$0x1d] =	wrdreg s26  }
0x24: {  	s0 =	simm.s32 $0x2;
	s26 =	simm.s32 $0x4;
	s7 =	sadd.s32 s10, s7  }
0x25: {  	[dreg:$0xc] =	wrdreg s7;
	s7 =	sshrl.u32 s30, $0x3;
	s30 =	sadd.s32 $0x12C00, s18  }
.Ltmp0:
0x26: {  	s5 =	sadd.s32 s7, s10;
	[dreg:$0x1e] =	wrdreg s30;
	(pc) =	sbr.rel .LBB2_1-.Ltmp0, $4  }
0x27: {  	s7 =	simm.s32 $0x2B00;
	[dreg:$0x10] =	wrdreg s5;
	s5 =	sadd.s32 s9, s10  }
0x28: {  	s9 =	simm.s32 $0x1;
	[dreg:$0x11] =	wrdreg s5;
	s5 =	sadd.s32 s12, s10  }
0x29: {  	s12 =	simm.s32 $0x2880;
	[dreg:$0x12] =	wrdreg s5;
	s5 =	sadd.s32 s14, s10  }
0x2a: {  	v0 =	vimm.f32 $0.0e+00;
	s10 =	simm.s32 $0x2780;
	[dreg:$0x13] =	wrdreg s5;
	s5 =	simm.s32 $0x5  }
.LBB2_11:
0x2b: {  	s13 =	simm.s32 $0xF  }
0x2c: {  	_ =	swait.ge [sflag:s13], $0x1400  }
0x2d: {  	[sflag:s13] =	ssyncset.done $0x0  }
0x2e: {  	s30 =	simm.s32 $0x10;
	[sflag:s13] =	ssyncadd.s32 $0xFFFFEC00  }
0x2f: {  	_ =	swait.ge [sflag:s30], $0x1400  }
0x30: {  	[sflag:s30] =	ssyncset.done $0x0  }
0x31: {  	s14 =	simm.s32 $0x11;
	[sflag:s30] =	ssyncadd.s32 $0xFFFFEC00  }
0x32: {  	_ =	swait.ge [sflag:s14], $0x1400  }
0x33: {  	[sflag:s14] =	ssyncset.done $0x0  }
0x34: {  	s17 =	simm.s32 $0x12;
	[sflag:s14] =	ssyncadd.s32 $0xFFFFEC00  }
0x35: {  	_ =	swait.ge [sflag:s17], $0x1400  }
0x36: {  	[sflag:s17] =	ssyncset.done $0x0  }
0x37: {  	s18 =	simm.s32 $0x13;
	[sflag:s17] =	ssyncadd.s32 $0xFFFFEC00  }
0x38: {  	_ =	swait.ge [sflag:s18], $0x1400  }
0x39: {  	[sflag:s18] =	ssyncset.done $0x0  }
0x3a: {  	[sflag:s18] =	ssyncadd.s32 $0xFFFFEC00  }
0x3b: {  	s19 =	stileid.u32;
	[bflag:$0x0] =	sbarrier.arrive $0xFFFF  }
0x3c: {  	s20 =	simm.s32 $0x16;
	s13 =	sshll.u32 s19, $0x6;
	s18 =	rddreg [dreg:$0x4]  }
0x3d: {  	s13 =	sor.u32 $0x1C16, s13;
	s17 =	rddreg [dreg:$0x15];
	s14 =	sshrl.u32 s18, $0x3  }
0x3e: {  	[hbm:s17], [sflag:s13] =	dma.local [spmem:s14], $0x2800  }
0x3f: {  	_ =	swait.ge [sflag:s20], $0x2800  }
0x40: {  	s21 =	rddreg [dreg:$0x1f]  }
0x41: {  	s30 =	rddreg [dreg:$0x16];
	s17 =	sadd.s32 $0x1, s21  }
0x42: {  	p0 =	sne.s32 s17, s30  }
.Ltmp1:
0x43: {  	_ = 	snop;
	(pc) =	sbr.rel @!p0 .LBB2_12-.Ltmp1, $3  }
0x44: {  	_ =	sdelay $0x1  }
0x45: {  	[sflag:s20] =	ssyncset.done $0x0  }
0x46: {  	[sflag:s20] =	ssyncadd.s32 $0xFFFFD800  }
.LBB2_1:
0x47: {  	[dreg:$0x1f] =	wrdreg s17;
	s17 =	simm.s32 $0x70;
	s30 =	simm.s32 $0x3C0  }
.LBB2_2:
0x48: {  	p0 =	sne.s32 s30, $0x4FC0;
	[tilespmem:s17+$0x2B00] =	vst v0  }
0x49: {  	[tilespmem:s17+$0x2A90] =	vst v0  }
0x4a: {  	[tilespmem:s17+$0x2AA0] =	vst v0  }
.Ltmp2:
0x4b: {  	[tilespmem:s17+$0x2AB0] =	vst v0;
	(pc) =	sbr.rel @p0 .LBB2_2-.Ltmp2, $4  }
0x4c: {  	[tilespmem:s17+$0x2AC0] =	vst v0  }
0x4d: {  	[tilespmem:s17+$0x2AD0] =	vst v0  }
0x4e: {  	[tilespmem:s17+$0x2AE0] =	vst v0  }
0x4f: {  	[tilespmem:s17+$0x2AF0] =	vst v0;
	s17 =	sshra.s32 s30, $0x2;
	s30 =	sadd.s32 $0x200, s30  }
0x50: {  	[tilespmem:s17+$0x2B00] =	vst v0  }
0x51: {  	[tilespmem:s17+$0x2A90] =	vst v0  }
0x52: {  	[tilespmem:s17+$0x2AA0] =	vst v0  }
0x53: {  	[tilespmem:s17+$0x2AB0] =	vst v0  }
0x54: {  	[tilespmem:s17+$0x2AC0] =	vst v0  }
0x55: {  	[tilespmem:s17+$0x2AD0] =	vst v0  }
0x56: {  	[tilespmem:s17+$0x2AE0] =	vst v0  }
0x57: {  	[tilespmem:s17+$0x2AF0] =	vst v0;
	s30 =	simm.s32 $0x0;
	s13 =	rddreg [dreg:$0x3]  }
0x58: {  	[tilespmem:s30], [sflag:$0x1] =	stream.linear.gather [hbm4b:s13+s30], $0x2710, $0x38;
	[tilespmem:$0x1F700] =	vst v63  }
0x59: {  	_ = 	snop  }
0x5a: {  	[spmem:s18] =	stream.linear.scatter [tilespmem:s7], [sflag:$0x8], $0x1400, $0x38;
	[tilespmem:$0x1F700] =	vst v63  }
0x5b: {  	s19 =	rddreg [dreg:$0x5]  }
0x5c: {  	[spmem:s19] =	stream.linear.scatter [tilespmem:s7], [sflag:$0x8], $0x1400, $0x38;
	[tilespmem:$0x1F700] =	vst v63  }
0x5d: {  	s20 =	rddreg [dreg:$0x6]  }
0x5e: {  	[spmem:s20] =	stream.linear.scatter [tilespmem:s7], [sflag:$0x8], $0x1400, $0x38;
	[tilespmem:$0x1F700] =	vst v63  }
0x5f: {  	s21 =	rddreg [dreg:$0x7]  }
0x60: {  	[spmem:s21] =	stream.linear.scatter [tilespmem:s7], [sflag:$0x8], $0x1400, $0x38;
	[tilespmem:$0x1F700] =	vst v63  }
0x61: {  	s14 =	rddreg [dreg:$0x8]  }
0x62: {  	[spmem:s14] =	stream.linear.scatter [tilespmem:s7], [sflag:$0x8], $0x1400, $0x38;
	[tilespmem:$0x1F700] =	vst v63  }
0x63: {  	s17 =	rddreg [dreg:$0x9]  }
0x64: {  	[spmem:s17] =	stream.linear.scatter [tilespmem:s7], [sflag:$0x8], $0x1400, $0x38;
	[tilespmem:$0x1F700] =	vst v63  }
0x65: {  	s18 =	rddreg [dreg:$0xa]  }
0x66: {  	[spmem:s18] =	stream.linear.scatter [tilespmem:s7], [sflag:$0x8], $0x1400, $0x38;
	[tilespmem:$0x1F700] =	vst v63  }
0x67: {  	s19 =	rddreg [dreg:$0x14]  }
0x68: {  	[spmem:s19] =	stream.linear.scatter [tilespmem:s7], [sflag:$0x8], $0x1400, $0x38;
	[tilespmem:$0x1F700] =	vst v63  }
0x69: {  	s20 =	rddreg [dreg:$0x17]  }
0x6a: {  	[spmem:s20] =	stream.linear.scatter [tilespmem:s7], [sflag:$0x8], $0x1400, $0x38;
	[tilespmem:$0x1F700] =	vst v63  }
0x6b: {  	s21 =	rddreg [dreg:$0x18]  }
0x6c: {  	[spmem:s21] =	stream.linear.scatter [tilespmem:s7], [sflag:$0x8], $0x1400, $0x38;
	[tilespmem:$0x1F700] =	vst v63  }
0x6d: {  	s14 =	rddreg [dreg:$0x19]  }
0x6e: {  	[spmem:s14] =	stream.linear.scatter [tilespmem:s7], [sflag:$0x8], $0x1400, $0x38;
	[tilespmem:$0x1F700] =	vst v63  }
0x6f: {  	s17 =	rddreg [dreg:$0x1a]  }
0x70: {  	[spmem:s17] =	stream.linear.scatter [tilespmem:s7], [sflag:$0x8], $0x1400, $0x38;
	[tilespmem:$0x1F700] =	vst v63  }
0x71: {  	s18 =	rddreg [dreg:$0x1b]  }
0x72: {  	[spmem:s18] =	stream.linear.scatter [tilespmem:s7], [sflag:$0x8], $0x1400, $0x38;
	[tilespmem:$0x1F700] =	vst v63  }
0x73: {  	s19 =	rddreg [dreg:$0x1c]  }
0x74: {  	[spmem:s19] =	stream.linear.scatter [tilespmem:s7], [sflag:$0x8], $0x1400, $0x38;
	[tilespmem:$0x1F700] =	vst v63  }
0x75: {  	s20 =	rddreg [dreg:$0x1d]  }
0x76: {  	[spmem:s20] =	stream.linear.scatter [tilespmem:s7], [sflag:$0x8], $0x1400, $0x38;
	[tilespmem:$0x1F700] =	vst v63  }
0x77: {  	s21 =	rddreg [dreg:$0x1e]  }
0x78: {  	[spmem:s21] =	stream.linear.scatter [tilespmem:s7], [sflag:$0x8], $0x1400, $0x38;
	[tilespmem:$0x1F700] =	vst v63  }
0x79: {  	_ =	swait.ge [sflag:s8], $0x1400  }
0x7a: {  	[sflag:s8] =	ssyncset.done $0x0  }
0x7b: {  	[sflag:s8] =	ssyncadd.s32 $0xFFFFEC00  }
0x7c: {  	_ =	swait.ge [sflag:s8], $0x1400  }
0x7d: {  	[sflag:s8] =	ssyncset.done $0x0  }
0x7e: {  	[sflag:s8] =	ssyncadd.s32 $0xFFFFEC00  }
0x7f: {  	_ =	swait.ge [sflag:s8], $0x1400  }
0x80: {  	[sflag:s8] =	ssyncset.done $0x0  }
0x81: {  	[sflag:s8] =	ssyncadd.s32 $0xFFFFEC00  }
0x82: {  	_ =	swait.ge [sflag:s8], $0x1400  }
0x83: {  	[sflag:s8] =	ssyncset.done $0x0  }
0x84: {  	[sflag:s8] =	ssyncadd.s32 $0xFFFFEC00  }
0x85: {  	_ =	swait.ge [sflag:s8], $0x1400  }
0x86: {  	[sflag:s8] =	ssyncset.done $0x0  }
0x87: {  	[sflag:s8] =	ssyncadd.s32 $0xFFFFEC00  }
0x88: {  	_ =	swait.ge [sflag:s8], $0x1400  }
0x89: {  	[sflag:s8] =	ssyncset.done $0x0  }
0x8a: {  	[sflag:s8] =	ssyncadd.s32 $0xFFFFEC00  }
0x8b: {  	_ =	swait.ge [sflag:s8], $0x1400  }
0x8c: {  	[sflag:s8] =	ssyncset.done $0x0  }
0x8d: {  	[sflag:s8] =	ssyncadd.s32 $0xFFFFEC00  }
0x8e: {  	_ =	swait.ge [sflag:s8], $0x1400  }
0x8f: {  	[sflag:s8] =	ssyncset.done $0x0  }
0x90: {  	[sflag:s8] =	ssyncadd.s32 $0xFFFFEC00  }
0x91: {  	_ =	swait.ge [sflag:s8], $0x1400  }
0x92: {  	[sflag:s8] =	ssyncset.done $0x0  }
0x93: {  	[sflag:s8] =	ssyncadd.s32 $0xFFFFEC00  }
0x94: {  	_ =	swait.ge [sflag:s8], $0x1400  }
0x95: {  	[sflag:s8] =	ssyncset.done $0x0  }
0x96: {  	[sflag:s8] =	ssyncadd.s32 $0xFFFFEC00  }
0x97: {  	_ =	swait.ge [sflag:s8], $0x1400  }
0x98: {  	[sflag:s8] =	ssyncset.done $0x0  }
0x99: {  	[sflag:s8] =	ssyncadd.s32 $0xFFFFEC00  }
0x9a: {  	_ =	swait.ge [sflag:s8], $0x1400  }
0x9b: {  	[sflag:s8] =	ssyncset.done $0x0  }
0x9c: {  	[sflag:s8] =	ssyncadd.s32 $0xFFFFEC00  }
0x9d: {  	_ =	swait.ge [sflag:s8], $0x1400  }
0x9e: {  	[sflag:s8] =	ssyncset.done $0x0  }
0x9f: {  	[sflag:s8] =	ssyncadd.s32 $0xFFFFEC00  }
0xa0: {  	_ =	swait.ge [sflag:s8], $0x1400  }
0xa1: {  	[sflag:s8] =	ssyncset.done $0x0  }
0xa2: {  	[sflag:s8] =	ssyncadd.s32 $0xFFFFEC00  }
0xa3: {  	_ =	swait.ge [sflag:s8], $0x1400  }
0xa4: {  	[sflag:s8] =	ssyncset.done $0x0  }
0xa5: {  	[sflag:s8] =	ssyncadd.s32 $0xFFFFEC00  }
0xa6: {  	_ =	swait.ge [sflag:s8], $0x1400  }
0xa7: {  	[sflag:s8] =	ssyncset.done $0x0  }
0xa8: {  	[sflag:s8] =	ssyncadd.s32 $0xFFFFEC00  }
.Ltmp3:
0xa9: {  	_ =	swait.ge [sflag:s9], $0x2710;
	(pc) =	sbr.rel .LBB2_4-.Ltmp3, $4  }
0xaa: {  	[sflag:s9] =	ssyncset.done $0x0  }
0xab: {  	[sflag:s9] =	ssyncadd.s32 $0xFFFFD8F0  }
0xac: {  	[bflag:$0x0] =	sbarrier.arrive $0xFFFF  }
0xad: {  	s17 =	simm.s32 $0xF0  }
.LBB2_8:
0xae: {  	s13 =	rddreg [dreg:$0xd];
	s14 =	simm.s32 $0x2A00  }
0xaf: {  	[tilespmem:s14], [sflag:$0x6] =	stream.linear.gather [hbm4b:s13+s3], $0x28, $0x38;
	[tilespmem:$0x1F700] =	vst v63  }
0xb0: {  	s20 =	simm.s32 $0xC8;
	s21 =	simm.s32 $0x8F00  }
0xb1: {  	[tilespmem:s21], [sflag:$0xD] =	stream.indirect.gather [hbm4b:s4+s11], $0x80, s20, s11, $0xb8;
	[tilespmem:$0x1F700] =	vst v63  }
.LBB2_9:
0xb2: {  	s13 =	rddreg [dreg:$0xf]  }
0xb3: {  	s14 =	simm.s32 $0x2A80;
	s13 =	sadd.s32 s30, s13  }
0xb4: {  	[tilespmem:s14], [sflag:$0x7] =	stream.linear.gather [hbm4b:s13+s3], $0x28, $0x38;
	[tilespmem:$0x1F700] =	vst v63  }
0xb5: {  	s21 =	simm.s32 $0xA300;
	p0 =	por $0x0, $0x0  }
0xb6: {  	[tilespmem:s21], [sflag:$0xE] =	stream.indirect.gather [hbm4b:s4+s11], $0x80, s17, s11, $0xb8;
	[tilespmem:$0x1F700] =	vst v63  }
.LBB2_10:
0xb7: {  	_ =	swait.ge [sflag:s8], $0x1400  }
0xb8: {  	[sflag:s8] =	ssyncset.done $0x0  }
0xb9: {  	[sflag:s8] =	ssyncadd.s32 $0xFFFFEC00  }
0xba: {  	_ =	swait.ge [sflag:s9], $0x28  }
0xbb: {  	[sflag:s9] =	ssyncset.done $0x0  }
0xbc: {  	[sflag:s9] =	ssyncadd.s32 $0xFFFFFFD8  }
0xbd: {  	[spmem:s2] =	stream.indirect.scatter.add.f32 [tilespmem:s7], [sflag:$0xF], $0x80, s10, s11, $0xb8;
	[tilespmem:$0x1F700] =	vst v63  }
0xbe: {  	_ =	swait.ge [sflag:s1], $0x1400  }
0xbf: {  	[sflag:s1] =	ssyncset.done $0x0  }
0xc0: {  	[sflag:s1] =	ssyncadd.s32 $0xFFFFEC00  }
0xc1: {  	_ =	swait.ge [sflag:s0], $0x28  }
0xc2: {  	[sflag:s0] =	ssyncset.done $0x0  }
0xc3: {  	s13 =	simm.s32 $0x2800;
	s14 =	simm.s32 $0x3F00;
	[sflag:s0] =	ssyncadd.s32 $0xFFFFFFD8  }
0xc4: {  	[spmem:s2] =	stream.indirect.scatter.add.f32 [tilespmem:s14], [sflag:$0x10], $0x80, s13, s11, $0xb8;
	[tilespmem:$0x1F700] =	vst v63  }
0xc5: {  	_ =	swait.ge [sflag:s28], $0x1400  }
0xc6: {  	[sflag:s28] =	ssyncset.done $0x0  }
0xc7: {  	[sflag:s28] =	ssyncadd.s32 $0xFFFFEC00  }
0xc8: {  	_ =	swait.ge [sflag:s16], $0x28  }
0xc9: {  	[sflag:s16] =	ssyncset.done $0x0  }
0xca: {  	[sflag:s16] =	ssyncadd.s32 $0xFFFFFFD8  }
0xcb: {  	[spmem:s2] =	stream.indirect.scatter.add.f32 [tilespmem:s23], [sflag:$0x11], $0x80, s12, s11, $0xb8;
	[tilespmem:$0x1F700] =	vst v63  }
0xcc: {  	_ =	swait.ge [sflag:s15], $0x1400  }
0xcd: {  	[sflag:s15] =	ssyncset.done $0x0  }
0xce: {  	[sflag:s15] =	ssyncadd.s32 $0xFFFFEC00  }
0xcf: {  	_ =	swait.ge [sflag:s26], $0x28  }
0xd0: {  	[sflag:s26] =	ssyncset.done $0x0  }
0xd1: {  	s20 =	simm.s32 $0x2900;
	s21 =	simm.s32 $0x6700;
	[sflag:s26] =	ssyncadd.s32 $0xFFFFFFD8  }
0xd2: {  	[spmem:s2] =	stream.indirect.scatter.add.f32 [tilespmem:s21], [sflag:$0x12], $0x80, s20, s11, $0xb8;
	[tilespmem:$0x1F700] =	vst v63  }
0xd3: {  	_ =	swait.ge [sflag:s31], $0x1400  }
0xd4: {  	[sflag:s31] =	ssyncset.done $0x0  }
0xd5: {  	[sflag:s31] =	ssyncadd.s32 $0xFFFFEC00  }
0xd6: {  	_ =	swait.ge [sflag:s5], $0x28  }
0xd7: {  	[sflag:s5] =	ssyncset.done $0x0  }
0xd8: {  	s13 =	simm.s32 @!p0 $0xD;
	[sflag:s5] =	ssyncadd.s32 $0xFFFFFFD8  }
0xd9: {  	[spmem:s2] =	stream.indirect.scatter.add.f32 [tilespmem:s25], [sflag:$0x13], $0x80, s24, s11, $0xb8;
	[tilespmem:$0x1F700] =	vst v63  }
0xda: {  	_ =	swait.ge @!p0 [sflag:s13], $0x1400  }
0xdb: {  	[sflag:s13] =	ssyncset.done @!p0 $0x0  }
0xdc: {  	[sflag:s13] =	ssyncadd.s32 @!p0 $0xFFFFEC00;
	s13 =	simm.s32 @!p0 $0x6  }
0xdd: {  	_ =	swait.ge @!p0 [sflag:s13], $0x28  }
0xde: {  	s18 =	simm.s32 @!p0 $0x8F00;
	[sflag:s13] =	ssyncset.done @!p0 $0x0  }
0xdf: {  	s14 =	simm.s32 @!p0 $0x2A00;
	[sflag:s13] =	ssyncadd.s32 @!p0 $0xFFFFFFD8;
	s13 =	simm.s32 @!p0 $0x28  }
0xe0: {  	[spmem:s2] =	stream.indirect.scatter.add.f32 @!p0 [tilespmem:s18], [sflag:$0x14], $0x80, s14, s13, $0xb8;
	[tilespmem:$0x1F700] =	vst v63  }
0xe1: {  	s14 =	simm.s32 @!p0 $0xE  }
0xe2: {  	_ =	swait.ge @!p0 [sflag:s14], $0x1400  }
0xe3: {  	[sflag:s14] =	ssyncset.done @!p0 $0x0  }
0xe4: {  	[sflag:s14] =	ssyncadd.s32 @!p0 $0xFFFFEC00;
	s14 =	simm.s32 @!p0 $0x7  }
0xe5: {  	_ =	swait.ge @!p0 [sflag:s14], $0x28  }
0xe6: {  	s30 =	sadd.s32 $0x23, s30;
	[sflag:s14] =	ssyncset.done @!p0 $0x0  }
0xe7: {  	s18 =	simm.s32 @!p0 $0xA300;
	[sflag:s14] =	ssyncadd.s32 @!p0 $0xFFFFFFD8;
	s14 =	simm.s32 @!p0 $0x2A80  }
0xe8: {  	[spmem:s2] =	stream.indirect.scatter.add.f32 @!p0 [tilespmem:s18], [sflag:$0x15], $0x80, s14, s13, $0xb8;
	[tilespmem:$0x1F700] =	vst v63  }
0xe9: {  	p0 =	sne.s32 s30, $0x4EC  }
.Ltmp4:
0xea: {  	_ = 	snop;
	(pc) =	sbr.rel @!p0 .LBB2_11-.Ltmp4, $2  }
0xeb: {  	_ =	sdelay $0x2  }
0xec: {  	s17 =	sadd.s32 $0x118, s17  }
.LBB2_4:
0xed: {  	p0 =	seq.s32 s30, $0x0  }
0xee: {  	s13 =	simm.s32 @!p0 $0xF  }
0xef: {  	_ =	swait.ge @!p0 [sflag:s13], $0x1400  }
0xf0: {  	[sflag:s13] =	ssyncset.done @!p0 $0x0  }
0xf1: {  	s19 =	sadd.s32 s30, s22;
	[sflag:s13] =	ssyncadd.s32 @!p0 $0xFFFFEC00  }
0xf2: {  	[tilespmem:s10], [sflag:$0x1] =	stream.linear.gather [hbm4b:s19+s3], $0x28, $0x38;
	[tilespmem:$0x1F700] =	vst v63  }
0xf3: {  	s20 =	sadd.s32 $0xFFFFFF10, s17  }
0xf4: {  	[tilespmem:s7], [sflag:$0x8] =	stream.indirect.gather [hbm4b:s4+s11], $0x80, s20, s11, $0xb8;
	[tilespmem:$0x1F700] =	vst v63  }
0xf5: {  	s14 =	simm.s32 @p0 $0x2800;
	s18 =	rddreg [dreg:$0xb];
	s13 =	simm.s32 @p0 $0x0  }
0xf6: {  	[tilespmem:s14], [sflag:$0x2] =	stream.linear.gather @p0 [hbm4b:s18+s13], $0x28, $0x38;
	[tilespmem:$0x1F700] =	vst v63  }
0xf7: {  	s14 =	simm.s32 @p0 $0x28;
	s18 =	simm.s32 @p0 $0x3F00  }
0xf8: {  	[tilespmem:s18], [sflag:$0x9] =	stream.indirect.gather @p0 [hbm4b:s4+s14], $0x80, s14, s14, $0xb8;
	[tilespmem:$0x1F700] =	vst v63  }
0xf9: {  	s18 =	simm.s32 @!p0 $0x10  }
0xfa: {  	_ =	swait.ge @!p0 [sflag:s18], $0x1400  }
0xfb: {  	[sflag:s18] =	ssyncset.done @!p0 $0x0  }
0xfc: {  	[sflag:s18] =	ssyncadd.s32 @!p0 $0xFFFFEC00;
	s18 =	rddreg [dreg:$0x13]  }
0xfd: {  	s19 =	simm.s32 @!p0 $0x0;
	s20 =	simm.s32 @!p0 $0x2800;
	s18 =	sadd.s32 @!p0 s30, s18  }
0xfe: {  	[tilespmem:s20], [sflag:$0x2] =	stream.linear.gather @!p0 [hbm4b:s18+s19], $0x28, $0x38;
	[tilespmem:$0x1F700] =	vst v63  }
0xff: {  	s21 =	simm.s32 @!p0 $0x3F00;
	s18 =	sadd.s32 @!p0 $0xFFFFFF38, s17;
	s20 =	simm.s32 @!p0 $0x28  }
0x100: {  	[tilespmem:s21], [sflag:$0x9] =	stream.indirect.gather @!p0 [hbm4b:s4+s20], $0x80, s18, s20, $0xb8;
	[tilespmem:$0x1F700] =	vst v63  }
0x101: {  	s18 =	simm.s32 @!p0 $0x11  }
0x102: {  	_ =	swait.ge @!p0 [sflag:s18], $0x1400  }
0x103: {  	[sflag:s18] =	ssyncset.done @!p0 $0x0;
	s21 =	rddreg [dreg:$0x12]  }
0x104: {  	[sflag:s18] =	ssyncadd.s32 @!p0 $0xFFFFEC00;
	s18 =	sadd.s32 s30, s21  }
0x105: {  	[tilespmem:s12], [sflag:$0x3] =	stream.linear.gather [hbm4b:s18+s3], $0x28, $0x38;
	[tilespmem:$0x1F700] =	vst v63  }
0x106: {  	s21 =	sadd.s32 $0xFFFFFF60, s17  }
0x107: {  	[tilespmem:s23], [sflag:$0xA] =	stream.indirect.gather [hbm4b:s4+s11], $0x80, s21, s11, $0xb8;
	[tilespmem:$0x1F700] =	vst v63  }
0x108: {  	s18 =	simm.s32 @p0 $0x2900;
	s21 =	rddreg [dreg:$0xc]  }
0x109: {  	[tilespmem:s18], [sflag:$0x4] =	stream.linear.gather @p0 [hbm4b:s21+s13], $0x28, $0x38;
	[tilespmem:$0x1F700] =	vst v63  }
0x10a: {  	s13 =	simm.s32 @p0 $0x78;
	s18 =	simm.s32 @p0 $0x6700  }
0x10b: {  	[tilespmem:s18], [sflag:$0xB] =	stream.indirect.gather @p0 [hbm4b:s4+s14], $0x80, s13, s14, $0xb8;
	[tilespmem:$0x1F700] =	vst v63  }
0x10c: {  	s13 =	simm.s32 @!p0 $0x12  }
0x10d: {  	_ =	swait.ge @!p0 [sflag:s13], $0x1400  }
0x10e: {  	[sflag:s13] =	ssyncset.done @!p0 $0x0  }
0x10f: {  	[sflag:s13] =	ssyncadd.s32 @!p0 $0xFFFFEC00;
	s13 =	rddreg [dreg:$0x11]  }
0x110: {  	s14 =	simm.s32 @!p0 $0x2900;
	s13 =	sadd.s32 @!p0 s30, s13  }
0x111: {  	[tilespmem:s14], [sflag:$0x4] =	stream.linear.gather @!p0 [hbm4b:s13+s19], $0x28, $0x38;
	[tilespmem:$0x1F700] =	vst v63  }
0x112: {  	s13 =	sadd.s32 @!p0 $0xFFFFFF88, s17;
	s14 =	simm.s32 @!p0 $0x6700  }
0x113: {  	[tilespmem:s14], [sflag:$0xB] =	stream.indirect.gather @!p0 [hbm4b:s4+s20], $0x80, s13, s20, $0xb8;
	[tilespmem:$0x1F700] =	vst v63  }
0x114: {  	s13 =	simm.s32 @!p0 $0x13  }
0x115: {  	_ =	swait.ge @!p0 [sflag:s13], $0x1400  }
.Ltmp5:
0x116: {  	[sflag:s13] =	ssyncset.done @!p0 $0x0;
	s20 =	rddreg [dreg:$0x10];
	(pc) =	sbr.rel @p0 .LBB2_8-.Ltmp5, $4  }
0x117: {  	[sflag:s13] =	ssyncadd.s32 @!p0 $0xFFFFEC00;
	s13 =	sadd.s32 s30, s20  }
0x118: {  	[tilespmem:s24], [sflag:$0x5] =	stream.linear.gather [hbm4b:s13+s3], $0x28, $0x38;
	[tilespmem:$0x1F700] =	vst v63  }
0x119: {  	s21 =	sadd.s32 $0xFFFFFFB0, s17  }
0x11a: {  	[tilespmem:s25], [sflag:$0xC] =	stream.indirect.gather [hbm4b:s4+s11], $0x80, s21, s11, $0xb8;
	[tilespmem:$0x1F700] =	vst v63  }
0x11b: {  	p0 =	sne.s32 s30, $0x4C9  }
.Ltmp6:
0x11c: {  	_ = 	snop;
	(pc) =	sbr.rel @p0 .LBB2_7-.Ltmp6, $4  }
0x11d: {  	_ = 	snop  }
0x11e: {  	_ =	swait.ge [sflag:s6], $0x1400  }
0x11f: {  	[sflag:s6] =	ssyncset.done $0x0  }
0x120: {  	[sflag:s6] =	ssyncadd.s32 $0xFFFFEC00  }
.Ltmp7:
0x121: {  	(pc) =	sbr.rel .LBB2_10-.Ltmp7, $4  }
0x122: {  	_ = 	snop  }
0x123: {  	_ =	swait.ge [sflag:s29], $0x1400  }
0x124: {  	[sflag:s29] =	ssyncset.done $0x0  }
0x125: {  	p0 =	por $0x1, $0x1;
	[sflag:s29] =	ssyncadd.s32 $0xFFFFEC00  }
.LBB2_7:
0x126: {  	s13 =	rddreg [dreg:$0xe]  }
0x127: {  	s14 =	simm.s32 $0x2A00;
	s13 =	sadd.s32 s30, s13  }
0x128: {  	[tilespmem:s14], [sflag:$0x6] =	stream.linear.gather [hbm4b:s13+s3], $0x28, $0x38;
	[tilespmem:$0x1F700] =	vst v63  }
.Ltmp8:
0x129: {  	s20 =	sadd.s32 $0xFFFFFFD8, s17;
	s21 =	simm.s32 $0x8F00;
	(pc) =	sbr.rel .LBB2_9-.Ltmp8, $4  }
0x12a: {  	[tilespmem:s21], [sflag:$0xD] =	stream.indirect.gather [hbm4b:s4+s11], $0x80, s20, s11, $0xb8;
	[tilespmem:$0x1F700] =	vst v63  }
0x12b: {  	_ =	swait.ge [sflag:s29], $0x1400  }
0x12c: {  	[sflag:s29] =	ssyncset.done $0x0  }
0x12d: {  	[sflag:s29] =	ssyncadd.s32 $0xFFFFEC00  }
.LBB2_12:
0x12e: {  	_ =	sfence.sel $0x180000  }
0x12f: {  	[bflag:$0x0] =	sbarrier.arrive $0xFFFF  }
0x130: {  	_ =	strace $0x9000004A  }
0x131: {  	s0 =	stileid.u32;
	[bflag:$0x2] =	sbarrier.arrive $0xFFFF  }
0x132: {  	p0 =	sne.s32 s0, $0x0;
	s0 =	rddreg [dreg:$0x2]  }
0x133: {  	s0 =	sadd.s32 @!p0 $0x100000, s0  }
0x134: {  	[sflag:s0] =	ssyncadd.tile.s32 @!p0 $0x1;
	_ =	shalt  }
.Lfunc_end2:
_tile_overlayer_lowered:
.L_overlay_start_2:
0x135: {  	(tag) =	ssettag $0x2  }
0x136: {  	s0 =	rddreg [dreg:$0x0];
	s2 =	stileid.u32  }
0x137: {  	s1 =	rddreg [dreg:$0x1];
	p0 =	sne.s32 s2, $0x0  }
0x138: {  	s3 =	rddreg [dreg:$0x2];
	[bflag:$0x3] =	sbarrier.arrive $0xFFFF;
	s2 =	simm.s32 @!p0 $0x1C16  }
0x139: {  	[timem:s3], [sflag:s2] =	dma.local @!p0 [hbm:s0], s1  }
0x13a: {  	s0 =	simm.s32 @!p0 $0x16  }
0x13b: {  	_ =	swait.ge @!p0 [sflag:s0], s1  }
0x13c: {  	s1 =	ssub.s32 @!p0 $0x0, s1;
	[sflag:s0] =	ssyncset.done @!p0 $0x0  }
0x13d: {  	[sflag:s0] =	ssyncadd.s32 @!p0 s1  }
0x13e: {  	[bflag:$0x3] =	sbarrier.arrive $0xFFFF  }
0x13f: {  	_ =	shalt  }

// kernel: kernel.14.cloned.1.call-start
scs
__scs_entry_jumppad:
0x0: {  	(pc) =	sbr.rel $0x88, $3  }
0x1: {  	(tag) =	ssettag $0x0;
	lr =	simm.s32 $0x1  }
0x2: {  	[smem:$0x3F9A] =	sst lr;
	_ =	strace $0xD0000000  }
0x3: {  	_ = 	snop  }
0x4: {  	_ = 	snop  }
0x5: {  	_ = 	snop  }
0x6: {  	_ = 	snop  }
0x7: {  	_ = 	snop  }
__scs_overlays_trampoline_lowered:
0x8: {  	[smem:$0x3FA9] =	sst s0  }
0x9: {  	[smem:$0x3FAA] =	sst s1  }
0xa: {  	[smem:$0x3FAB] =	sst s2  }
0xb: {  	[smem:$0x3FAC] =	sst s3  }
0xc: {  	[smem:$0x3FAD] =	sst s4  }
0xd: {  	[smem:$0x3FAE] =	sst s5  }
0xe: {  	[smem:$0x3FAF] =	sst s6  }
0xf: {  	[smem:$0x3FB0] =	sst s7  }
0x10: {  	[smem:$0x3FB1] =	sst s8  }
0x11: {  	[smem:$0x3FB2] =	sst s9;
	s0 =	simm.s32 @!p0 $0x0  }
0x12: {  	s1 =	sld [smem:$0x3F98];
	s0 =	simm.s32 @p0 $0x1  }
0x13: {  	[smem:$0x3FB3] =	sst s0;
	s0 =	simm.s32 @!p1 $0x0  }
0x14: {  	s2 =	sld [smem:$0x3F97];
	s0 =	simm.s32 @p1 $0x1  }
0x15: {  	[smem:$0x3FB4] =	sst s0;
	s0 =	simm.s32 @!p2 $0x0  }
0x16: {  	s3 =	sld [smem:$0x3FDB];
	s0 =	simm.s32 @p2 $0x1  }
0x17: {  	s4 =	simm.s32 $0x1BF5;
	[smem:$0x3FB6] =	sst s0  }
0x18: {  	s0 =	sld [smem:$0x3F99];
	_ =	swait.ge [sflag:s4], $0x0  }
0x19: {  	s7 =	sld [smem:$0x3F9A]  }
0x1a: {  	s8 =	sadd.s32 $0xFFFFE003, lr  }
0x1b: {  	s9 =	sadd.s32 $0xFFFFFEF7, lr;
	s5 =	simm.s32 $0xFFFFFFFF;
	p2 =	slt.u32 s8, $0xFFFFF086  }
0x1c: {  	p1 =	slt.u32 s9, $0xF7A;
	s5 =	simm.s32 @!p2 $0x0  }
0x1d: {  	s5 =	simm.s32 @p1 $0x1;
	p0 =	seq.s32 s7, s2  }
0x1e: {  	s7 =	smul.u32 @!p0 $0xF7A, s2;
	p2 =	seq.s32 @!p0 s5, $0x0  }
0x1f: {  	s9 =	smul.u32 $0xF7A, s1;
	s8 =	simm.s32 @!p0 $0x1BF5;
	p2 =	por !p2, p0  }
0x20: {  	[sflag:s8] =	ssyncset.s32 @!p0 $0xFFFFF086;
	s6 =	sadd.s32 @!p0 s3, s7;
	s7 =	simm.s32 @!p0 $0x108  }
0x21: {  	s3 =	sadd.s32 s3, s9;
	s6 =	sadd.s32 @!p0 $0x88, s6;
	s7 =	simm.s32 @p2 $0x1082  }
0x22: {  	[simem:s7], [sflag:s8] =	dma.local @!p0 [hbm:s6], $0xF7A  }
0x23: {  	s9 =	sor.u32 $0xD0000000, s2;
	s6 =	simm.s32 $0x108;
	_ =	swait.ge @!p0 [sflag:s8], $0x0  }
0x24: {  	s3 =	sadd.s32 $0x88, s3;
	s6 =	simm.s32 @!p1 $0x1082;
	[sflag:s4] =	ssyncset.s32 $0xFFFFF086  }
0x25: {  	[simem:s6], [sflag:s4] =	dma.local [hbm:s3], $0xF7A  }
0x26: {  	[smem:$0x3F9A] =	sst s1;
	(tag) =	ssettag s2;
	_ =	strace s9  }
0x27: {  	s1 =	sld [smem:$0x3FAA]  }
0x28: {  	s2 =	sld [smem:$0x3FAB]  }
0x29: {  	s4 =	sld [smem:$0x3FAD]  }
0x2a: {  	p0 =	seq.s32 s5, $0x0;
	s5 =	sld [smem:$0x3FAE]  }
0x2b: {  	s6 =	sld [smem:$0x3FAF]  }
0x2c: {  	s7 =	sld [smem:$0x3FB0]  }
0x2d: {  	s3 =	simm.s32 $0x108;
	s8 =	sld [smem:$0x3FB1]  }
0x2e: {  	s3 =	simm.s32 @!p0 $0x1082;
	s9 =	sld [smem:$0x3FB2]  }
0x2f: {  	lr =	sadd.s32 s0, s3;
	s0 =	sld [smem:$0x3FA9]  }
0x30: {  	s3 =	sld [smem:$0x3FAC]  }
0x31: {  	[smem:$0x3FB5] =	sst s10  }
0x32: {  	s10 =	sld [smem:$0x3FB3];
	_ =	sdelay $0x3  }
0x33: {  	p0 =	seq.s32 s10, $0x1;
	s10 =	sld [smem:$0x3FB5];
	_ =	sdelay $0x3  }
0x34: {  	[smem:$0x3FB5] =	sst s10  }
0x35: {  	s10 =	sld [smem:$0x3FB4];
	_ =	sdelay $0x3  }
0x36: {  	p1 =	seq.s32 s10, $0x1;
	s10 =	sld [smem:$0x3FB5];
	_ =	sdelay $0x3  }
0x37: {  	[smem:$0x3FB5] =	sst s10  }
0x38: {  	s10 =	sld [smem:$0x3FB6]  }
0x39: {  	_ = 	snop;
	(pc) =	sbr.ind lr, $3  }
0x3a: {  	_ = 	snop  }
0x3b: {  	_ = 	snop  }
0x3c: {  	p2 =	seq.s32 s10, $0x1;
	s10 =	sld [smem:$0x3FB5]  }
0x3d: {  	_ =	shalt  }
0x3e: {  	_ =	shalt  }
0x3f: {  	_ =	shalt  }
0x40: {  	_ =	shalt  }
0x41: {  	_ =	shalt  }
0x42: {  	_ =	shalt  }
0x43: {  	_ =	shalt  }
0x44: {  	_ =	shalt  }
0x45: {  	_ =	shalt  }
0x46: {  	_ =	shalt  }
0x47: {  	_ =	shalt  }
0x48: {  	_ =	shalt  }
0x49: {  	_ =	shalt  }
0x4a: {  	_ =	shalt  }
0x4b: {  	_ =	shalt  }
0x4c: {  	_ =	shalt  }
0x4d: {  	_ =	shalt  }
0x4e: {  	_ =	shalt  }
0x4f: {  	_ =	shalt  }
0x50: {  	_ =	shalt  }
0x51: {  	_ =	shalt  }
0x52: {  	_ =	shalt  }
0x53: {  	_ =	shalt  }
0x54: {  	_ =	shalt  }
0x55: {  	_ =	shalt  }
0x56: {  	_ =	shalt  }
0x57: {  	_ =	shalt  }
0x58: {  	_ =	shalt  }
0x59: {  	_ =	shalt  }
0x5a: {  	_ =	shalt  }
0x5b: {  	_ =	shalt  }
0x5c: {  	_ =	shalt  }
0x5d: {  	_ =	shalt  }
0x5e: {  	_ =	shalt  }
0x5f: {  	_ =	shalt  }
0x60: {  	_ =	shalt  }
0x61: {  	_ =	shalt  }
0x62: {  	_ =	shalt  }
0x63: {  	_ =	shalt  }
0x64: {  	_ =	shalt  }
0x65: {  	_ =	shalt  }
0x66: {  	_ =	shalt  }
0x67: {  	_ =	shalt  }
0x68: {  	_ =	shalt  }
0x69: {  	_ =	shalt  }
0x6a: {  	_ =	shalt  }
0x6b: {  	_ =	shalt  }
0x6c: {  	_ =	shalt  }
0x6d: {  	_ =	shalt  }
0x6e: {  	_ =	shalt  }
0x6f: {  	_ =	shalt  }
0x70: {  	_ =	shalt  }
0x71: {  	_ =	shalt  }
0x72: {  	_ =	shalt  }
0x73: {  	_ =	shalt  }
0x74: {  	_ =	shalt  }
0x75: {  	_ =	shalt  }
0x76: {  	_ =	shalt  }
0x77: {  	_ =	shalt  }
0x78: {  	_ =	shalt  }
0x79: {  	_ =	shalt  }
0x7a: {  	_ =	shalt  }
0x7b: {  	_ =	shalt  }
0x7c: {  	_ =	shalt  }
0x7d: {  	_ =	shalt  }
0x7e: {  	_ =	shalt  }
0x7f: {  	_ =	shalt  }
0x80: {  	_ =	shalt  }
0x81: {  	_ =	shalt  }
0x82: {  	_ =	shalt  }
0x83: {  	_ =	shalt  }
0x84: {  	_ =	shalt  }
0x85: {  	_ =	shalt  }
0x86: {  	_ =	shalt  }
0x87: {  	_ =	shalt  }
.Lfunc_end0:
.L_simem_size_0:
called_computation.2_lowered:
.L_overlay_start_0:
0x88: {  	s2 =	sld [smem:$0x3FD9]  }
0x89: {  	s3 =	sld [smem:$0x3FFE];
	_ =	sdelay $0x1  }
0x8a: {  	s1 =	srdreg.scid  }
0x8b: {  	s0 =	sand.u32 $0x1, s1  }
0x8c: {  	s16 =	sshll.u32 s0, $0xA;
	s2 =	sadd.s32 s3, s2  }
0x8d: {  	s2 =	sadd.s32 s2, s16  }
0x8e: {  	[smem:$0x3FC1] =	sst s2  }
0x8f: {  	_ = 	snop  }
0x90: {  	(tm) =	ssettm $0x1  }
0x91: {  	s17 =	sld [smem:$0x3FFB];
	_ =	sdelay $0x3  }
0x92: {  	_ =	strace s17  }
0x93: {  	s2 =	sld [smem:$0x3FFC];
	_ =	sdelay $0x3  }
0x94: {  	_ =	strace s2  }
0x95: {  	s2 =	sld [smem:$0x3FFD];
	_ =	sdelay $0x3  }
0x96: {  	_ =	strace s2  }
0x97: {  	_ =	strace $0x8FFFFFFF  }
0x98: {  	s18 =	sld [smem:$0x3FDB];
	_ =	sdelay $0x1  }
0x99: {  	s19 =	simm.s32 $_scs_section_size  }
0x9a: {  	s4 =	simm.s32 $_size__tile_overlayer_lowered;
	s5 =	simm.s32 $_tile_overlayer_lowered  }
0x9b: {  	s22 =	simm.s32 $0x1BFF;
	s21 =	sshll.u32 s5, $0x1;
	s2 =	sadd.s32 s19, s18  }
0x9c: {  	s6 =	simm.s32 $0x0;
	s20 =	sshll.u32 s4, $0x1;
	s4 =	sadd.s32 s21, s2  }
0x9d: {  	[timem:s6], [sflag:s22] =	dma.local [hbm:s4], s20  }
0x9e: {  	_ =	swait.ge [sflag:s22], s20  }
0x9f: {  	s3 =	ssub.s32 $0x0, s20;
	[sflag:s22] =	ssyncset.done $0x0  }
0xa0: {  	[sflag:s22] =	ssyncadd.s32 s3;
	_ =	sdelay $0x1  }
0xa1: {  	s23 =	simm.s32 $0x1B8B  }
0xa2: {  	_ =	swait.ge [sflag:s23], $0x1  }
0xa3: {  	[sflag:s23] =	ssyncset.done $0x0  }
0xa4: {  	s25 =	simm.s32 $0x1B8E;
	s24 =	sld [smem:$0x3FFE];
	[sflag:s23] =	ssyncadd.s32 $0xFFFFFFFF  }
0xa5: {  	s26 =	simm.s32 $execute0_lowered;
	[smem:$0x3FD2] =	sst s25  }
0xa6: {  	s4 =	sshll.u32 s26, $0x1;
	_ =	strace $0x8000004C;
	[dreg:$0x1] =	wrdreg $0xFFFFFFFF  }
0xa7: {  	s28 =	simm.s32 $_size_execute0_lowered;
	s2 =	sadd.s32 s2, s4;
	[dreg:$0x0] =	wrdreg $0x0  }
0xa8: {  	s4 =	sshll.u32 s28, $0x1;
	[dreg:$0x2] =	wrdreg s2  }
0xa9: {  	[dreg:$0x3] =	wrdreg s4  }
0xaa: {  	[dreg:$0x4] =	wrdreg $0xC0  }
0xab: {  	_ =	task [dreg:s6], $0x5FFFF  }
0xac: {  	[dreg:$0x1] =	wrdreg $0xFFFFFFFF  }
0xad: {  	[dreg:$0x0] =	wrdreg $0x60  }
0xae: {  	[dreg:$0x2] =	wrdreg s24  }
0xaf: {  	[dreg:$0x3] =	wrdreg $0xB7000  }
0xb0: {  	[dreg:$0x4] =	wrdreg $0x9  }
0xb1: {  	_ =	task.clear_ibuf [dreg:s6], $0x5FFFF;
	_ =	strace $0x9000004C  }
0xb2: {  	s29 =	simm.s32 $0x9;
	_ =	strace $0x8000004E  }
0xb3: {  	_ =	swait.ge [sflag:s29], $0x1  }
0xb4: {  	[sflag:s29] =	ssyncadd.s32 $0xFFFFFFFF  }
0xb5: {  	_ =	strace $0x9000004E  }
0xb6: {  	_ =	sfence  }
0xb7: {  	s30 =	sld [smem:$0x0];
	_ =	sdelay $0x2  }
0xb8: {  	s31 =	sshll.u32 s1, $0xD;
	s1 =	sshrl.u32 s1, $0x2  }
0xb9: {  	s3 =	sand.u32 $0x4000, s31;
	s1 =	sadd.s32 s1, s30  }
0xba: {  	s0 =	sor.u32 s3, s0;
	s1 =	sshll.u32 s1, $0x11  }
0xbb: {  	s0 =	sor.u32 s1, s0  }
0xbc: {  	s0 =	sadd.s32 $0x8F2B, s0  }
0xbd: {  	[sflag:s0] =	ssyncadd.remote.s32 $0x1  }
0xbe: {  	_ =	sfence.sel $0xFFFF  }
0xbf: {  	[dreg:$0x0] =	wrdreg $0xFFFFFFFF;
	(pc) =	sbr.abs _section_cstart, $3  }
0xc0: {  	[dreg:$0x1] =	wrdreg $0xFFFFFFFF  }
0xc1: {  	_ =	task.clear_ibuf [dreg:s6], $0x2FFFF;
	_ =	strace $0x9FFFFFFF  }
0xc2: {  	(tm) =	ssettm $0x7FFFFFFF  }
0xc3: {  	_ =	shalt  }
tec
execute0_lowered:
.L_overlay_start_1:
0x0: {  	(tag) =	ssettag $0x1  }
0x1: {  	s0 =	srdreg.scid;
	s11 =	stileid.u32  }
0x2: {  	s1 =	rddreg [dreg:$0x0];
	s6 =	smul.u32 $0x2800, s11  }
0x3: {  	s2 =	rddreg [dreg:$0x1];
	s28 =	simm.s32 $0xA;
	s9 =	smul.u32 $0x50000, s11  }
0x4: {  	s31 =	simm.s32 $0xC;
	s0 =	sand.u32 $0x1, s0;
	s21 =	smul.u32 $0x2710, s11  }
0x5: {  	s29 =	simm.s32 $0x15;
	s10 =	sadd.s32 $0xC400, s1;
	s8 =	smul.u32 $0x28000, s0  }
0x6: {  	s3 =	sshll.u32 s0, $0x4;
	s12 =	ssub.s32 $0x2, s0;
	s0 =	smul.u32 $0x27100, s0  }
0x7: {  	s4 =	sor.u32 s11, s3;
	s3 =	simm.s32 $0x0;
	s13 =	sshrl.u32 s12, $0x1  }
0x8: {  	s9 =	sshrl.u32 s9, $0x2;
	s5 =	smul.u32 $0x2710, s4;
	[smem:$0x7FF] =	sst s3  }
0x9: {  	s4 =	sadd.s32 $0x16200, s1;
	s6 =	sadd.s32 s6, s8;
	s18 =	sadd.s32 s9, s2  }
0xa: {  	s0 =	sadd.s32 s21, s0;
	_ =	strace $0x8000004D;
	s14 =	sadd.s32 $0x1400, s18  }
0xb: {  	s15 =	sadd.s32 $0x2800, s18;
	s16 =	sadd.s32 $0x3C00, s18;
	[dreg:$0x4] =	wrdreg s18  }
0xc: {  	s17 =	sadd.s32 $0x5000, s18;
	s20 =	sadd.s32 $0x6400, s18;
	[dreg:$0x5] =	wrdreg s14  }
0xd: {  	s9 =	sadd.s32 $0x7800, s18;
	s23 =	sadd.s32 $0xC8, s0;
	[dreg:$0x6] =	wrdreg s15  }
0xe: {  	s25 =	sadd.s32 $0xF0, s0;
	s30 =	sadd.s32 $0xA0, s0;
	[dreg:$0x7] =	wrdreg s16  }
0xf: {  	s8 =	sadd.s32 $0x78, s0;
	s11 =	sadd.s32 $0x50, s0;
	[dreg:$0x8] =	wrdreg s17  }
0x10: {  	s21 =	sadd.s32 $0xC800, s18;
	s7 =	sshrl.u32 s5, $0x3;
	[dreg:$0x9] =	wrdreg s20  }
0x11: {  	s19 =	sadd.s32 $0x28, s5;
	[dreg:$0xa] =	wrdreg s9;
	s22 =	sadd.s32 $0x78, s5  }
0x12: {  	s5 =	sadd.s32 $0xC8, s5;
	s24 =	sshrl.u32 s23, $0x3;
	s26 =	sshrl.u32 s25, $0x3  }
0x13: {  	s9 =	sshrl.u32 s8, $0x3;
	s15 =	sadd.s32 $0x8C00, s18;
	s20 =	sadd.s32 $0xB400, s18  }
0x14: {  	[dreg:$0x19] =	wrdreg s21;
	s23 =	sadd.s32 $0xDC00, s18;
	s25 =	sadd.s32 $0x10400, s18  }
0x15: {  	s8 =	simm.s32 $0x8;
	s7 =	sadd.s32 s7, s1;
	[dreg:$0x14] =	wrdreg s15  }
0x16: {  	s1 =	sadd.s32 s6, s1;
	s6 =	ssub.s32 s12, s13;
	[dreg:$0x18] =	wrdreg s20  }
0x17: {  	s5 =	sshrl.u32 s5, $0x3;
	s12 =	sshrl.u32 s11, $0x3;
	[dreg:$0x1a] =	wrdreg s23  }
0x18: {  	s13 =	sadd.s32 $0x28, s0;
	s0 =	sshrl.u32 s0, $0x3;
	[dreg:$0x1c] =	wrdreg s25  }
0x19: {  	s11 =	simm.s32 $0x28;
	s23 =	simm.s32 $0x5300;
	s7 =	sadd.s32 $0x2600, s7  }
0x1a: {  	s25 =	simm.s32 $0x7B00;
	s5 =	sadd.s32 s10, s5;
	[dreg:$0x3] =	wrdreg s7  }
0x1b: {  	s15 =	simm.s32 $0xB;
	s16 =	sadd.s32 $0x3D400, s1;
	[dreg:$0xd] =	wrdreg s5  }
0x1c: {  	s14 =	sshrl.u32 s13, $0x3;
	s17 =	smax.u32 s6, $0x1;
	[dreg:$0x15] =	wrdreg s16  }
0x1d: {  	s1 =	simm.s32 $0x9;
	s5 =	sadd.s32 s24, s10;
	[dreg:$0x16] =	wrdreg s17  }
0x1e: {  	s7 =	sshrl.u32 s19, $0x3;
	s19 =	sadd.s32 $0xA000, s18;
	[dreg:$0xe] =	wrdreg s5  }
0x1f: {  	s6 =	simm.s32 $0x14;
	s24 =	sadd.s32 $0xF000, s18;
	[dreg:$0x17] =	wrdreg s19  }
0x20: {  	s16 =	simm.s32 $0x3;
	s7 =	sadd.s32 s10, s7;
	[dreg:$0x1b] =	wrdreg s24  }
0x21: {  	s17 =	simm.s32 $0x0;
	s5 =	sadd.s32 s26, s10;
	[dreg:$0xb] =	wrdreg s7  }
0x22: {  	s26 =	sadd.s32 $0x11800, s18;
	s24 =	simm.s32 $0x2980;
	[dreg:$0xf] =	wrdreg s5  }
0x23: {  	s7 =	sshrl.u32 s22, $0x3;
	s22 =	sadd.s32 s0, s10;
	[dreg:$0x1d] =	wrdreg s26  }
0x24: {  	s0 =	simm.s32 $0x2;
	s26 =	simm.s32 $0x4;
	s7 =	sadd.s32 s10, s7  }
0x25: {  	[dreg:$0xc] =	wrdreg s7;
	s7 =	sshrl.u32 s30, $0x3;
	s30 =	sadd.s32 $0x12C00, s18  }
.Ltmp0:
0x26: {  	s5 =	sadd.s32 s7, s10;
	[dreg:$0x1e] =	wrdreg s30;
	(pc) =	sbr.rel .LBB2_1-.Ltmp0, $4  }
0x27: {  	s7 =	simm.s32 $0x2B00;
	[dreg:$0x10] =	wrdreg s5;
	s5 =	sadd.s32 s9, s10  }
0x28: {  	s9 =	simm.s32 $0x1;
	[dreg:$0x11] =	wrdreg s5;
	s5 =	sadd.s32 s12, s10  }
0x29: {  	s12 =	simm.s32 $0x2880;
	[dreg:$0x12] =	wrdreg s5;
	s5 =	sadd.s32 s14, s10  }
0x2a: {  	v0 =	vimm.f32 $0.0e+00;
	s10 =	simm.s32 $0x2780;
	[dreg:$0x13] =	wrdreg s5;
	s5 =	simm.s32 $0x5  }
.LBB2_11:
0x2b: {  	s13 =	simm.s32 $0xF  }
0x2c: {  	_ =	swait.ge [sflag:s13], $0x1400  }
0x2d: {  	[sflag:s13] =	ssyncset.done $0x0  }
0x2e: {  	s30 =	simm.s32 $0x10;
	[sflag:s13] =	ssyncadd.s32 $0xFFFFEC00  }
0x2f: {  	_ =	swait.ge [sflag:s30], $0x1400  }
0x30: {  	[sflag:s30] =	ssyncset.done $0x0  }
0x31: {  	s14 =	simm.s32 $0x11;
	[sflag:s30] =	ssyncadd.s32 $0xFFFFEC00  }
0x32: {  	_ =	swait.ge [sflag:s14], $0x1400  }
0x33: {  	[sflag:s14] =	ssyncset.done $0x0  }
0x34: {  	s17 =	simm.s32 $0x12;
	[sflag:s14] =	ssyncadd.s32 $0xFFFFEC00  }
0x35: {  	_ =	swait.ge [sflag:s17], $0x1400  }
0x36: {  	[sflag:s17] =	ssyncset.done $0x0  }
0x37: {  	s18 =	simm.s32 $0x13;
	[sflag:s17] =	ssyncadd.s32 $0xFFFFEC00  }
0x38: {  	_ =	swait.ge [sflag:s18], $0x1400  }
0x39: {  	[sflag:s18] =	ssyncset.done $0x0  }
0x3a: {  	[sflag:s18] =	ssyncadd.s32 $0xFFFFEC00  }
0x3b: {  	s19 =	stileid.u32;
	[bflag:$0x0] =	sbarrier.arrive $0xFFFF  }
0x3c: {  	s20 =	simm.s32 $0x16;
	s13 =	sshll.u32 s19, $0x6;
	s18 =	rddreg [dreg:$0x4]  }
0x3d: {  	s13 =	sor.u32 $0x1C16, s13;
	s17 =	rddreg [dreg:$0x15];
	s14 =	sshrl.u32 s18, $0x3  }
0x3e: {  	[hbm:s17], [sflag:s13] =	dma.local [spmem:s14], $0x2800  }
0x3f: {  	_ =	swait.ge [sflag:s20], $0x2800  }
0x40: {  	s21 =	rddreg [dreg:$0x1f]  }
0x41: {  	s30 =	rddreg [dreg:$0x16];
	s17 =	sadd.s32 $0x1, s21  }
0x42: {  	p0 =	sne.s32 s17, s30  }
.Ltmp1:
0x43: {  	_ = 	snop;
	(pc) =	sbr.rel @!p0 .LBB2_12-.Ltmp1, $3  }
0x44: {  	_ =	sdelay $0x1  }
0x45: {  	[sflag:s20] =	ssyncset.done $0x0  }
0x46: {  	[sflag:s20] =	ssyncadd.s32 $0xFFFFD800  }
.LBB2_1:
0x47: {  	[dreg:$0x1f] =	wrdreg s17;
	s17 =	simm.s32 $0x70;
	s30 =	simm.s32 $0x3C0  }
.LBB2_2:
0x48: {  	p0 =	sne.s32 s30, $0x4FC0;
	[tilespmem:s17+$0x2B00] =	vst v0  }
0x49: {  	[tilespmem:s17+$0x2A90] =	vst v0  }
0x4a: {  	[tilespmem:s17+$0x2AA0] =	vst v0  }
.Ltmp2:
0x4b: {  	[tilespmem:s17+$0x2AB0] =	vst v0;
	(pc) =	sbr.rel @p0 .LBB2_2-.Ltmp2, $4  }
0x4c: {  	[tilespmem:s17+$0x2AC0] =	vst v0  }
0x4d: {  	[tilespmem:s17+$0x2AD0] =	vst v0  }
0x4e: {  	[tilespmem:s17+$0x2AE0] =	vst v0  }
0x4f: {  	[tilespmem:s17+$0x2AF0] =	vst v0;
	s17 =	sshra.s32 s30, $0x2;
	s30 =	sadd.s32 $0x200, s30  }
0x50: {  	[tilespmem:s17+$0x2B00] =	vst v0  }
0x51: {  	[tilespmem:s17+$0x2A90] =	vst v0  }
0x52: {  	[tilespmem:s17+$0x2AA0] =	vst v0  }
0x53: {  	[tilespmem:s17+$0x2AB0] =	vst v0  }
0x54: {  	[tilespmem:s17+$0x2AC0] =	vst v0  }
0x55: {  	[tilespmem:s17+$0x2AD0] =	vst v0  }
0x56: {  	[tilespmem:s17+$0x2AE0] =	vst v0  }
0x57: {  	[tilespmem:s17+$0x2AF0] =	vst v0;
	s30 =	simm.s32 $0x0;
	s13 =	rddreg [dreg:$0x3]  }
0x58: {  	[tilespmem:s30], [sflag:$0x1] =	stream.linear.gather [hbm4b:s13+s30], $0x2710, $0x38;
	[tilespmem:$0x1F700] =	vst v63  }
0x59: {  	_ = 	snop  }
0x5a: {  	[spmem:s18] =	stream.linear.scatter [tilespmem:s7], [sflag:$0x8], $0x1400, $0x38;
	[tilespmem:$0x1F700] =	vst v63  }
0x5b: {  	s19 =	rddreg [dreg:$0x5]  }
0x5c: {  	[spmem:s19] =	stream.linear.scatter [tilespmem:s7], [sflag:$0x8], $0x1400, $0x38;
	[tilespmem:$0x1F700] =	vst v63  }
0x5d: {  	s20 =	rddreg [dreg:$0x6]  }
0x5e: {  	[spmem:s20] =	stream.linear.scatter [tilespmem:s7], [sflag:$0x8], $0x1400, $0x38;
	[tilespmem:$0x1F700] =	vst v63  }
0x5f: {  	s21 =	rddreg [dreg:$0x7]  }
0x60: {  	[spmem:s21] =	stream.linear.scatter [tilespmem:s7], [sflag:$0x8], $0x1400, $0x38;
	[tilespmem:$0x1F700] =	vst v63  }
0x61: {  	s14 =	rddreg [dreg:$0x8]  }
0x62: {  	[spmem:s14] =	stream.linear.scatter [tilespmem:s7], [sflag:$0x8], $0x1400, $0x38;
	[tilespmem:$0x1F700] =	vst v63  }
0x63: {  	s17 =	rddreg [dreg:$0x9]  }
0x64: {  	[spmem:s17] =	stream.linear.scatter [tilespmem:s7], [sflag:$0x8], $0x1400, $0x38;
	[tilespmem:$0x1F700] =	vst v63  }
0x65: {  	s18 =	rddreg [dreg:$0xa]  }
0x66: {  	[spmem:s18] =	stream.linear.scatter [tilespmem:s7], [sflag:$0x8], $0x1400, $0x38;
	[tilespmem:$0x1F700] =	vst v63  }
0x67: {  	s19 =	rddreg [dreg:$0x14]  }
0x68: {  	[spmem:s19] =	stream.linear.scatter [tilespmem:s7], [sflag:$0x8], $0x1400, $0x38;
	[tilespmem:$0x1F700] =	vst v63  }
0x69: {  	s20 =	rddreg [dreg:$0x17]  }
0x6a: {  	[spmem:s20] =	stream.linear.scatter [tilespmem:s7], [sflag:$0x8], $0x1400, $0x38;
	[tilespmem:$0x1F700] =	vst v63  }
0x6b: {  	s21 =	rddreg [dreg:$0x18]  }
0x6c: {  	[spmem:s21] =	stream.linear.scatter [tilespmem:s7], [sflag:$0x8], $0x1400, $0x38;
	[tilespmem:$0x1F700] =	vst v63  }
0x6d: {  	s14 =	rddreg [dreg:$0x19]  }
0x6e: {  	[spmem:s14] =	stream.linear.scatter [tilespmem:s7], [sflag:$0x8], $0x1400, $0x38;
	[tilespmem:$0x1F700] =	vst v63  }
0x6f: {  	s17 =	rddreg [dreg:$0x1a]  }
0x70: {  	[spmem:s17] =	stream.linear.scatter [tilespmem:s7], [sflag:$0x8], $0x1400, $0x38;
	[tilespmem:$0x1F700] =	vst v63  }
0x71: {  	s18 =	rddreg [dreg:$0x1b]  }
0x72: {  	[spmem:s18] =	stream.linear.scatter [tilespmem:s7], [sflag:$0x8], $0x1400, $0x38;
	[tilespmem:$0x1F700] =	vst v63  }
0x73: {  	s19 =	rddreg [dreg:$0x1c]  }
0x74: {  	[spmem:s19] =	stream.linear.scatter [tilespmem:s7], [sflag:$0x8], $0x1400, $0x38;
	[tilespmem:$0x1F700] =	vst v63  }
0x75: {  	s20 =	rddreg [dreg:$0x1d]  }
0x76: {  	[spmem:s20] =	stream.linear.scatter [tilespmem:s7], [sflag:$0x8], $0x1400, $0x38;
	[tilespmem:$0x1F700] =	vst v63  }
0x77: {  	s21 =	rddreg [dreg:$0x1e]  }
0x78: {  	[spmem:s21] =	stream.linear.scatter [tilespmem:s7], [sflag:$0x8], $0x1400, $0x38;
	[tilespmem:$0x1F700] =	vst v63  }
0x79: {  	_ =	swait.ge [sflag:s8], $0x1400  }
0x7a: {  	[sflag:s8] =	ssyncset.done $0x0  }
0x7b: {  	[sflag:s8] =	ssyncadd.s32 $0xFFFFEC00  }
0x7c: {  	_ =	swait.ge [sflag:s8], $0x1400  }
0x7d: {  	[sflag:s8] =	ssyncset.done $0x0  }
0x7e: {  	[sflag:s8] =	ssyncadd.s32 $0xFFFFEC00  }
0x7f: {  	_ =	swait.ge [sflag:s8], $0x1400  }
0x80: {  	[sflag:s8] =	ssyncset.done $0x0  }
0x81: {  	[sflag:s8] =	ssyncadd.s32 $0xFFFFEC00  }
0x82: {  	_ =	swait.ge [sflag:s8], $0x1400  }
0x83: {  	[sflag:s8] =	ssyncset.done $0x0  }
0x84: {  	[sflag:s8] =	ssyncadd.s32 $0xFFFFEC00  }
0x85: {  	_ =	swait.ge [sflag:s8], $0x1400  }
0x86: {  	[sflag:s8] =	ssyncset.done $0x0  }
0x87: {  	[sflag:s8] =	ssyncadd.s32 $0xFFFFEC00  }
0x88: {  	_ =	swait.ge [sflag:s8], $0x1400  }
0x89: {  	[sflag:s8] =	ssyncset.done $0x0  }
0x8a: {  	[sflag:s8] =	ssyncadd.s32 $0xFFFFEC00  }
0x8b: {  	_ =	swait.ge [sflag:s8], $0x1400  }
0x8c: {  	[sflag:s8] =	ssyncset.done $0x0  }
0x8d: {  	[sflag:s8] =	ssyncadd.s32 $0xFFFFEC00  }
0x8e: {  	_ =	swait.ge [sflag:s8], $0x1400  }
0x8f: {  	[sflag:s8] =	ssyncset.done $0x0  }
0x90: {  	[sflag:s8] =	ssyncadd.s32 $0xFFFFEC00  }
0x91: {  	_ =	swait.ge [sflag:s8], $0x1400  }
0x92: {  	[sflag:s8] =	ssyncset.done $0x0  }
0x93: {  	[sflag:s8] =	ssyncadd.s32 $0xFFFFEC00  }
0x94: {  	_ =	swait.ge [sflag:s8], $0x1400  }
0x95: {  	[sflag:s8] =	ssyncset.done $0x0  }
0x96: {  	[sflag:s8] =	ssyncadd.s32 $0xFFFFEC00  }
0x97: {  	_ =	swait.ge [sflag:s8], $0x1400  }
0x98: {  	[sflag:s8] =	ssyncset.done $0x0  }
0x99: {  	[sflag:s8] =	ssyncadd.s32 $0xFFFFEC00  }
0x9a: {  	_ =	swait.ge [sflag:s8], $0x1400  }
0x9b: {  	[sflag:s8] =	ssyncset.done $0x0  }
0x9c: {  	[sflag:s8] =	ssyncadd.s32 $0xFFFFEC00  }
0x9d: {  	_ =	swait.ge [sflag:s8], $0x1400  }
0x9e: {  	[sflag:s8] =	ssyncset.done $0x0  }
0x9f: {  	[sflag:s8] =	ssyncadd.s32 $0xFFFFEC00  }
0xa0: {  	_ =	swait.ge [sflag:s8], $0x1400  }
0xa1: {  	[sflag:s8] =	ssyncset.done $0x0  }
0xa2: {  	[sflag:s8] =	ssyncadd.s32 $0xFFFFEC00  }
0xa3: {  	_ =	swait.ge [sflag:s8], $0x1400  }
0xa4: {  	[sflag:s8] =	ssyncset.done $0x0  }
0xa5: {  	[sflag:s8] =	ssyncadd.s32 $0xFFFFEC00  }
0xa6: {  	_ =	swait.ge [sflag:s8], $0x1400  }
0xa7: {  	[sflag:s8] =	ssyncset.done $0x0  }
0xa8: {  	[sflag:s8] =	ssyncadd.s32 $0xFFFFEC00  }
.Ltmp3:
0xa9: {  	_ =	swait.ge [sflag:s9], $0x2710;
	(pc) =	sbr.rel .LBB2_4-.Ltmp3, $4  }
0xaa: {  	[sflag:s9] =	ssyncset.done $0x0  }
0xab: {  	[sflag:s9] =	ssyncadd.s32 $0xFFFFD8F0  }
0xac: {  	[bflag:$0x0] =	sbarrier.arrive $0xFFFF  }
0xad: {  	s17 =	simm.s32 $0xF0  }
.LBB2_8:
0xae: {  	s13 =	rddreg [dreg:$0xd];
	s14 =	simm.s32 $0x2A00  }
0xaf: {  	[tilespmem:s14], [sflag:$0x6] =	stream.linear.gather [hbm4b:s13+s3], $0x28, $0x38;
	[tilespmem:$0x1F700] =	vst v63  }
0xb0: {  	s20 =	simm.s32 $0xC8;
	s21 =	simm.s32 $0x8F00  }
0xb1: {  	[tilespmem:s21], [sflag:$0xD] =	stream.indirect.gather [hbm4b:s4+s11], $0x80, s20, s11, $0xb8;
	[tilespmem:$0x1F700] =	vst v63  }
.LBB2_9:
0xb2: {  	s13 =	rddreg [dreg:$0xf]  }
0xb3: {  	s14 =	simm.s32 $0x2A80;
	s13 =	sadd.s32 s30, s13  }
0xb4: {  	[tilespmem:s14], [sflag:$0x7] =	stream.linear.gather [hbm4b:s13+s3], $0x28, $0x38;
	[tilespmem:$0x1F700] =	vst v63  }
0xb5: {  	s21 =	simm.s32 $0xA300;
	p0 =	por $0x0, $0x0  }
0xb6: {  	[tilespmem:s21], [sflag:$0xE] =	stream.indirect.gather [hbm4b:s4+s11], $0x80, s17, s11, $0xb8;
	[tilespmem:$0x1F700] =	vst v63  }
.LBB2_10:
0xb7: {  	_ =	swait.ge [sflag:s8], $0x1400  }
0xb8: {  	[sflag:s8] =	ssyncset.done $0x0  }
0xb9: {  	[sflag:s8] =	ssyncadd.s32 $0xFFFFEC00  }
0xba: {  	_ =	swait.ge [sflag:s9], $0x28  }
0xbb: {  	[sflag:s9] =	ssyncset.done $0x0  }
0xbc: {  	[sflag:s9] =	ssyncadd.s32 $0xFFFFFFD8  }
0xbd: {  	[spmem:s2] =	stream.indirect.scatter.add.f32 [tilespmem:s7], [sflag:$0xF], $0x80, s10, s11, $0xb8;
	[tilespmem:$0x1F700] =	vst v63  }
0xbe: {  	_ =	swait.ge [sflag:s1], $0x1400  }
0xbf: {  	[sflag:s1] =	ssyncset.done $0x0  }
0xc0: {  	[sflag:s1] =	ssyncadd.s32 $0xFFFFEC00  }
0xc1: {  	_ =	swait.ge [sflag:s0], $0x28  }
0xc2: {  	[sflag:s0] =	ssyncset.done $0x0  }
0xc3: {  	s13 =	simm.s32 $0x2800;
	s14 =	simm.s32 $0x3F00;
	[sflag:s0] =	ssyncadd.s32 $0xFFFFFFD8  }
0xc4: {  	[spmem:s2] =	stream.indirect.scatter.add.f32 [tilespmem:s14], [sflag:$0x10], $0x80, s13, s11, $0xb8;
	[tilespmem:$0x1F700] =	vst v63  }
0xc5: {  	_ =	swait.ge [sflag:s28], $0x1400  }
0xc6: {  	[sflag:s28] =	ssyncset.done $0x0  }
0xc7: {  	[sflag:s28] =	ssyncadd.s32 $0xFFFFEC00  }
0xc8: {  	_ =	swait.ge [sflag:s16], $0x28  }
0xc9: {  	[sflag:s16] =	ssyncset.done $0x0  }
0xca: {  	[sflag:s16] =	ssyncadd.s32 $0xFFFFFFD8  }
0xcb: {  	[spmem:s2] =	stream.indirect.scatter.add.f32 [tilespmem:s23], [sflag:$0x11], $0x80, s12, s11, $0xb8;
	[tilespmem:$0x1F700] =	vst v63  }
0xcc: {  	_ =	swait.ge [sflag:s15], $0x1400  }
0xcd: {  	[sflag:s15] =	ssyncset.done $0x0  }
0xce: {  	[sflag:s15] =	ssyncadd.s32 $0xFFFFEC00  }
0xcf: {  	_ =	swait.ge [sflag:s26], $0x28  }
0xd0: {  	[sflag:s26] =	ssyncset.done $0x0  }
0xd1: {  	s20 =	simm.s32 $0x2900;
	s21 =	simm.s32 $0x6700;
	[sflag:s26] =	ssyncadd.s32 $0xFFFFFFD8  }
0xd2: {  	[spmem:s2] =	stream.indirect.scatter.add.f32 [tilespmem:s21], [sflag:$0x12], $0x80, s20, s11, $0xb8;
	[tilespmem:$0x1F700] =	vst v63  }
0xd3: {  	_ =	swait.ge [sflag:s31], $0x1400  }
0xd4: {  	[sflag:s31] =	ssyncset.done $0x0  }
0xd5: {  	[sflag:s31] =	ssyncadd.s32 $0xFFFFEC00  }
0xd6: {  	_ =	swait.ge [sflag:s5], $0x28  }
0xd7: {  	[sflag:s5] =	ssyncset.done $0x0  }
0xd8: {  	s13 =	simm.s32 @!p0 $0xD;
	[sflag:s5] =	ssyncadd.s32 $0xFFFFFFD8  }
0xd9: {  	[spmem:s2] =	stream.indirect.scatter.add.f32 [tilespmem:s25], [sflag:$0x13], $0x80, s24, s11, $0xb8;
	[tilespmem:$0x1F700] =	vst v63  }
0xda: {  	_ =	swait.ge @!p0 [sflag:s13], $0x1400  }
0xdb: {  	[sflag:s13] =	ssyncset.done @!p0 $0x0  }
0xdc: {  	[sflag:s13] =	ssyncadd.s32 @!p0 $0xFFFFEC00;
	s13 =	simm.s32 @!p0 $0x6  }
0xdd: {  	_ =	swait.ge @!p0 [sflag:s13], $0x28  }
0xde: {  	s18 =	simm.s32 @!p0 $0x8F00;
	[sflag:s13] =	ssyncset.done @!p0 $0x0  }
0xdf: {  	s14 =	simm.s32 @!p0 $0x2A00;
	[sflag:s13] =	ssyncadd.s32 @!p0 $0xFFFFFFD8;
	s13 =	simm.s32 @!p0 $0x28  }
0xe0: {  	[spmem:s2] =	stream.indirect.scatter.add.f32 @!p0 [tilespmem:s18], [sflag:$0x14], $0x80, s14, s13, $0xb8;
	[tilespmem:$0x1F700] =	vst v63  }
0xe1: {  	s14 =	simm.s32 @!p0 $0xE  }
0xe2: {  	_ =	swait.ge @!p0 [sflag:s14], $0x1400  }
0xe3: {  	[sflag:s14] =	ssyncset.done @!p0 $0x0  }
0xe4: {  	[sflag:s14] =	ssyncadd.s32 @!p0 $0xFFFFEC00;
	s14 =	simm.s32 @!p0 $0x7  }
0xe5: {  	_ =	swait.ge @!p0 [sflag:s14], $0x28  }
0xe6: {  	s30 =	sadd.s32 $0x23, s30;
	[sflag:s14] =	ssyncset.done @!p0 $0x0  }
0xe7: {  	s18 =	simm.s32 @!p0 $0xA300;
	[sflag:s14] =	ssyncadd.s32 @!p0 $0xFFFFFFD8;
	s14 =	simm.s32 @!p0 $0x2A80  }
0xe8: {  	[spmem:s2] =	stream.indirect.scatter.add.f32 @!p0 [tilespmem:s18], [sflag:$0x15], $0x80, s14, s13, $0xb8;
	[tilespmem:$0x1F700] =	vst v63  }
0xe9: {  	p0 =	sne.s32 s30, $0x4EC  }
.Ltmp4:
0xea: {  	_ = 	snop;
	(pc) =	sbr.rel @!p0 .LBB2_11-.Ltmp4, $2  }
0xeb: {  	_ =	sdelay $0x2  }
0xec: {  	s17 =	sadd.s32 $0x118, s17  }
.LBB2_4:
0xed: {  	p0 =	seq.s32 s30, $0x0  }
0xee: {  	s13 =	simm.s32 @!p0 $0xF  }
0xef: {  	_ =	swait.ge @!p0 [sflag:s13], $0x1400  }
0xf0: {  	[sflag:s13] =	ssyncset.done @!p0 $0x0  }
0xf1: {  	s19 =	sadd.s32 s30, s22;
	[sflag:s13] =	ssyncadd.s32 @!p0 $0xFFFFEC00  }
0xf2: {  	[tilespmem:s10], [sflag:$0x1] =	stream.linear.gather [hbm4b:s19+s3], $0x28, $0x38;
	[tilespmem:$0x1F700] =	vst v63  }
0xf3: {  	s20 =	sadd.s32 $0xFFFFFF10, s17  }
0xf4: {  	[tilespmem:s7], [sflag:$0x8] =	stream.indirect.gather [hbm4b:s4+s11], $0x80, s20, s11, $0xb8;
	[tilespmem:$0x1F700] =	vst v63  }
0xf5: {  	s14 =	simm.s32 @p0 $0x2800;
	s18 =	rddreg [dreg:$0xb];
	s13 =	simm.s32 @p0 $0x0  }
0xf6: {  	[tilespmem:s14], [sflag:$0x2] =	stream.linear.gather @p0 [hbm4b:s18+s13], $0x28, $0x38;
	[tilespmem:$0x1F700] =	vst v63  }
0xf7: {  	s14 =	simm.s32 @p0 $0x28;
	s18 =	simm.s32 @p0 $0x3F00  }
0xf8: {  	[tilespmem:s18], [sflag:$0x9] =	stream.indirect.gather @p0 [hbm4b:s4+s14], $0x80, s14, s14, $0xb8;
	[tilespmem:$0x1F700] =	vst v63  }
0xf9: {  	s18 =	simm.s32 @!p0 $0x10  }
0xfa: {  	_ =	swait.ge @!p0 [sflag:s18], $0x1400  }
0xfb: {  	[sflag:s18] =	ssyncset.done @!p0 $0x0  }
0xfc: {  	[sflag:s18] =	ssyncadd.s32 @!p0 $0xFFFFEC00;
	s18 =	rddreg [dreg:$0x13]  }
0xfd: {  	s19 =	simm.s32 @!p0 $0x0;
	s20 =	simm.s32 @!p0 $0x2800;
	s18 =	sadd.s32 @!p0 s30, s18  }
0xfe: {  	[tilespmem:s20], [sflag:$0x2] =	stream.linear.gather @!p0 [hbm4b:s18+s19], $0x28, $0x38;
	[tilespmem:$0x1F700] =	vst v63  }
0xff: {  	s21 =	simm.s32 @!p0 $0x3F00;
	s18 =	sadd.s32 @!p0 $0xFFFFFF38, s17;
	s20 =	simm.s32 @!p0 $0x28  }
0x100: {  	[tilespmem:s21], [sflag:$0x9] =	stream.indirect.gather @!p0 [hbm4b:s4+s20], $0x80, s18, s20, $0xb8;
	[tilespmem:$0x1F700] =	vst v63  }
0x101: {  	s18 =	simm.s32 @!p0 $0x11  }
0x102: {  	_ =	swait.ge @!p0 [sflag:s18], $0x1400  }
0x103: {  	[sflag:s18] =	ssyncset.done @!p0 $0x0;
	s21 =	rddreg [dreg:$0x12]  }
0x104: {  	[sflag:s18] =	ssyncadd.s32 @!p0 $0xFFFFEC00;
	s18 =	sadd.s32 s30, s21  }
0x105: {  	[tilespmem:s12], [sflag:$0x3] =	stream.linear.gather [hbm4b:s18+s3], $0x28, $0x38;
	[tilespmem:$0x1F700] =	vst v63  }
0x106: {  	s21 =	sadd.s32 $0xFFFFFF60, s17  }
0x107: {  	[tilespmem:s23], [sflag:$0xA] =	stream.indirect.gather [hbm4b:s4+s11], $0x80, s21, s11, $0xb8;
	[tilespmem:$0x1F700] =	vst v63  }
0x108: {  	s18 =	simm.s32 @p0 $0x2900;
	s21 =	rddreg [dreg:$0xc]  }
0x109: {  	[tilespmem:s18], [sflag:$0x4] =	stream.linear.gather @p0 [hbm4b:s21+s13], $0x28, $0x38;
	[tilespmem:$0x1F700] =	vst v63  }
0x10a: {  	s13 =	simm.s32 @p0 $0x78;
	s18 =	simm.s32 @p0 $0x6700  }
0x10b: {  	[tilespmem:s18], [sflag:$0xB] =	stream.indirect.gather @p0 [hbm4b:s4+s14], $0x80, s13, s14, $0xb8;
	[tilespmem:$0x1F700] =	vst v63  }
0x10c: {  	s13 =	simm.s32 @!p0 $0x12  }
0x10d: {  	_ =	swait.ge @!p0 [sflag:s13], $0x1400  }
0x10e: {  	[sflag:s13] =	ssyncset.done @!p0 $0x0  }
0x10f: {  	[sflag:s13] =	ssyncadd.s32 @!p0 $0xFFFFEC00;
	s13 =	rddreg [dreg:$0x11]  }
0x110: {  	s14 =	simm.s32 @!p0 $0x2900;
	s13 =	sadd.s32 @!p0 s30, s13  }
0x111: {  	[tilespmem:s14], [sflag:$0x4] =	stream.linear.gather @!p0 [hbm4b:s13+s19], $0x28, $0x38;
	[tilespmem:$0x1F700] =	vst v63  }
0x112: {  	s13 =	sadd.s32 @!p0 $0xFFFFFF88, s17;
	s14 =	simm.s32 @!p0 $0x6700  }
0x113: {  	[tilespmem:s14], [sflag:$0xB] =	stream.indirect.gather @!p0 [hbm4b:s4+s20], $0x80, s13, s20, $0xb8;
	[tilespmem:$0x1F700] =	vst v63  }
0x114: {  	s13 =	simm.s32 @!p0 $0x13  }
0x115: {  	_ =	swait.ge @!p0 [sflag:s13], $0x1400  }
.Ltmp5:
0x116: {  	[sflag:s13] =	ssyncset.done @!p0 $0x0;
	s20 =	rddreg [dreg:$0x10];
	(pc) =	sbr.rel @p0 .LBB2_8-.Ltmp5, $4  }
0x117: {  	[sflag:s13] =	ssyncadd.s32 @!p0 $0xFFFFEC00;
	s13 =	sadd.s32 s30, s20  }
0x118: {  	[tilespmem:s24], [sflag:$0x5] =	stream.linear.gather [hbm4b:s13+s3], $0x28, $0x38;
	[tilespmem:$0x1F700] =	vst v63  }
0x119: {  	s21 =	sadd.s32 $0xFFFFFFB0, s17  }
0x11a: {  	[tilespmem:s25], [sflag:$0xC] =	stream.indirect.gather [hbm4b:s4+s11], $0x80, s21, s11, $0xb8;
	[tilespmem:$0x1F700] =	vst v63  }
0x11b: {  	p0 =	sne.s32 s30, $0x4C9  }
.Ltmp6:
0x11c: {  	_ = 	snop;
	(pc) =	sbr.rel @p0 .LBB2_7-.Ltmp6, $4  }
0x11d: {  	_ = 	snop  }
0x11e: {  	_ =	swait.ge [sflag:s6], $0x1400  }
0x11f: {  	[sflag:s6] =	ssyncset.done $0x0  }
0x120: {  	[sflag:s6] =	ssyncadd.s32 $0xFFFFEC00  }
.Ltmp7:
0x121: {  	(pc) =	sbr.rel .LBB2_10-.Ltmp7, $4  }
0x122: {  	_ = 	snop  }
0x123: {  	_ =	swait.ge [sflag:s29], $0x1400  }
0x124: {  	[sflag:s29] =	ssyncset.done $0x0  }
0x125: {  	p0 =	por $0x1, $0x1;
	[sflag:s29] =	ssyncadd.s32 $0xFFFFEC00  }
.LBB2_7:
0x126: {  	s13 =	rddreg [dreg:$0xe]  }
0x127: {  	s14 =	simm.s32 $0x2A00;
	s13 =	sadd.s32 s30, s13  }
0x128: {  	[tilespmem:s14], [sflag:$0x6] =	stream.linear.gather [hbm4b:s13+s3], $0x28, $0x38;
	[tilespmem:$0x1F700] =	vst v63  }
.Ltmp8:
0x129: {  	s20 =	sadd.s32 $0xFFFFFFD8, s17;
	s21 =	simm.s32 $0x8F00;
	(pc) =	sbr.rel .LBB2_9-.Ltmp8, $4  }
0x12a: {  	[tilespmem:s21], [sflag:$0xD] =	stream.indirect.gather [hbm4b:s4+s11], $0x80, s20, s11, $0xb8;
	[tilespmem:$0x1F700] =	vst v63  }
0x12b: {  	_ =	swait.ge [sflag:s29], $0x1400  }
0x12c: {  	[sflag:s29] =	ssyncset.done $0x0  }
0x12d: {  	[sflag:s29] =	ssyncadd.s32 $0xFFFFEC00  }
.LBB2_12:
0x12e: {  	_ =	sfence.sel $0x180000  }
0x12f: {  	[bflag:$0x0] =	sbarrier.arrive $0xFFFF  }
0x130: {  	_ =	strace $0x9000004D  }
0x131: {  	s0 =	stileid.u32;
	[bflag:$0x2] =	sbarrier.arrive $0xFFFF  }
0x132: {  	p0 =	sne.s32 s0, $0x0;
	s0 =	rddreg [dreg:$0x2]  }
0x133: {  	s0 =	sadd.s32 @!p0 $0x100000, s0  }
0x134: {  	[sflag:s0] =	ssyncadd.tile.s32 @!p0 $0x1;
	_ =	shalt  }
.Lfunc_end2:
_tile_overlayer_lowered:
.L_overlay_start_2:
0x135: {  	(tag) =	ssettag $0x2  }
0x136: {  	s0 =	rddreg [dreg:$0x0];
	s2 =	stileid.u32  }
0x137: {  	s1 =	rddreg [dreg:$0x1];
	p0 =	sne.s32 s2, $0x0  }
0x138: {  	s3 =	rddreg [dreg:$0x2];
	[bflag:$0x3] =	sbarrier.arrive $0xFFFF;
	s2 =	simm.s32 @!p0 $0x1C16  }
0x139: {  	[timem:s3], [sflag:s2] =	dma.local @!p0 [hbm:s0], s1  }
0x13a: {  	s0 =	simm.s32 @!p0 $0x16  }
0x13b: {  	_ =	swait.ge @!p0 [sflag:s0], s1  }
0x13c: {  	s1 =	ssub.s32 @!p0 $0x0, s1;
	[sflag:s0] =	ssyncset.done @!p0 $0x0  }
0x13d: {  	[sflag:s0] =	ssyncadd.s32 @!p0 s1  }
0x13e: {  	[bflag:$0x3] =	sbarrier.arrive $0xFFFF  }
0x13f: {  	_ =	shalt  }

// kernel: kernel.8.cloned.1.call-start
scs
__scs_entry_jumppad:
0x0: {  	(pc) =	sbr.rel $0x88, $3  }
0x1: {  	(tag) =	ssettag $0x0;
	lr =	simm.s32 $0x1  }
0x2: {  	[smem:$0x3F9A] =	sst lr;
	_ =	strace $0xD0000000  }
0x3: {  	_ = 	snop  }
0x4: {  	_ = 	snop  }
0x5: {  	_ = 	snop  }
0x6: {  	_ = 	snop  }
0x7: {  	_ = 	snop  }
__scs_overlays_trampoline_lowered:
0x8: {  	[smem:$0x3FA9] =	sst s0  }
0x9: {  	[smem:$0x3FAA] =	sst s1  }
0xa: {  	[smem:$0x3FAB] =	sst s2  }
0xb: {  	[smem:$0x3FAC] =	sst s3  }
0xc: {  	[smem:$0x3FAD] =	sst s4  }
0xd: {  	[smem:$0x3FAE] =	sst s5  }
0xe: {  	[smem:$0x3FAF] =	sst s6  }
0xf: {  	[smem:$0x3FB0] =	sst s7  }
0x10: {  	[smem:$0x3FB1] =	sst s8  }
0x11: {  	[smem:$0x3FB2] =	sst s9;
	s0 =	simm.s32 @!p0 $0x0  }
0x12: {  	s1 =	sld [smem:$0x3F98];
	s0 =	simm.s32 @p0 $0x1  }
0x13: {  	[smem:$0x3FB3] =	sst s0;
	s0 =	simm.s32 @!p1 $0x0  }
0x14: {  	s2 =	sld [smem:$0x3F97];
	s0 =	simm.s32 @p1 $0x1  }
0x15: {  	[smem:$0x3FB4] =	sst s0;
	s0 =	simm.s32 @!p2 $0x0  }
0x16: {  	s3 =	sld [smem:$0x3FDB];
	s0 =	simm.s32 @p2 $0x1  }
0x17: {  	s4 =	simm.s32 $0x1BF5;
	[smem:$0x3FB6] =	sst s0  }
0x18: {  	s0 =	sld [smem:$0x3F99];
	_ =	swait.ge [sflag:s4], $0x0  }
0x19: {  	s7 =	sld [smem:$0x3F9A]  }
0x1a: {  	s8 =	sadd.s32 $0xFFFFE003, lr  }
0x1b: {  	s9 =	sadd.s32 $0xFFFFFEF7, lr;
	s5 =	simm.s32 $0xFFFFFFFF;
	p2 =	slt.u32 s8, $0xFFFFF086  }
0x1c: {  	p1 =	slt.u32 s9, $0xF7A;
	s5 =	simm.s32 @!p2 $0x0  }
0x1d: {  	s5 =	simm.s32 @p1 $0x1;
	p0 =	seq.s32 s7, s2  }
0x1e: {  	s7 =	smul.u32 @!p0 $0xF7A, s2;
	p2 =	seq.s32 @!p0 s5, $0x0  }
0x1f: {  	s9 =	smul.u32 $0xF7A, s1;
	s8 =	simm.s32 @!p0 $0x1BF5;
	p2 =	por !p2, p0  }
0x20: {  	[sflag:s8] =	ssyncset.s32 @!p0 $0xFFFFF086;
	s6 =	sadd.s32 @!p0 s3, s7;
	s7 =	simm.s32 @!p0 $0x108  }
0x21: {  	s3 =	sadd.s32 s3, s9;
	s6 =	sadd.s32 @!p0 $0x88, s6;
	s7 =	simm.s32 @p2 $0x1082  }
0x22: {  	[simem:s7], [sflag:s8] =	dma.local @!p0 [hbm:s6], $0xF7A  }
0x23: {  	s9 =	sor.u32 $0xD0000000, s2;
	s6 =	simm.s32 $0x108;
	_ =	swait.ge @!p0 [sflag:s8], $0x0  }
0x24: {  	s3 =	sadd.s32 $0x88, s3;
	s6 =	simm.s32 @!p1 $0x1082;
	[sflag:s4] =	ssyncset.s32 $0xFFFFF086  }
0x25: {  	[simem:s6], [sflag:s4] =	dma.local [hbm:s3], $0xF7A  }
0x26: {  	[smem:$0x3F9A] =	sst s1;
	(tag) =	ssettag s2;
	_ =	strace s9  }
0x27: {  	s1 =	sld [smem:$0x3FAA]  }
0x28: {  	s2 =	sld [smem:$0x3FAB]  }
0x29: {  	s4 =	sld [smem:$0x3FAD]  }
0x2a: {  	p0 =	seq.s32 s5, $0x0;
	s5 =	sld [smem:$0x3FAE]  }
0x2b: {  	s6 =	sld [smem:$0x3FAF]  }
0x2c: {  	s7 =	sld [smem:$0x3FB0]  }
0x2d: {  	s3 =	simm.s32 $0x108;
	s8 =	sld [smem:$0x3FB1]  }
0x2e: {  	s3 =	simm.s32 @!p0 $0x1082;
	s9 =	sld [smem:$0x3FB2]  }
0x2f: {  	lr =	sadd.s32 s0, s3;
	s0 =	sld [smem:$0x3FA9]  }
0x30: {  	s3 =	sld [smem:$0x3FAC]  }
0x31: {  	[smem:$0x3FB5] =	sst s10  }
0x32: {  	s10 =	sld [smem:$0x3FB3];
	_ =	sdelay $0x3  }
0x33: {  	p0 =	seq.s32 s10, $0x1;
	s10 =	sld [smem:$0x3FB5];
	_ =	sdelay $0x3  }
0x34: {  	[smem:$0x3FB5] =	sst s10  }
0x35: {  	s10 =	sld [smem:$0x3FB4];
	_ =	sdelay $0x3  }
0x36: {  	p1 =	seq.s32 s10, $0x1;
	s10 =	sld [smem:$0x3FB5];
	_ =	sdelay $0x3  }
0x37: {  	[smem:$0x3FB5] =	sst s10  }
0x38: {  	s10 =	sld [smem:$0x3FB6]  }
0x39: {  	_ = 	snop;
	(pc) =	sbr.ind lr, $3  }
0x3a: {  	_ = 	snop  }
0x3b: {  	_ = 	snop  }
0x3c: {  	p2 =	seq.s32 s10, $0x1;
	s10 =	sld [smem:$0x3FB5]  }
0x3d: {  	_ =	shalt  }
0x3e: {  	_ =	shalt  }
0x3f: {  	_ =	shalt  }
0x40: {  	_ =	shalt  }
0x41: {  	_ =	shalt  }
0x42: {  	_ =	shalt  }
0x43: {  	_ =	shalt  }
0x44: {  	_ =	shalt  }
0x45: {  	_ =	shalt  }
0x46: {  	_ =	shalt  }
0x47: {  	_ =	shalt  }
0x48: {  	_ =	shalt  }
0x49: {  	_ =	shalt  }
0x4a: {  	_ =	shalt  }
0x4b: {  	_ =	shalt  }
0x4c: {  	_ =	shalt  }
0x4d: {  	_ =	shalt  }
0x4e: {  	_ =	shalt  }
0x4f: {  	_ =	shalt  }
0x50: {  	_ =	shalt  }
0x51: {  	_ =	shalt  }
0x52: {  	_ =	shalt  }
0x53: {  	_ =	shalt  }
0x54: {  	_ =	shalt  }
0x55: {  	_ =	shalt  }
0x56: {  	_ =	shalt  }
0x57: {  	_ =	shalt  }
0x58: {  	_ =	shalt  }
0x59: {  	_ =	shalt  }
0x5a: {  	_ =	shalt  }
0x5b: {  	_ =	shalt  }
0x5c: {  	_ =	shalt  }
0x5d: {  	_ =	shalt  }
0x5e: {  	_ =	shalt  }
0x5f: {  	_ =	shalt  }
0x60: {  	_ =	shalt  }
0x61: {  	_ =	shalt  }
0x62: {  	_ =	shalt  }
0x63: {  	_ =	shalt  }
0x64: {  	_ =	shalt  }
0x65: {  	_ =	shalt  }
0x66: {  	_ =	shalt  }
0x67: {  	_ =	shalt  }
0x68: {  	_ =	shalt  }
0x69: {  	_ =	shalt  }
0x6a: {  	_ =	shalt  }
0x6b: {  	_ =	shalt  }
0x6c: {  	_ =	shalt  }
0x6d: {  	_ =	shalt  }
0x6e: {  	_ =	shalt  }
0x6f: {  	_ =	shalt  }
0x70: {  	_ =	shalt  }
0x71: {  	_ =	shalt  }
0x72: {  	_ =	shalt  }
0x73: {  	_ =	shalt  }
0x74: {  	_ =	shalt  }
0x75: {  	_ =	shalt  }
0x76: {  	_ =	shalt  }
0x77: {  	_ =	shalt  }
0x78: {  	_ =	shalt  }
0x79: {  	_ =	shalt  }
0x7a: {  	_ =	shalt  }
0x7b: {  	_ =	shalt  }
0x7c: {  	_ =	shalt  }
0x7d: {  	_ =	shalt  }
0x7e: {  	_ =	shalt  }
0x7f: {  	_ =	shalt  }
0x80: {  	_ =	shalt  }
0x81: {  	_ =	shalt  }
0x82: {  	_ =	shalt  }
0x83: {  	_ =	shalt  }
0x84: {  	_ =	shalt  }
0x85: {  	_ =	shalt  }
0x86: {  	_ =	shalt  }
0x87: {  	_ =	shalt  }
.Lfunc_end0:
.L_simem_size_0:
called_computation_lowered:
.L_overlay_start_0:
0x88: {  	s2 =	sld [smem:$0x3FD9]  }
0x89: {  	s3 =	sld [smem:$0x3FFE];
	_ =	sdelay $0x1  }
0x8a: {  	s1 =	srdreg.scid  }
0x8b: {  	s0 =	sand.u32 $0x1, s1  }
0x8c: {  	s16 =	sshll.u32 s0, $0xA;
	s2 =	sadd.s32 s3, s2  }
0x8d: {  	s2 =	sadd.s32 s2, s16  }
0x8e: {  	[smem:$0x3FC1] =	sst s2  }
0x8f: {  	_ = 	snop  }
0x90: {  	(tm) =	ssettm $0x1  }
0x91: {  	s17 =	sld [smem:$0x3FFB];
	_ =	sdelay $0x3  }
0x92: {  	_ =	strace s17  }
0x93: {  	s2 =	sld [smem:$0x3FFC];
	_ =	sdelay $0x3  }
0x94: {  	_ =	strace s2  }
0x95: {  	s2 =	sld [smem:$0x3FFD];
	_ =	sdelay $0x3  }
0x96: {  	_ =	strace s2  }
0x97: {  	_ =	strace $0x8FFFFFFF  }
0x98: {  	s18 =	sld [smem:$0x3FDB];
	_ =	sdelay $0x1  }
0x99: {  	s19 =	simm.s32 $_scs_section_size  }
0x9a: {  	s4 =	simm.s32 $_size__tile_overlayer_lowered;
	s5 =	simm.s32 $_tile_overlayer_lowered  }
0x9b: {  	s22 =	simm.s32 $0x1BFF;
	s21 =	sshll.u32 s5, $0x1;
	s2 =	sadd.s32 s19, s18  }
0x9c: {  	s6 =	simm.s32 $0x0;
	s20 =	sshll.u32 s4, $0x1;
	s4 =	sadd.s32 s21, s2  }
0x9d: {  	[timem:s6], [sflag:s22] =	dma.local [hbm:s4], s20  }
0x9e: {  	_ =	swait.ge [sflag:s22], s20  }
0x9f: {  	s3 =	ssub.s32 $0x0, s20;
	[sflag:s22] =	ssyncset.done $0x0  }
0xa0: {  	[sflag:s22] =	ssyncadd.s32 s3;
	_ =	sdelay $0x1  }
0xa1: {  	s23 =	simm.s32 $0x1B8B  }
0xa2: {  	_ =	swait.ge [sflag:s23], $0x1  }
0xa3: {  	[sflag:s23] =	ssyncset.done $0x0  }
0xa4: {  	s25 =	simm.s32 $0x1B8E;
	s24 =	sld [smem:$0x3FFE];
	[sflag:s23] =	ssyncadd.s32 $0xFFFFFFFF  }
0xa5: {  	s26 =	simm.s32 $execute0_lowered;
	[smem:$0x3FD2] =	sst s25  }
0xa6: {  	s4 =	sshll.u32 s26, $0x1;
	_ =	strace $0x80000046;
	[dreg:$0x1] =	wrdreg $0xFFFFFFFF  }
0xa7: {  	s28 =	simm.s32 $_size_execute0_lowered;
	s2 =	sadd.s32 s2, s4;
	[dreg:$0x0] =	wrdreg $0x0  }
0xa8: {  	s4 =	sshll.u32 s28, $0x1;
	[dreg:$0x2] =	wrdreg s2  }
0xa9: {  	[dreg:$0x3] =	wrdreg s4  }
0xaa: {  	[dreg:$0x4] =	wrdreg $0xC0  }
0xab: {  	_ =	task [dreg:s6], $0x5FFFF  }
0xac: {  	[dreg:$0x1] =	wrdreg $0xFFFFFFFF  }
0xad: {  	[dreg:$0x0] =	wrdreg $0x60  }
0xae: {  	[dreg:$0x2] =	wrdreg s24  }
0xaf: {  	[dreg:$0x3] =	wrdreg $0x9  }
0xb0: {  	_ =	task.clear_ibuf [dreg:s6], $0x4FFFF;
	_ =	strace $0x90000046  }
0xb1: {  	s29 =	simm.s32 $0x9;
	_ =	strace $0x80000048  }
0xb2: {  	_ =	swait.ge [sflag:s29], $0x1  }
0xb3: {  	[sflag:s29] =	ssyncadd.s32 $0xFFFFFFFF  }
0xb4: {  	_ =	strace $0x90000048  }
0xb5: {  	_ =	sfence  }
0xb6: {  	s30 =	sld [smem:$0x0];
	_ =	sdelay $0x2  }
0xb7: {  	s31 =	sshll.u32 s1, $0xD;
	s1 =	sshrl.u32 s1, $0x2  }
0xb8: {  	s3 =	sand.u32 $0x4000, s31;
	s1 =	sadd.s32 s1, s30  }
0xb9: {  	s0 =	sor.u32 s3, s0;
	s1 =	sshll.u32 s1, $0x11  }
0xba: {  	s0 =	sor.u32 s1, s0  }
0xbb: {  	s0 =	sadd.s32 $0x8F2B, s0  }
0xbc: {  	[sflag:s0] =	ssyncadd.remote.s32 $0x1  }
0xbd: {  	_ =	sfence.sel $0xFFFF  }
0xbe: {  	[dreg:$0x0] =	wrdreg $0xFFFFFFFF;
	(pc) =	sbr.abs _section_cstart, $3  }
0xbf: {  	[dreg:$0x1] =	wrdreg $0xFFFFFFFF  }
0xc0: {  	_ =	task.clear_ibuf [dreg:s6], $0x2FFFF;
	_ =	strace $0x9FFFFFFF  }
0xc1: {  	(tm) =	ssettm $0x7FFFFFFF  }
tec
execute0_lowered:
.L_overlay_start_1:
0x0: {  	(tag) =	ssettag $0x1  }
0x1: {  	s0 =	srdreg.scid  }
0x2: {  	s3 =	sand.u32 $0x1, s0  }
0x3: {  	s4 =	rddreg [dreg:$0x0];
	s0 =	stileid.u32;
	s1 =	sshll.u32 s3, $0x4  }
0x4: {  	s2 =	simm.s32 $0x0;
	s8 =	simm.s32 $0x80;
	s5 =	sor.u32 s0, s1  }
0x5: {  	s9 =	simm.s32 $0x400;
	[smem:$0x7FF] =	sst s2;
	s6 =	sshrl.u32 s5, $0x3  }
0x6: {  	s7 =	sshll.u32 s0, $0x7;
	s3 =	ssub.s32 $0x2, s3;
	s6 =	smul.u32 $0x13C00, s6  }
0x7: {  	s1 =	rddreg [dreg:$0x1];
	s7 =	sand.u32 $0x380, s7;
	s5 =	smul.u32 $0x4E2, s5  }
0x8: {  	_ =	strace $0x80000047;
	s30 =	sshrl.u32 s3, $0x1;
	s6 =	sor.u32 s7, s6  }
0x9: {  	s31 =	ssub.s32 s3, s30;
	s5 =	sadd.s32 s5, s4;
	s6 =	sshrl.u32 s6, $0x3  }
0xa: {  	s3 =	sadd.s32 $0xC400, s5;
	s5 =	smax.u32 s31, $0x1;
	s4 =	sadd.s32 s6, s4  }
0xb: {  	v0 =	vimm.f32 $0.0e+00;
	v1 =	vimm.f32 $1.000000000e+00;
	s7 =	simm.s32 $0x2780;
	s6 =	simm.s32 $0x1;
	s4 =	sadd.s32 $0x16200, s4  }
.LBB2_1:
0xc: {  	s10 =	simm.s32 $0x40;
	s11 =	simm.s32 $0x0  }
.LBB2_2:
0xd: {  	p0 =	sne.s32 s10, $0x9C00;
	[tilespmem:s11+$0x2780] =	vst v0;
	s11 =	smov.u32 s10;
	s10 =	sadd.s32 $0x40, s10  }
.Ltmp0:
0xe: {  	(pc) =	sbr.rel @p0 .LBB2_2-.Ltmp0, $2  }
0xf: {  	_ =	sdelay $0x2  }
0x10: {  	s11 =	sshra.s32 s11, $0x2  }
0x11: {  	[tilespmem:s11+$0x2780] =	vst v0;
	s10 =	simm.s32 $0x0  }
0x12: {  	[tilespmem:s10], [sflag:$0x1] =	stream.linear.gather [hbm4b:s3+s10], $0x2710, $0x38;
	[tilespmem:$0x4F00] =	vst v63  }
0x13: {  	_ =	swait.ge [sflag:s6], $0x2710  }
0x14: {  	[sflag:s6] =	ssyncset.done $0x0  }
0x15: {  	s11 =	simm.s32 $0x0;
	s10 =	simm.s32 $0x40;
	[sflag:s6] =	ssyncadd.s32 $0xFFFFD8F0  }
.LBB2_4:
0x16: {  	p0 =	sne.s32 s10, $0x9C00;
	v2 =	vld [tilespmem:s11+$0x0];
	_ =	sdelay $0x3  }
.Ltmp1:
0x17: {  	(pc) =	sbr.rel @p0 .LBB2_4-.Ltmp1, $2  }
0x18: {  	_ =	sdelay $0x2  }
0x19: {  	s11 =	sshra.s32 s10, $0x2;
	s10 =	sadd.s32 $0x40, s10;
	[tilespmem:v2+s7+$0x0] =	vst.idx.add.f32.msk $0xffff, v1  }
0x1a: {  	v2 =	vld [tilespmem:s11+$0x0];
	_ =	sdelay $0x5  }
0x1b: {  	s2 =	sadd.s32 $0x1, s2  }
0x1c: {  	p0 =	sne.s32 s2, s5  }
.Ltmp2:
0x1d: {  	[tilespmem:v2+s7+$0x0] =	vst.idx.add.f32.msk $0xffff, v1;
	(pc) =	sbr.rel @p0 .LBB2_1-.Ltmp2, $4  }
0x1e: {  	[hbm4b:s4+s8] =	stream.strided.scatter [tilespmem:s7], [sflag:$0x1], $0x2780, s9, s8, $0x38;
	[tilespmem:$0x4F00] =	vst v63  }
0x1f: {  	_ =	swait.ge [sflag:s6], $0x2780  }
0x20: {  	[sflag:s6] =	ssyncset.done $0x0  }
0x21: {  	[sflag:s6] =	ssyncadd.s32 $0xFFFFD880  }
0x22: {  	_ =	sfence.sel $0x180000  }
0x23: {  	[bflag:$0x0] =	sbarrier.arrive $0xFFFF  }
0x24: {  	p0 =	sne.s32 s0, $0x0;
	_ =	strace $0x90000047  }
0x25: {  	s0 =	sadd.s32 @!p0 $0x100000, s1;
	[bflag:$0x2] =	sbarrier.arrive $0xFFFF  }
0x26: {  	[sflag:s0] =	ssyncadd.tile.s32 @!p0 $0x1;
	_ =	shalt  }
.Lfunc_end2:
_tile_overlayer_lowered:
.L_overlay_start_2:
0x27: {  	(tag) =	ssettag $0x2  }
0x28: {  	s0 =	rddreg [dreg:$0x0];
	s2 =	stileid.u32  }
0x29: {  	s1 =	rddreg [dreg:$0x1];
	p0 =	sne.s32 s2, $0x0  }
0x2a: {  	s3 =	rddreg [dreg:$0x2];
	[bflag:$0x3] =	sbarrier.arrive $0xFFFF;
	s2 =	simm.s32 @!p0 $0x1C01  }
0x2b: {  	[timem:s3], [sflag:s2] =	dma.local @!p0 [hbm:s0], s1  }
0x2c: {  	s0 =	simm.s32 @!p0 $0x1  }
0x2d: {  	_ =	swait.ge @!p0 [sflag:s0], s1  }
0x2e: {  	s1 =	ssub.s32 @!p0 $0x0, s1;
	[sflag:s0] =	ssyncset.done @!p0 $0x0  }
0x2f: {  	[sflag:s0] =	ssyncadd.s32 @!p0 s1  }
0x30: {  	[bflag:$0x3] =	sbarrier.arrive $0xFFFF  }
0x31: {  	_ =	shalt  }

</sc_bundles>
